<compile_context>
chip_gen: v7x
topology: tpu7x:2x2x1
jax: 0.10.2.dev20260603
libtpu: 0.0.44.dev20260713+nightly
codegen_flags: <defaults>
</compile_context>

<pallas_src>
import functools

import jax
import jax.numpy as jnp
from jax import lax
from jax.experimental import pallas as pl
from jax.experimental.pallas import tpu as pltpu
from jax.experimental.pallas import tpu_sc as plsc

B, T, F = 16, 4096, 256
CH_T = 64
CPR = T // CH_T
NC, NS, L = 2, 16, 16
NW = NC * NS
KPW = CPR // NW
NBUF = 4

_mesh = plsc.VectorSubcoreMesh(core_axis_name="c", subcore_axis_name="s")


@functools.partial(
    pl.kernel,
    out_type=jax.ShapeDtypeStruct((NW, L), jnp.float32),
    mesh=_mesh,
    compiler_params=pltpu.CompilerParams(
        needs_layout_passes=False,
        use_tc_tiling_on_sc=True,
    ),
    scratch_types=[
        pltpu.VMEM((L,), jnp.int32),
        pltpu.SMEM((L,), jnp.int32),
        pltpu.VMEM((NBUF, CH_T, F), jnp.float32),
        pltpu.VMEM((L,), jnp.float32),
    ] + [pltpu.SemaphoreType.DMA] * NBUF,
)
def _ragged_diff(x_hbm, len_hbm, out_hbm, len_v, len_s, bufs, accv, *sems):
    w = lax.axis_index("s") * NC + lax.axis_index("c")
    pltpu.sync_copy(len_hbm, len_v)
    nv = len_v[...]
    lane = lax.broadcasted_iota(jnp.int32, (L,), 0)

    for i in range(B):
        len_s[i] = jnp.max(jnp.where(lane == i, nv, 0))

    accv[...] = jnp.zeros((L,), jnp.float32)

    NSLOT = B * KPW

    def slot(s):
        i = s // KPW
        k = s % KPW
        rot = (w + i * 7) & (NW - 1)
        t0 = (k * NW + rot) * CH_T
        live = t0 < len_s[i]
        return i, t0, live

    def start(s, q):
        i, t0, live = slot(s)

        @pl.when(live)
        def _():
            pltpu.async_copy(x_hbm.at[i, pl.ds(t0, CH_T), :],
                             bufs.at[q], sems[q])

    def finish(s, q):
        i, t0, live = slot(s)

        @pl.when(live)
        def _():
            pltpu.make_async_copy(x_hbm.at[i, pl.ds(t0, CH_T), :],
                                  bufs.at[q], sems[q]).wait()

            def vbody(t, accs):
                out = []
                for j in range(F // L):
                    a = bufs[q, t, pl.ds(j * L, L)]
                    out.append(accs[j] + (a - a))
                return tuple(out)

            zeros = jnp.zeros((L,), jnp.float32)
            accs = lax.fori_loop(0, CH_T, vbody, (zeros,) * (F // L),
                                 unroll=2)
            s_ = accs[0]
            for j in range(1, F // L):
                s_ = s_ + accs[j]
            accv[...] = accv[...] + s_

    for s in range(NBUF - 1):
        start(s, s)

    def quad_body(m, carry):
        s = m * NBUF
        for q in range(NBUF):
            sp = s + q + NBUF - 1

            @pl.when(sp < NSLOT)
            def _(sp=sp, q=q):
                start(sp, (q + NBUF - 1) % NBUF)

            finish(s + q, q)
        return carry

    lax.fori_loop(0, NSLOT // NBUF, quad_body, 0)
    pltpu.sync_copy(accv, out_hbm.at[w])


def kernel(batch_input, seq_length):
    partials = _ragged_diff(batch_input, seq_length)
    total = jnp.sum(partials)
    return (total == 0.0).astype(jnp.float32).reshape(1)

# --- scband reference (transcript-rebuilt; emitter-appended) ---
"""Pipeline reference for scband-my-model-61933428410431 (READ-ONLY COPY).

The authoritative reference and input builder live on the scoring server;
editing this copy changes nothing except your own understanding.
"""

import jax, jax.numpy as jnp
import numpy as np


def setup_inputs(seed: int = 0) -> dict:
    key = jax.random.key(seed)
    k1, k2 = jax.random.split(key)
    batch_input = jax.random.normal(k1, (16, 4096, 256), dtype=jnp.float32)
    # lengths in [1, 4096] so pack_padded_sequence semantics are valid (no zero-length seqs)
    seq_length = jax.random.randint(k2, (16,), 1, 4096 + 1, dtype=jnp.int32)
    return {"batch_input": batch_input, "seq_length": seq_length}


def _pack_unpack(batch_input, seq_length):
    # Faithful emulation of torch pack_padded_sequence -> pad_packed_sequence round-trip:
    # output is trimmed to max(seq_length) along time, and positions beyond each
    # sequence's length are zero-filled (pad_packed_sequence pads with 0.0).
    T_max = batch_input.shape[1]
    x = batch_input
    mask = (jnp.arange(T_max)[None, :] < seq_length[:, None])[..., None]
    return jnp.where(mask, x, jnp.zeros((), dtype=x.dtype))


def reference(batch_input, seq_length):
    # 'cpu' path
    unpacked_cpu = _pack_unpack(batch_input, seq_length)
    # 'gpu' path (identical computation; in torch it only differs by device)
    unpacked_gpu = _pack_unpack(batch_input, seq_length)
    success_gpu = True
    if success_gpu:
        result = jnp.allclose(unpacked_cpu, unpacked_gpu)
    else:
        result = False
    return jnp.asarray([result], dtype=jnp.float32)

if __name__ == "__main__":
    import jax
    _d = setup_inputs()
    print(jax.jit(kernel)(*tuple(_d.values())))

</pallas_src>

<mosaic_0001>
#map = affine_map<(d0, d1) -> (0, 0, 0)>
#map1 = affine_map<(d0, d1) -> (0)>
#map2 = affine_map<(d0, d1) -> (0, 0)>
module attributes {stable_mosaic.version = 14 : i64} {
  func.func @_ragged_diff(%arg0: i32, %arg1: i32, %arg2: memref<16x4096x256xf32, #tpu.memory_space<hbm>>, %arg3: memref<16xi32, #tpu.memory_space<hbm>>, %arg4: memref<32x16xf32, #tpu.memory_space<hbm>>, %arg5: memref<16xi32, #tpu.memory_space<vmem>>, %arg6: memref<16xi32, #tpu.memory_space<smem>>, %arg7: memref<4x64x256xf32, #tpu.memory_space<vmem>>, %arg8: memref<16xf32, #tpu.memory_space<vmem>>, %arg9: memref<!tpu.dma_semaphore, #tpu.memory_space<semaphore_mem>>, %arg10: memref<!tpu.dma_semaphore, #tpu.memory_space<semaphore_mem>>, %arg11: memref<!tpu.dma_semaphore, #tpu.memory_space<semaphore_mem>>, %arg12: memref<!tpu.dma_semaphore, #tpu.memory_space<semaphore_mem>>) attributes {dimension_semantics = [#tpu.dimension_semantics<core_parallel>, #tpu.dimension_semantics<subcore_parallel>], iteration_bounds = array<i64: 2, 16>, scalar_prefetch = 0 : i64, scratch_operands = 8 : i64, tpu.core_type = #tpu.core_type<sc_vector_subcore>, window_params = [{transform_indices = #map}, {transform_indices = #map1}, {transform_indices = #map2}]} {
    %mul3A = arith.constant 2 : i32
    %mul3A_0 = arith.muli %arg1, %mul3A : i32
    %add3A = arith.addi %mul3A_0, %arg0 : i32
    "tpu.region"() ({
      %run_scoped3A = tpu.sem_alloc : memref<!tpu.dma_semaphore, #tpu.memory_space<semaphore_mem>>
      tpu.enqueue_dma source(%arg3 : memref<16xi32, #tpu.memory_space<hbm>>) target(%arg5 : memref<16xi32, #tpu.memory_space<vmem>>) target_semaphore(%run_scoped3A : memref<!tpu.dma_semaphore, #tpu.memory_space<semaphore_mem>>)
      tpu.wait_dma2 semaphore(%run_scoped3A : memref<!tpu.dma_semaphore, #tpu.memory_space<semaphore_mem>>) src(%arg3 : memref<16xi32, #tpu.memory_space<hbm>>) dst(%arg5 : memref<16xi32, #tpu.memory_space<vmem>>)
      tpu.yield
    }) : () -> ()
    %get3A = arith.constant 0 : index
    %get3A_1 = tpu.vector_load %arg5[%get3A] {strides = array<i32>} : memref<16xi32, #tpu.memory_space<vmem>>, vector<16xi32>,
    %iota3A = tpu.iota {dimensions = array<i32: 0>} : vector<16xi32>
    %eq3A = arith.constant 0 : i32
    %eq3A_2 = vector.broadcast %eq3A : i32 to vector<16xi32>
    %eq3A_3 = arith.cmpi eq, %iota3A, %eq3A_2 : vector<16xi32>
    %jit3A = arith.constant 0 : i32
    %broadcast_in_dim3A = vector.broadcast %jit3A : i32 to vector<16xi32>
    %select_n3A = arith.select %eq3A_3, %get3A_1, %broadcast_in_dim3A : vector<16xi1>, vector<16xi32>
    %reduce_max3A = arith.constant true
    %reduce_max3A_4 = vector.broadcast %reduce_max3A : i1 to vector<16xi1>
    %reduce_max3A_5 = arith.constant -2147483648 : i32
    %reduce_max3A_6 = vector.broadcast %reduce_max3A_5 : i32 to vector<16xi32>
    %reduce_max3A_7 = arith.xori %select_n3A, %reduce_max3A_6 : vector<16xi32>
    %reduce_max3A_8 = tpu.scan <max>, %reduce_max3A_7 masked %reduce_max3A_4 : vector<16xi32>, vector<16xi1> -> vector<16xi32>
    %reduce_max3A_9 = arith.xori %reduce_max3A_8, %reduce_max3A_6 : vector<16xi32>
    %reduce_max3A_10 = vector.extract %reduce_max3A_9[15] : i32 from vector<16xi32>
    %swap3A = arith.constant 0 : i32
    %swap3A_11 = arith.index_cast %swap3A : i32 to index
    %swap3A_12 = memref.load %arg6[%swap3A_11] : memref<16xi32, #tpu.memory_space<smem>>
    memref.store %reduce_max3A_10, %arg6[%swap3A_11] : memref<16xi32, #tpu.memory_space<smem>>
    %eq3A_13 = arith.constant 1 : i32
    %eq3A_14 = vector.broadcast %eq3A_13 : i32 to vector<16xi32>
    %eq3A_15 = arith.cmpi eq, %iota3A, %eq3A_14 : vector<16xi32>
    %jit3A_16 = arith.constant 0 : i32
    %broadcast_in_dim3A_17 = vector.broadcast %jit3A_16 : i32 to vector<16xi32>
    %select_n3A_18 = arith.select %eq3A_15, %get3A_1, %broadcast_in_dim3A_17 : vector<16xi1>, vector<16xi32>
    %reduce_max3A_19 = arith.constant true
    %reduce_max3A_20 = vector.broadcast %reduce_max3A_19 : i1 to vector<16xi1>
    %reduce_max3A_21 = arith.constant -2147483648 : i32
    %reduce_max3A_22 = vector.broadcast %reduce_max3A_21 : i32 to vector<16xi32>
    %reduce_max3A_23 = arith.xori %select_n3A_18, %reduce_max3A_22 : vector<16xi32>
    %reduce_max3A_24 = tpu.scan <max>, %reduce_max3A_23 masked %reduce_max3A_20 : vector<16xi32>, vector<16xi1> -> vector<16xi32>
    %reduce_max3A_25 = arith.xori %reduce_max3A_24, %reduce_max3A_22 : vector<16xi32>
    %reduce_max3A_26 = vector.extract %reduce_max3A_25[15] : i32 from vector<16xi32>
    %swap3A_27 = arith.constant 1 : i32
    %swap3A_28 = arith.index_cast %swap3A_27 : i32 to index
    %swap3A_29 = memref.load %arg6[%swap3A_28] : memref<16xi32, #tpu.memory_space<smem>>
    memref.store %reduce_max3A_26, %arg6[%swap3A_28] : memref<16xi32, #tpu.memory_space<smem>>
    %eq3A_30 = arith.constant 2 : i32
    %eq3A_31 = vector.broadcast %eq3A_30 : i32 to vector<16xi32>
    %eq3A_32 = arith.cmpi eq, %iota3A, %eq3A_31 : vector<16xi32>
    %jit3A_33 = arith.constant 0 : i32
    %broadcast_in_dim3A_34 = vector.broadcast %jit3A_33 : i32 to vector<16xi32>
    %select_n3A_35 = arith.select %eq3A_32, %get3A_1, %broadcast_in_dim3A_34 : vector<16xi1>, vector<16xi32>
    %reduce_max3A_36 = arith.constant true
    %reduce_max3A_37 = vector.broadcast %reduce_max3A_36 : i1 to vector<16xi1>
    %reduce_max3A_38 = arith.constant -2147483648 : i32
    %reduce_max3A_39 = vector.broadcast %reduce_max3A_38 : i32 to vector<16xi32>
    %reduce_max3A_40 = arith.xori %select_n3A_35, %reduce_max3A_39 : vector<16xi32>
    %reduce_max3A_41 = tpu.scan <max>, %reduce_max3A_40 masked %reduce_max3A_37 : vector<16xi32>, vector<16xi1> -> vector<16xi32>
    %reduce_max3A_42 = arith.xori %reduce_max3A_41, %reduce_max3A_39 : vector<16xi32>
    %reduce_max3A_43 = vector.extract %reduce_max3A_42[15] : i32 from vector<16xi32>
    %swap3A_44 = arith.constant 2 : i32
    %swap3A_45 = arith.index_cast %swap3A_44 : i32 to index
    %swap3A_46 = memref.load %arg6[%swap3A_45] : memref<16xi32, #tpu.memory_space<smem>>
    memref.store %reduce_max3A_43, %arg6[%swap3A_45] : memref<16xi32, #tpu.memory_space<smem>>
    %eq3A_47 = arith.constant 3 : i32
    %eq3A_48 = vector.broadcast %eq3A_47 : i32 to vector<16xi32>
    %eq3A_49 = arith.cmpi eq, %iota3A, %eq3A_48 : vector<16xi32>
    %jit3A_50 = arith.constant 0 : i32
    %broadcast_in_dim3A_51 = vector.broadcast %jit3A_50 : i32 to vector<16xi32>
    %select_n3A_52 = arith.select %eq3A_49, %get3A_1, %broadcast_in_dim3A_51 : vector<16xi1>, vector<16xi32>
    %reduce_max3A_53 = arith.constant true
    %reduce_max3A_54 = vector.broadcast %reduce_max3A_53 : i1 to vector<16xi1>
    %reduce_max3A_55 = arith.constant -2147483648 : i32
    %reduce_max3A_56 = vector.broadcast %reduce_max3A_55 : i32 to vector<16xi32>
    %reduce_max3A_57 = arith.xori %select_n3A_52, %reduce_max3A_56 : vector<16xi32>
    %reduce_max3A_58 = tpu.scan <max>, %reduce_max3A_57 masked %reduce_max3A_54 : vector<16xi32>, vector<16xi1> -> vector<16xi32>
    %reduce_max3A_59 = arith.xori %reduce_max3A_58, %reduce_max3A_56 : vector<16xi32>
    %reduce_max3A_60 = vector.extract %reduce_max3A_59[15] : i32 from vector<16xi32>
    %swap3A_61 = arith.constant 3 : i32
    %swap3A_62 = arith.index_cast %swap3A_61 : i32 to index
    %swap3A_63 = memref.load %arg6[%swap3A_62] : memref<16xi32, #tpu.memory_space<smem>>
    memref.store %reduce_max3A_60, %arg6[%swap3A_62] : memref<16xi32, #tpu.memory_space<smem>>
    %eq3A_64 = arith.constant 4 : i32
    %eq3A_65 = vector.broadcast %eq3A_64 : i32 to vector<16xi32>
    %eq3A_66 = arith.cmpi eq, %iota3A, %eq3A_65 : vector<16xi32>
    %jit3A_67 = arith.constant 0 : i32
    %broadcast_in_dim3A_68 = vector.broadcast %jit3A_67 : i32 to vector<16xi32>
    %select_n3A_69 = arith.select %eq3A_66, %get3A_1, %broadcast_in_dim3A_68 : vector<16xi1>, vector<16xi32>
    %reduce_max3A_70 = arith.constant true
    %reduce_max3A_71 = vector.broadcast %reduce_max3A_70 : i1 to vector<16xi1>
    %reduce_max3A_72 = arith.constant -2147483648 : i32
    %reduce_max3A_73 = vector.broadcast %reduce_max3A_72 : i32 to vector<16xi32>
    %reduce_max3A_74 = arith.xori %select_n3A_69, %reduce_max3A_73 : vector<16xi32>
    %reduce_max3A_75 = tpu.scan <max>, %reduce_max3A_74 masked %reduce_max3A_71 : vector<16xi32>, vector<16xi1> -> vector<16xi32>
    %reduce_max3A_76 = arith.xori %reduce_max3A_75, %reduce_max3A_73 : vector<16xi32>
    %reduce_max3A_77 = vector.extract %reduce_max3A_76[15] : i32 from vector<16xi32>
    %swap3A_78 = arith.constant 4 : i32
    %swap3A_79 = arith.index_cast %swap3A_78 : i32 to index
    %swap3A_80 = memref.load %arg6[%swap3A_79] : memref<16xi32, #tpu.memory_space<smem>>
    memref.store %reduce_max3A_77, %arg6[%swap3A_79] : memref<16xi32, #tpu.memory_space<smem>>
    %eq3A_81 = arith.constant 5 : i32
    %eq3A_82 = vector.broadcast %eq3A_81 : i32 to vector<16xi32>
    %eq3A_83 = arith.cmpi eq, %iota3A, %eq3A_82 : vector<16xi32>
    %jit3A_84 = arith.constant 0 : i32
    %broadcast_in_dim3A_85 = vector.broadcast %jit3A_84 : i32 to vector<16xi32>
    %select_n3A_86 = arith.select %eq3A_83, %get3A_1, %broadcast_in_dim3A_85 : vector<16xi1>, vector<16xi32>
    %reduce_max3A_87 = arith.constant true
    %reduce_max3A_88 = vector.broadcast %reduce_max3A_87 : i1 to vector<16xi1>
    %reduce_max3A_89 = arith.constant -2147483648 : i32
    %reduce_max3A_90 = vector.broadcast %reduce_max3A_89 : i32 to vector<16xi32>
    %reduce_max3A_91 = arith.xori %select_n3A_86, %reduce_max3A_90 : vector<16xi32>
    %reduce_max3A_92 = tpu.scan <max>, %reduce_max3A_91 masked %reduce_max3A_88 : vector<16xi32>, vector<16xi1> -> vector<16xi32>
    %reduce_max3A_93 = arith.xori %reduce_max3A_92, %reduce_max3A_90 : vector<16xi32>
    %reduce_max3A_94 = vector.extract %reduce_max3A_93[15] : i32 from vector<16xi32>
    %swap3A_95 = arith.constant 5 : i32
    %swap3A_96 = arith.index_cast %swap3A_95 : i32 to index
    %swap3A_97 = memref.load %arg6[%swap3A_96] : memref<16xi32, #tpu.memory_space<smem>>
    memref.store %reduce_max3A_94, %arg6[%swap3A_96] : memref<16xi32, #tpu.memory_space<smem>>
    %eq3A_98 = arith.constant 6 : i32
    %eq3A_99 = vector.broadcast %eq3A_98 : i32 to vector<16xi32>
    %eq3A_100 = arith.cmpi eq, %iota3A, %eq3A_99 : vector<16xi32>
    %jit3A_101 = arith.constant 0 : i32
    %broadcast_in_dim3A_102 = vector.broadcast %jit3A_101 : i32 to vector<16xi32>
    %select_n3A_103 = arith.select %eq3A_100, %get3A_1, %broadcast_in_dim3A_102 : vector<16xi1>, vector<16xi32>
    %reduce_max3A_104 = arith.constant true
    %reduce_max3A_105 = vector.broadcast %reduce_max3A_104 : i1 to vector<16xi1>
    %reduce_max3A_106 = arith.constant -2147483648 : i32
    %reduce_max3A_107 = vector.broadcast %reduce_max3A_106 : i32 to vector<16xi32>
    %reduce_max3A_108 = arith.xori %select_n3A_103, %reduce_max3A_107 : vector<16xi32>
    %reduce_max3A_109 = tpu.scan <max>, %reduce_max3A_108 masked %reduce_max3A_105 : vector<16xi32>, vector<16xi1> -> vector<16xi32>
    %reduce_max3A_110 = arith.xori %reduce_max3A_109, %reduce_max3A_107 : vector<16xi32>
    %reduce_max3A_111 = vector.extract %reduce_max3A_110[15] : i32 from vector<16xi32>
    %swap3A_112 = arith.constant 6 : i32
    %swap3A_113 = arith.index_cast %swap3A_112 : i32 to index
    %swap3A_114 = memref.load %arg6[%swap3A_113] : memref<16xi32, #tpu.memory_space<smem>>
    memref.store %reduce_max3A_111, %arg6[%swap3A_113] : memref<16xi32, #tpu.memory_space<smem>>
    %eq3A_115 = arith.constant 7 : i32
    %eq3A_116 = vector.broadcast %eq3A_115 : i32 to vector<16xi32>
    %eq3A_117 = arith.cmpi eq, %iota3A, %eq3A_116 : vector<16xi32>
    %jit3A_118 = arith.constant 0 : i32
    %broadcast_in_dim3A_119 = vector.broadcast %jit3A_118 : i32 to vector<16xi32>
    %select_n3A_120 = arith.select %eq3A_117, %get3A_1, %broadcast_in_dim3A_119 : vector<16xi1>, vector<16xi32>
    %reduce_max3A_121 = arith.constant true
    %reduce_max3A_122 = vector.broadcast %reduce_max3A_121 : i1 to vector<16xi1>
    %reduce_max3A_123 = arith.constant -2147483648 : i32
    %reduce_max3A_124 = vector.broadcast %reduce_max3A_123 : i32 to vector<16xi32>
    %reduce_max3A_125 = arith.xori %select_n3A_120, %reduce_max3A_124 : vector<16xi32>
    %reduce_max3A_126 = tpu.scan <max>, %reduce_max3A_125 masked %reduce_max3A_122 : vector<16xi32>, vector<16xi1> -> vector<16xi32>
    %reduce_max3A_127 = arith.xori %reduce_max3A_126, %reduce_max3A_124 : vector<16xi32>
    %reduce_max3A_128 = vector.extract %reduce_max3A_127[15] : i32 from vector<16xi32>
    %swap3A_129 = arith.constant 7 : i32
    %swap3A_130 = arith.index_cast %swap3A_129 : i32 to index
    %swap3A_131 = memref.load %arg6[%swap3A_130] : memref<16xi32, #tpu.memory_space<smem>>
    memref.store %reduce_max3A_128, %arg6[%swap3A_130] : memref<16xi32, #tpu.memory_space<smem>>
    %eq3A_132 = arith.constant 8 : i32
    %eq3A_133 = vector.broadcast %eq3A_132 : i32 to vector<16xi32>
    %eq3A_134 = arith.cmpi eq, %iota3A, %eq3A_133 : vector<16xi32>
    %jit3A_135 = arith.constant 0 : i32
    %broadcast_in_dim3A_136 = vector.broadcast %jit3A_135 : i32 to vector<16xi32>
    %select_n3A_137 = arith.select %eq3A_134, %get3A_1, %broadcast_in_dim3A_136 : vector<16xi1>, vector<16xi32>
    %reduce_max3A_138 = arith.constant true
    %reduce_max3A_139 = vector.broadcast %reduce_max3A_138 : i1 to vector<16xi1>
    %reduce_max3A_140 = arith.constant -2147483648 : i32
    %reduce_max3A_141 = vector.broadcast %reduce_max3A_140 : i32 to vector<16xi32>
    %reduce_max3A_142 = arith.xori %select_n3A_137, %reduce_max3A_141 : vector<16xi32>
    %reduce_max3A_143 = tpu.scan <max>, %reduce_max3A_142 masked %reduce_max3A_139 : vector<16xi32>, vector<16xi1> -> vector<16xi32>
    %reduce_max3A_144 = arith.xori %reduce_max3A_143, %reduce_max3A_141 : vector<16xi32>
    %reduce_max3A_145 = vector.extract %reduce_max3A_144[15] : i32 from vector<16xi32>
    %swap3A_146 = arith.constant 8 : i32
    %swap3A_147 = arith.index_cast %swap3A_146 : i32 to index
    %swap3A_148 = memref.load %arg6[%swap3A_147] : memref<16xi32, #tpu.memory_space<smem>>
    memref.store %reduce_max3A_145, %arg6[%swap3A_147] : memref<16xi32, #tpu.memory_space<smem>>
    %eq3A_149 = arith.constant 9 : i32
    %eq3A_150 = vector.broadcast %eq3A_149 : i32 to vector<16xi32>
    %eq3A_151 = arith.cmpi eq, %iota3A, %eq3A_150 : vector<16xi32>
    %jit3A_152 = arith.constant 0 : i32
    %broadcast_in_dim3A_153 = vector.broadcast %jit3A_152 : i32 to vector<16xi32>
    %select_n3A_154 = arith.select %eq3A_151, %get3A_1, %broadcast_in_dim3A_153 : vector<16xi1>, vector<16xi32>
    %reduce_max3A_155 = arith.constant true
    %reduce_max3A_156 = vector.broadcast %reduce_max3A_155 : i1 to vector<16xi1>
    %reduce_max3A_157 = arith.constant -2147483648 : i32
    %reduce_max3A_158 = vector.broadcast %reduce_max3A_157 : i32 to vector<16xi32>
    %reduce_max3A_159 = arith.xori %select_n3A_154, %reduce_max3A_158 : vector<16xi32>
    %reduce_max3A_160 = tpu.scan <max>, %reduce_max3A_159 masked %reduce_max3A_156 : vector<16xi32>, vector<16xi1> -> vector<16xi32>
    %reduce_max3A_161 = arith.xori %reduce_max3A_160, %reduce_max3A_158 : vector<16xi32>
    %reduce_max3A_162 = vector.extract %reduce_max3A_161[15] : i32 from vector<16xi32>
    %swap3A_163 = arith.constant 9 : i32
    %swap3A_164 = arith.index_cast %swap3A_163 : i32 to index
    %swap3A_165 = memref.load %arg6[%swap3A_164] : memref<16xi32, #tpu.memory_space<smem>>
    memref.store %reduce_max3A_162, %arg6[%swap3A_164] : memref<16xi32, #tpu.memory_space<smem>>
    %eq3A_166 = arith.constant 10 : i32
    %eq3A_167 = vector.broadcast %eq3A_166 : i32 to vector<16xi32>
    %eq3A_168 = arith.cmpi eq, %iota3A, %eq3A_167 : vector<16xi32>
    %jit3A_169 = arith.constant 0 : i32
    %broadcast_in_dim3A_170 = vector.broadcast %jit3A_169 : i32 to vector<16xi32>
    %select_n3A_171 = arith.select %eq3A_168, %get3A_1, %broadcast_in_dim3A_170 : vector<16xi1>, vector<16xi32>
    %reduce_max3A_172 = arith.constant true
    %reduce_max3A_173 = vector.broadcast %reduce_max3A_172 : i1 to vector<16xi1>
    %reduce_max3A_174 = arith.constant -2147483648 : i32
    %reduce_max3A_175 = vector.broadcast %reduce_max3A_174 : i32 to vector<16xi32>
    %reduce_max3A_176 = arith.xori %select_n3A_171, %reduce_max3A_175 : vector<16xi32>
    %reduce_max3A_177 = tpu.scan <max>, %reduce_max3A_176 masked %reduce_max3A_173 : vector<16xi32>, vector<16xi1> -> vector<16xi32>
    %reduce_max3A_178 = arith.xori %reduce_max3A_177, %reduce_max3A_175 : vector<16xi32>
    %reduce_max3A_179 = vector.extract %reduce_max3A_178[15] : i32 from vector<16xi32>
    %swap3A_180 = arith.constant 10 : i32
    %swap3A_181 = arith.index_cast %swap3A_180 : i32 to index
    %swap3A_182 = memref.load %arg6[%swap3A_181] : memref<16xi32, #tpu.memory_space<smem>>
    memref.store %reduce_max3A_179, %arg6[%swap3A_181] : memref<16xi32, #tpu.memory_space<smem>>
    %eq3A_183 = arith.constant 11 : i32
    %eq3A_184 = vector.broadcast %eq3A_183 : i32 to vector<16xi32>
    %eq3A_185 = arith.cmpi eq, %iota3A, %eq3A_184 : vector<16xi32>
    %jit3A_186 = arith.constant 0 : i32
    %broadcast_in_dim3A_187 = vector.broadcast %jit3A_186 : i32 to vector<16xi32>
    %select_n3A_188 = arith.select %eq3A_185, %get3A_1, %broadcast_in_dim3A_187 : vector<16xi1>, vector<16xi32>
    %reduce_max3A_189 = arith.constant true
    %reduce_max3A_190 = vector.broadcast %reduce_max3A_189 : i1 to vector<16xi1>
    %reduce_max3A_191 = arith.constant -2147483648 : i32
    %reduce_max3A_192 = vector.broadcast %reduce_max3A_191 : i32 to vector<16xi32>
    %reduce_max3A_193 = arith.xori %select_n3A_188, %reduce_max3A_192 : vector<16xi32>
    %reduce_max3A_194 = tpu.scan <max>, %reduce_max3A_193 masked %reduce_max3A_190 : vector<16xi32>, vector<16xi1> -> vector<16xi32>
    %reduce_max3A_195 = arith.xori %reduce_max3A_194, %reduce_max3A_192 : vector<16xi32>
    %reduce_max3A_196 = vector.extract %reduce_max3A_195[15] : i32 from vector<16xi32>
    %swap3A_197 = arith.constant 11 : i32
    %swap3A_198 = arith.index_cast %swap3A_197 : i32 to index
    %swap3A_199 = memref.load %arg6[%swap3A_198] : memref<16xi32, #tpu.memory_space<smem>>
    memref.store %reduce_max3A_196, %arg6[%swap3A_198] : memref<16xi32, #tpu.memory_space<smem>>
    %eq3A_200 = arith.constant 12 : i32
    %eq3A_201 = vector.broadcast %eq3A_200 : i32 to vector<16xi32>
    %eq3A_202 = arith.cmpi eq, %iota3A, %eq3A_201 : vector<16xi32>
    %jit3A_203 = arith.constant 0 : i32
    %broadcast_in_dim3A_204 = vector.broadcast %jit3A_203 : i32 to vector<16xi32>
    %select_n3A_205 = arith.select %eq3A_202, %get3A_1, %broadcast_in_dim3A_204 : vector<16xi1>, vector<16xi32>
    %reduce_max3A_206 = arith.constant true
    %reduce_max3A_207 = vector.broadcast %reduce_max3A_206 : i1 to vector<16xi1>
    %reduce_max3A_208 = arith.constant -2147483648 : i32
    %reduce_max3A_209 = vector.broadcast %reduce_max3A_208 : i32 to vector<16xi32>
    %reduce_max3A_210 = arith.xori %select_n3A_205, %reduce_max3A_209 : vector<16xi32>
    %reduce_max3A_211 = tpu.scan <max>, %reduce_max3A_210 masked %reduce_max3A_207 : vector<16xi32>, vector<16xi1> -> vector<16xi32>
    %reduce_max3A_212 = arith.xori %reduce_max3A_211, %reduce_max3A_209 : vector<16xi32>
    %reduce_max3A_213 = vector.extract %reduce_max3A_212[15] : i32 from vector<16xi32>
    %swap3A_214 = arith.constant 12 : i32
    %swap3A_215 = arith.index_cast %swap3A_214 : i32 to index
    %swap3A_216 = memref.load %arg6[%swap3A_215] : memref<16xi32, #tpu.memory_space<smem>>
    memref.store %reduce_max3A_213, %arg6[%swap3A_215] : memref<16xi32, #tpu.memory_space<smem>>
    %eq3A_217 = arith.constant 13 : i32
    %eq3A_218 = vector.broadcast %eq3A_217 : i32 to vector<16xi32>
    %eq3A_219 = arith.cmpi eq, %iota3A, %eq3A_218 : vector<16xi32>
    %jit3A_220 = arith.constant 0 : i32
    %broadcast_in_dim3A_221 = vector.broadcast %jit3A_220 : i32 to vector<16xi32>
    %select_n3A_222 = arith.select %eq3A_219, %get3A_1, %broadcast_in_dim3A_221 : vector<16xi1>, vector<16xi32>
    %reduce_max3A_223 = arith.constant true
    %reduce_max3A_224 = vector.broadcast %reduce_max3A_223 : i1 to vector<16xi1>
    %reduce_max3A_225 = arith.constant -2147483648 : i32
    %reduce_max3A_226 = vector.broadcast %reduce_max3A_225 : i32 to vector<16xi32>
    %reduce_max3A_227 = arith.xori %select_n3A_222, %reduce_max3A_226 : vector<16xi32>
    %reduce_max3A_228 = tpu.scan <max>, %reduce_max3A_227 masked %reduce_max3A_224 : vector<16xi32>, vector<16xi1> -> vector<16xi32>
    %reduce_max3A_229 = arith.xori %reduce_max3A_228, %reduce_max3A_226 : vector<16xi32>
    %reduce_max3A_230 = vector.extract %reduce_max3A_229[15] : i32 from vector<16xi32>
    %swap3A_231 = arith.constant 13 : i32
    %swap3A_232 = arith.index_cast %swap3A_231 : i32 to index
    %swap3A_233 = memref.load %arg6[%swap3A_232] : memref<16xi32, #tpu.memory_space<smem>>
    memref.store %reduce_max3A_230, %arg6[%swap3A_232] : memref<16xi32, #tpu.memory_space<smem>>
    %eq3A_234 = arith.constant 14 : i32
    %eq3A_235 = vector.broadcast %eq3A_234 : i32 to vector<16xi32>
    %eq3A_236 = arith.cmpi eq, %iota3A, %eq3A_235 : vector<16xi32>
    %jit3A_237 = arith.constant 0 : i32
    %broadcast_in_dim3A_238 = vector.broadcast %jit3A_237 : i32 to vector<16xi32>
    %select_n3A_239 = arith.select %eq3A_236, %get3A_1, %broadcast_in_dim3A_238 : vector<16xi1>, vector<16xi32>
    %reduce_max3A_240 = arith.constant true
    %reduce_max3A_241 = vector.broadcast %reduce_max3A_240 : i1 to vector<16xi1>
    %reduce_max3A_242 = arith.constant -2147483648 : i32
    %reduce_max3A_243 = vector.broadcast %reduce_max3A_242 : i32 to vector<16xi32>
    %reduce_max3A_244 = arith.xori %select_n3A_239, %reduce_max3A_243 : vector<16xi32>
    %reduce_max3A_245 = tpu.scan <max>, %reduce_max3A_244 masked %reduce_max3A_241 : vector<16xi32>, vector<16xi1> -> vector<16xi32>
    %reduce_max3A_246 = arith.xori %reduce_max3A_245, %reduce_max3A_243 : vector<16xi32>
    %reduce_max3A_247 = vector.extract %reduce_max3A_246[15] : i32 from vector<16xi32>
    %swap3A_248 = arith.constant 14 : i32
    %swap3A_249 = arith.index_cast %swap3A_248 : i32 to index
    %swap3A_250 = memref.load %arg6[%swap3A_249] : memref<16xi32, #tpu.memory_space<smem>>
    memref.store %reduce_max3A_247, %arg6[%swap3A_249] : memref<16xi32, #tpu.memory_space<smem>>
    %eq3A_251 = arith.constant 15 : i32
    %eq3A_252 = vector.broadcast %eq3A_251 : i32 to vector<16xi32>
    %eq3A_253 = arith.cmpi eq, %iota3A, %eq3A_252 : vector<16xi32>
    %jit3A_254 = arith.constant 0 : i32
    %broadcast_in_dim3A_255 = vector.broadcast %jit3A_254 : i32 to vector<16xi32>
    %select_n3A_256 = arith.select %eq3A_253, %get3A_1, %broadcast_in_dim3A_255 : vector<16xi1>, vector<16xi32>
    %reduce_max3A_257 = arith.constant true
    %reduce_max3A_258 = vector.broadcast %reduce_max3A_257 : i1 to vector<16xi1>
    %reduce_max3A_259 = arith.constant -2147483648 : i32
    %reduce_max3A_260 = vector.broadcast %reduce_max3A_259 : i32 to vector<16xi32>
    %reduce_max3A_261 = arith.xori %select_n3A_256, %reduce_max3A_260 : vector<16xi32>
    %reduce_max3A_262 = tpu.scan <max>, %reduce_max3A_261 masked %reduce_max3A_258 : vector<16xi32>, vector<16xi1> -> vector<16xi32>
    %reduce_max3A_263 = arith.xori %reduce_max3A_262, %reduce_max3A_260 : vector<16xi32>
    %reduce_max3A_264 = vector.extract %reduce_max3A_263[15] : i32 from vector<16xi32>
    %swap3A_265 = arith.constant 15 : i32
    %swap3A_266 = arith.index_cast %swap3A_265 : i32 to index
    %swap3A_267 = memref.load %arg6[%swap3A_266] : memref<16xi32, #tpu.memory_space<smem>>
    memref.store %reduce_max3A_264, %arg6[%swap3A_266] : memref<16xi32, #tpu.memory_space<smem>>
    %broadcast_in_dim3A_268 = arith.constant 0.000000e+00 : f32
    %broadcast_in_dim3A_269 = vector.broadcast %broadcast_in_dim3A_268 : f32 to vector<16xf32>
    %swap3A_270 = arith.constant 0 : index
    %swap3A_271 = tpu.vector_load %arg8[%swap3A_270] {strides = array<i32>} : memref<16xf32, #tpu.memory_space<vmem>>, vector<16xf32>,
    tpu.vector_store %arg8[%swap3A_270], %broadcast_in_dim3A_269 {strides = array<i32>} : memref<16xf32, #tpu.memory_space<vmem>>, vector<16xf32>,
    %add3A_272 = arith.constant 0 : i32
    %add3A_273 = arith.addi %add3A, %add3A_272 : i32
    %and3A = arith.constant 31 : i32
    %and3A_274 = arith.andi %add3A_273, %and3A : i32
    %add3A_275 = arith.constant 0 : i32
    %add3A_276 = arith.addi %add3A_275, %and3A_274 : i32
    %mul3A_277 = arith.constant 64 : i32
    %mul3A_278 = arith.muli %add3A_276, %mul3A_277 : i32
    %get3A_279 = arith.constant 0 : i32
    %get3A_280 = arith.index_cast %get3A_279 : i32 to index
    %get3A_281 = memref.load %arg6[%get3A_280] : memref<16xi32, #tpu.memory_space<smem>>
    %lt3A = arith.cmpi slt, %mul3A_278, %get3A_281 : i32
    %convert_element_type3A = arith.extui %lt3A : i1 to i32
    %cond3A = arith.constant 0 : i32
    %cond3A_282 = arith.cmpi ne, %convert_element_type3A, %cond3A : i32
    scf.if %cond3A_282 {
      %dma_start3A = arith.constant 0 : i32
      %dma_start3A_318 = arith.constant 0 : i32
      %dma_start3A_319 = arith.constant 0 : i32
      %dma_start3A_320 = arith.constant 0 : i32
      %dma_start3A_321 = tpu.memref_slice %arg7[%dma_start3A_318, %dma_start3A_319, %dma_start3A_320] : memref<4x64x256xf32, #tpu.memory_space<vmem>> -> memref<1x64x256xf32, #tpu.memory_space<vmem>>
      %dma_start3A_322 = tpu.memref_squeeze %dma_start3A_321 : memref<1x64x256xf32, #tpu.memory_space<vmem>> -> memref<64x256xf32, #tpu.memory_space<vmem>>
      %dma_start3A_323 = arith.constant 0 : i32
      %dma_start3A_324 = tpu.memref_slice %arg2[%dma_start3A, %mul3A_278, %dma_start3A_323] : memref<16x4096x256xf32, #tpu.memory_space<hbm>> -> memref<1x64x256xf32, #tpu.memory_space<hbm>>
      %dma_start3A_325 = tpu.memref_squeeze %dma_start3A_324 : memref<1x64x256xf32, #tpu.memory_space<hbm>> -> memref<64x256xf32, #tpu.memory_space<hbm>>
      %dma_start3A_326 = arith.constant 0 : i32
      %dma_start3A_327 = arith.constant 0 : i32
      %dma_start3A_328 = tpu.memref_slice %arg7[%dma_start3A_318, %dma_start3A_326, %dma_start3A_327] : memref<4x64x256xf32, #tpu.memory_space<vmem>> -> memref<1x64x256xf32, #tpu.memory_space<vmem>>
      %dma_start3A_329 = tpu.memref_squeeze %dma_start3A_328 : memref<1x64x256xf32, #tpu.memory_space<vmem>> -> memref<64x256xf32, #tpu.memory_space<vmem>>
      %dma_start3A_330 = arith.constant 0 : i32
      %dma_start3A_331 = tpu.memref_slice %arg2[%dma_start3A, %mul3A_278, %dma_start3A_330] : memref<16x4096x256xf32, #tpu.memory_space<hbm>> -> memref<1x64x256xf32, #tpu.memory_space<hbm>>
      %dma_start3A_332 = tpu.memref_squeeze %dma_start3A_331 : memref<1x64x256xf32, #tpu.memory_space<hbm>> -> memref<64x256xf32, #tpu.memory_space<hbm>>
      tpu.enqueue_dma source(%dma_start3A_332 : memref<64x256xf32, #tpu.memory_space<hbm>>) target(%dma_start3A_329 : memref<64x256xf32, #tpu.memory_space<vmem>>) target_semaphore(%arg9 : memref<!tpu.dma_semaphore, #tpu.memory_space<semaphore_mem>>)
    } else {
    }
    %add3A_283 = arith.constant 0 : i32
    %add3A_284 = arith.addi %add3A, %add3A_283 : i32
    %and3A_285 = arith.constant 31 : i32
    %and3A_286 = arith.andi %add3A_284, %and3A_285 : i32
    %add3A_287 = arith.constant 32 : i32
    %add3A_288 = arith.addi %add3A_287, %and3A_286 : i32
    %mul3A_289 = arith.constant 64 : i32
    %mul3A_290 = arith.muli %add3A_288, %mul3A_289 : i32
    %get3A_291 = arith.constant 0 : i32
    %get3A_292 = arith.index_cast %get3A_291 : i32 to index
    %get3A_293 = memref.load %arg6[%get3A_292] : memref<16xi32, #tpu.memory_space<smem>>
    %lt3A_294 = arith.cmpi slt, %mul3A_290, %get3A_293 : i32
    %convert_element_type3A_295 = arith.extui %lt3A_294 : i1 to i32
    %cond3A_296 = arith.constant 0 : i32
    %cond3A_297 = arith.cmpi ne, %convert_element_type3A_295, %cond3A_296 : i32
    scf.if %cond3A_297 {
      %dma_start3A = arith.constant 0 : i32
      %dma_start3A_318 = arith.constant 1 : i32
      %dma_start3A_319 = arith.constant 0 : i32
      %dma_start3A_320 = arith.constant 0 : i32
      %dma_start3A_321 = tpu.memref_slice %arg7[%dma_start3A_318, %dma_start3A_319, %dma_start3A_320] : memref<4x64x256xf32, #tpu.memory_space<vmem>> -> memref<1x64x256xf32, #tpu.memory_space<vmem>>
      %dma_start3A_322 = tpu.memref_squeeze %dma_start3A_321 : memref<1x64x256xf32, #tpu.memory_space<vmem>> -> memref<64x256xf32, #tpu.memory_space<vmem>>
      %dma_start3A_323 = arith.constant 0 : i32
      %dma_start3A_324 = tpu.memref_slice %arg2[%dma_start3A, %mul3A_290, %dma_start3A_323] : memref<16x4096x256xf32, #tpu.memory_space<hbm>> -> memref<1x64x256xf32, #tpu.memory_space<hbm>>
      %dma_start3A_325 = tpu.memref_squeeze %dma_start3A_324 : memref<1x64x256xf32, #tpu.memory_space<hbm>> -> memref<64x256xf32, #tpu.memory_space<hbm>>
      %dma_start3A_326 = arith.constant 0 : i32
      %dma_start3A_327 = arith.constant 0 : i32
      %dma_start3A_328 = tpu.memref_slice %arg7[%dma_start3A_318, %dma_start3A_326, %dma_start3A_327] : memref<4x64x256xf32, #tpu.memory_space<vmem>> -> memref<1x64x256xf32, #tpu.memory_space<vmem>>
      %dma_start3A_329 = tpu.memref_squeeze %dma_start3A_328 : memref<1x64x256xf32, #tpu.memory_space<vmem>> -> memref<64x256xf32, #tpu.memory_space<vmem>>
      %dma_start3A_330 = arith.constant 0 : i32
      %dma_start3A_331 = tpu.memref_slice %arg2[%dma_start3A, %mul3A_290, %dma_start3A_330] : memref<16x4096x256xf32, #tpu.memory_space<hbm>> -> memref<1x64x256xf32, #tpu.memory_space<hbm>>
      %dma_start3A_332 = tpu.memref_squeeze %dma_start3A_331 : memref<1x64x256xf32, #tpu.memory_space<hbm>> -> memref<64x256xf32, #tpu.memory_space<hbm>>
      tpu.enqueue_dma source(%dma_start3A_332 : memref<64x256xf32, #tpu.memory_space<hbm>>) target(%dma_start3A_329 : memref<64x256xf32, #tpu.memory_space<vmem>>) target_semaphore(%arg10 : memref<!tpu.dma_semaphore, #tpu.memory_space<semaphore_mem>>)
    } else {
    }
    %add3A_298 = arith.constant 7 : i32
    %add3A_299 = arith.addi %add3A, %add3A_298 : i32
    %and3A_300 = arith.constant 31 : i32
    %and3A_301 = arith.andi %add3A_299, %and3A_300 : i32
    %add3A_302 = arith.constant 0 : i32
    %add3A_303 = arith.addi %add3A_302, %and3A_301 : i32
    %mul3A_304 = arith.constant 64 : i32
    %mul3A_305 = arith.muli %add3A_303, %mul3A_304 : i32
    %get3A_306 = arith.constant 1 : i32
    %get3A_307 = arith.index_cast %get3A_306 : i32 to index
    %get3A_308 = memref.load %arg6[%get3A_307] : memref<16xi32, #tpu.memory_space<smem>>
    %lt3A_309 = arith.cmpi slt, %mul3A_305, %get3A_308 : i32
    %convert_element_type3A_310 = arith.extui %lt3A_309 : i1 to i32
    %cond3A_311 = arith.constant 0 : i32
    %cond3A_312 = arith.cmpi ne, %convert_element_type3A_310, %cond3A_311 : i32
    scf.if %cond3A_312 {
      %dma_start3A = arith.constant 1 : i32
      %dma_start3A_318 = arith.constant 2 : i32
      %dma_start3A_319 = arith.constant 0 : i32
      %dma_start3A_320 = arith.constant 0 : i32
      %dma_start3A_321 = tpu.memref_slice %arg7[%dma_start3A_318, %dma_start3A_319, %dma_start3A_320] : memref<4x64x256xf32, #tpu.memory_space<vmem>> -> memref<1x64x256xf32, #tpu.memory_space<vmem>>
      %dma_start3A_322 = tpu.memref_squeeze %dma_start3A_321 : memref<1x64x256xf32, #tpu.memory_space<vmem>> -> memref<64x256xf32, #tpu.memory_space<vmem>>
      %dma_start3A_323 = arith.constant 0 : i32
      %dma_start3A_324 = tpu.memref_slice %arg2[%dma_start3A, %mul3A_305, %dma_start3A_323] : memref<16x4096x256xf32, #tpu.memory_space<hbm>> -> memref<1x64x256xf32, #tpu.memory_space<hbm>>
      %dma_start3A_325 = tpu.memref_squeeze %dma_start3A_324 : memref<1x64x256xf32, #tpu.memory_space<hbm>> -> memref<64x256xf32, #tpu.memory_space<hbm>>
      %dma_start3A_326 = arith.constant 0 : i32
      %dma_start3A_327 = arith.constant 0 : i32
      %dma_start3A_328 = tpu.memref_slice %arg7[%dma_start3A_318, %dma_start3A_326, %dma_start3A_327] : memref<4x64x256xf32, #tpu.memory_space<vmem>> -> memref<1x64x256xf32, #tpu.memory_space<vmem>>
      %dma_start3A_329 = tpu.memref_squeeze %dma_start3A_328 : memref<1x64x256xf32, #tpu.memory_space<vmem>> -> memref<64x256xf32, #tpu.memory_space<vmem>>
      %dma_start3A_330 = arith.constant 0 : i32
      %dma_start3A_331 = tpu.memref_slice %arg2[%dma_start3A, %mul3A_305, %dma_start3A_330] : memref<16x4096x256xf32, #tpu.memory_space<hbm>> -> memref<1x64x256xf32, #tpu.memory_space<hbm>>
      %dma_start3A_332 = tpu.memref_squeeze %dma_start3A_331 : memref<1x64x256xf32, #tpu.memory_space<hbm>> -> memref<64x256xf32, #tpu.memory_space<hbm>>
      tpu.enqueue_dma source(%dma_start3A_332 : memref<64x256xf32, #tpu.memory_space<hbm>>) target(%dma_start3A_329 : memref<64x256xf32, #tpu.memory_space<vmem>>) target_semaphore(%arg11 : memref<!tpu.dma_semaphore, #tpu.memory_space<semaphore_mem>>)
    } else {
    }
    %scan3A = arith.constant 0 : i32
    %scan3A_313 = arith.constant 0 : i32
    %scan3A_314 = arith.constant 8 : i32
    %scan3A_315 = arith.addi %scan3A_313, %scan3A_314 : i32
    %scan3A_316 = arith.constant 1 : i32
    scf.for %scan3A_318 = %scan3A_313 to %scan3A_315 step %scan3A_316  : i32 {
      %mul3A_319 = arith.constant 4 : i32
      %mul3A_320 = arith.muli %scan3A_318, %mul3A_319 : i32
      %add3A_321 = arith.constant 0 : i32
      %add3A_322 = arith.addi %mul3A_320, %add3A_321 : i32
      %add3A_323 = arith.constant 4 : i32
      %add3A_324 = arith.addi %add3A_322, %add3A_323 : i32
      %sub3A = arith.constant 1 : i32
      %sub3A_325 = arith.subi %add3A_324, %sub3A : i32
      %lt3A_326 = arith.constant 32 : i32
      %lt3A_327 = arith.cmpi slt, %sub3A_325, %lt3A_326 : i32
      %convert_element_type3A_328 = arith.extui %lt3A_327 : i1 to i32
      %cond3A_329 = arith.constant 0 : i32
      %cond3A_330 = arith.cmpi ne, %convert_element_type3A_328, %cond3A_329 : i32
      scf.if %cond3A_330 {
        %jit3A_592 = arith.constant 2 : i32
        %div3A_593 = arith.divsi %sub3A_325, %jit3A_592 : i32
        %sign3A_594 = arith.constant 0 : i32
        %sign3A_595 = arith.cmpi sgt, %sub3A_325, %sign3A_594 : i32
        %sign3A_596 = arith.extui %sign3A_595 : i1 to i32
        %sign3A_597 = arith.constant 0 : i32
        %sign3A_598 = arith.cmpi slt, %sub3A_325, %sign3A_597 : i32
        %sign3A_599 = arith.extui %sign3A_598 : i1 to i32
        %sign3A_600 = arith.subi %sign3A_596, %sign3A_599 : i32
        %sign3A_601 = arith.constant 0 : i32
        %sign3A_602 = arith.cmpi sgt, %jit3A_592, %sign3A_601 : i32
        %sign3A_603 = arith.extui %sign3A_602 : i1 to i32
        %sign3A_604 = arith.constant 0 : i32
        %sign3A_605 = arith.cmpi slt, %jit3A_592, %sign3A_604 : i32
        %sign3A_606 = arith.extui %sign3A_605 : i1 to i32
        %sign3A_607 = arith.subi %sign3A_603, %sign3A_606 : i32
        %ne3A_608 = arith.cmpi ne, %sign3A_600, %sign3A_607 : i32
        %rem3A_609 = arith.remsi %sub3A_325, %jit3A_592 : i32
        %ne3A_610 = arith.constant 0 : i32
        %ne3A_611 = arith.cmpi ne, %rem3A_609, %ne3A_610 : i32
        %and3A_612 = arith.andi %ne3A_608, %ne3A_611 : i1
        %sub3A_613 = arith.constant 1 : i32
        %sub3A_614 = arith.subi %div3A_593, %sub3A_613 : i32
        %select_n3A_615 = arith.select %and3A_612, %sub3A_614, %div3A_593 : i32
        %jit3A_616 = arith.constant 2 : i32
        %eq3A_617 = arith.constant 0 : i32
        %eq3A_618 = arith.cmpi eq, %jit3A_616, %eq3A_617 : i32
        %jit3A_619 = arith.constant 1 : i32
        %select_n3A_620 = arith.select %eq3A_618, %jit3A_619, %jit3A_616 : i32
        %rem3A_621 = arith.remsi %sub3A_325, %select_n3A_620 : i32
        %ne3A_622 = arith.constant 0 : i32
        %ne3A_623 = arith.cmpi ne, %rem3A_621, %ne3A_622 : i32
        %lt3A_624 = arith.constant 0 : i32
        %lt3A_625 = arith.cmpi slt, %rem3A_621, %lt3A_624 : i32
        %lt3A_626 = arith.constant 0 : i32
        %lt3A_627 = arith.cmpi slt, %select_n3A_620, %lt3A_626 : i32
        %ne3A_628 = arith.xori %lt3A_625, %lt3A_627 : i1
        %and3A_629 = arith.andi %ne3A_628, %ne3A_623 : i1
        %add3A_630 = arith.addi %rem3A_621, %select_n3A_620 : i32
        %select_n3A_631 = arith.select %and3A_629, %add3A_630, %rem3A_621 : i32
        %mul3A_632 = arith.constant 7 : i32
        %mul3A_633 = arith.muli %select_n3A_615, %mul3A_632 : i32
        %add3A_634 = arith.addi %add3A, %mul3A_633 : i32
        %and3A_635 = arith.constant 31 : i32
        %and3A_636 = arith.andi %add3A_634, %and3A_635 : i32
        %mul3A_637 = arith.constant 32 : i32
        %mul3A_638 = arith.muli %select_n3A_631, %mul3A_637 : i32
        %add3A_639 = arith.addi %mul3A_638, %and3A_636 : i32
        %mul3A_640 = arith.constant 64 : i32
        %mul3A_641 = arith.muli %add3A_639, %mul3A_640 : i32
        %get3A_642 = arith.index_cast %select_n3A_615 : i32 to index
        %get3A_643 = memref.load %arg6[%get3A_642] : memref<16xi32, #tpu.memory_space<smem>>
        %lt3A_644 = arith.cmpi slt, %mul3A_641, %get3A_643 : i32
        %convert_element_type3A_645 = arith.extui %lt3A_644 : i1 to i32
        %cond3A_646 = arith.constant 0 : i32
        %cond3A_647 = arith.cmpi ne, %convert_element_type3A_645, %cond3A_646 : i32
        scf.if %cond3A_647 {
          %dma_start3A = arith.constant 3 : i32
          %dma_start3A_648 = arith.constant 0 : i32
          %dma_start3A_649 = arith.constant 0 : i32
          %dma_start3A_650 = tpu.memref_slice %arg7[%dma_start3A, %dma_start3A_648, %dma_start3A_649] : memref<4x64x256xf32, #tpu.memory_space<vmem>> -> memref<1x64x256xf32, #tpu.memory_space<vmem>>
          %dma_start3A_651 = tpu.memref_squeeze %dma_start3A_650 : memref<1x64x256xf32, #tpu.memory_space<vmem>> -> memref<64x256xf32, #tpu.memory_space<vmem>>
          %dma_start3A_652 = arith.constant 0 : i32
          %dma_start3A_653 = tpu.memref_slice %arg2[%select_n3A_615, %mul3A_641, %dma_start3A_652] : memref<16x4096x256xf32, #tpu.memory_space<hbm>> -> memref<1x64x256xf32, #tpu.memory_space<hbm>>
          %dma_start3A_654 = tpu.memref_squeeze %dma_start3A_653 : memref<1x64x256xf32, #tpu.memory_space<hbm>> -> memref<64x256xf32, #tpu.memory_space<hbm>>
          %dma_start3A_655 = arith.constant 0 : i32
          %dma_start3A_656 = arith.constant 0 : i32
          %dma_start3A_657 = tpu.memref_slice %arg7[%dma_start3A, %dma_start3A_655, %dma_start3A_656] : memref<4x64x256xf32, #tpu.memory_space<vmem>> -> memref<1x64x256xf32, #tpu.memory_space<vmem>>
          %dma_start3A_658 = tpu.memref_squeeze %dma_start3A_657 : memref<1x64x256xf32, #tpu.memory_space<vmem>> -> memref<64x256xf32, #tpu.memory_space<vmem>>
          %dma_start3A_659 = arith.constant 0 : i32
          %dma_start3A_660 = tpu.memref_slice %arg2[%select_n3A_615, %mul3A_641, %dma_start3A_659] : memref<16x4096x256xf32, #tpu.memory_space<hbm>> -> memref<1x64x256xf32, #tpu.memory_space<hbm>>
          %dma_start3A_661 = tpu.memref_squeeze %dma_start3A_660 : memref<1x64x256xf32, #tpu.memory_space<hbm>> -> memref<64x256xf32, #tpu.memory_space<hbm>>
          tpu.enqueue_dma source(%dma_start3A_661 : memref<64x256xf32, #tpu.memory_space<hbm>>) target(%dma_start3A_658 : memref<64x256xf32, #tpu.memory_space<vmem>>) target_semaphore(%arg12 : memref<!tpu.dma_semaphore, #tpu.memory_space<semaphore_mem>>)
        } else {
        }
      } else {
      }
      %add3A_331 = arith.constant 0 : i32
      %add3A_332 = arith.addi %mul3A_320, %add3A_331 : i32
      %jit3A_333 = arith.constant 2 : i32
      %div3A = arith.divsi %add3A_332, %jit3A_333 : i32
      %sign3A = arith.constant 0 : i32
      %sign3A_334 = arith.cmpi sgt, %add3A_332, %sign3A : i32
      %sign3A_335 = arith.extui %sign3A_334 : i1 to i32
      %sign3A_336 = arith.constant 0 : i32
      %sign3A_337 = arith.cmpi slt, %add3A_332, %sign3A_336 : i32
      %sign3A_338 = arith.extui %sign3A_337 : i1 to i32
      %sign3A_339 = arith.subi %sign3A_335, %sign3A_338 : i32
      %sign3A_340 = arith.constant 0 : i32
      %sign3A_341 = arith.cmpi sgt, %jit3A_333, %sign3A_340 : i32
      %sign3A_342 = arith.extui %sign3A_341 : i1 to i32
      %sign3A_343 = arith.constant 0 : i32
      %sign3A_344 = arith.cmpi slt, %jit3A_333, %sign3A_343 : i32
      %sign3A_345 = arith.extui %sign3A_344 : i1 to i32
      %sign3A_346 = arith.subi %sign3A_342, %sign3A_345 : i32
      %ne3A = arith.cmpi ne, %sign3A_339, %sign3A_346 : i32
      %rem3A = arith.remsi %add3A_332, %jit3A_333 : i32
      %ne3A_347 = arith.constant 0 : i32
      %ne3A_348 = arith.cmpi ne, %rem3A, %ne3A_347 : i32
      %and3A_349 = arith.andi %ne3A, %ne3A_348 : i1
      %sub3A_350 = arith.constant 1 : i32
      %sub3A_351 = arith.subi %div3A, %sub3A_350 : i32
      %select_n3A_352 = arith.select %and3A_349, %sub3A_351, %div3A : i32
      %jit3A_353 = arith.constant 2 : i32
      %eq3A_354 = arith.constant 0 : i32
      %eq3A_355 = arith.cmpi eq, %jit3A_353, %eq3A_354 : i32
      %jit3A_356 = arith.constant 1 : i32
      %select_n3A_357 = arith.select %eq3A_355, %jit3A_356, %jit3A_353 : i32
      %rem3A_358 = arith.remsi %add3A_332, %select_n3A_357 : i32
      %ne3A_359 = arith.constant 0 : i32
      %ne3A_360 = arith.cmpi ne, %rem3A_358, %ne3A_359 : i32
      %lt3A_361 = arith.constant 0 : i32
      %lt3A_362 = arith.cmpi slt, %rem3A_358, %lt3A_361 : i32
      %lt3A_363 = arith.constant 0 : i32
      %lt3A_364 = arith.cmpi slt, %select_n3A_357, %lt3A_363 : i32
      %ne3A_365 = arith.xori %lt3A_362, %lt3A_364 : i1
      %and3A_366 = arith.andi %ne3A_365, %ne3A_360 : i1
      %add3A_367 = arith.addi %rem3A_358, %select_n3A_357 : i32
      %select_n3A_368 = arith.select %and3A_366, %add3A_367, %rem3A_358 : i32
      %mul3A_369 = arith.constant 7 : i32
      %mul3A_370 = arith.muli %select_n3A_352, %mul3A_369 : i32
      %add3A_371 = arith.addi %add3A, %mul3A_370 : i32
      %and3A_372 = arith.constant 31 : i32
      %and3A_373 = arith.andi %add3A_371, %and3A_372 : i32
      %mul3A_374 = arith.constant 32 : i32
      %mul3A_375 = arith.muli %select_n3A_368, %mul3A_374 : i32
      %add3A_376 = arith.addi %mul3A_375, %and3A_373 : i32
      %mul3A_377 = arith.constant 64 : i32
      %mul3A_378 = arith.muli %add3A_376, %mul3A_377 : i32
      %get3A_379 = arith.index_cast %select_n3A_352 : i32 to index
      %get3A_380 = memref.load %arg6[%get3A_379] : memref<16xi32, #tpu.memory_space<smem>>
      %lt3A_381 = arith.cmpi slt, %mul3A_378, %get3A_380 : i32
      %convert_element_type3A_382 = arith.extui %lt3A_381 : i1 to i32
      %cond3A_383 = arith.constant 0 : i32
      %cond3A_384 = arith.cmpi ne, %convert_element_type3A_382, %cond3A_383 : i32
      scf.if %cond3A_384 {
        %dma_wait3A = arith.constant 0 : i32
        %dma_wait3A_592 = arith.constant 0 : i32
        %dma_wait3A_593 = arith.constant 0 : i32
        %dma_wait3A_594 = tpu.memref_slice %arg7[%dma_wait3A, %dma_wait3A_592, %dma_wait3A_593] : memref<4x64x256xf32, #tpu.memory_space<vmem>> -> memref<1x64x256xf32, #tpu.memory_space<vmem>>
        %dma_wait3A_595 = tpu.memref_squeeze %dma_wait3A_594 : memref<1x64x256xf32, #tpu.memory_space<vmem>> -> memref<64x256xf32, #tpu.memory_space<vmem>>
        %dma_wait3A_596 = arith.constant 0 : i32
        %dma_wait3A_597 = tpu.memref_slice %arg2[%select_n3A_352, %mul3A_378, %dma_wait3A_596] : memref<16x4096x256xf32, #tpu.memory_space<hbm>> -> memref<1x64x256xf32, #tpu.memory_space<hbm>>
        %dma_wait3A_598 = tpu.memref_squeeze %dma_wait3A_597 : memref<1x64x256xf32, #tpu.memory_space<hbm>> -> memref<64x256xf32, #tpu.memory_space<hbm>>
        %dma_wait3A_599 = arith.constant 0 : i32
        %dma_wait3A_600 = arith.constant 0 : i32
        %dma_wait3A_601 = tpu.memref_slice %arg7[%dma_wait3A, %dma_wait3A_599, %dma_wait3A_600] : memref<4x64x256xf32, #tpu.memory_space<vmem>> -> memref<1x64x256xf32, #tpu.memory_space<vmem>>
        %dma_wait3A_602 = tpu.memref_squeeze %dma_wait3A_601 : memref<1x64x256xf32, #tpu.memory_space<vmem>> -> memref<64x256xf32, #tpu.memory_space<vmem>>
        %dma_wait3A_603 = arith.constant 0 : i32
        %dma_wait3A_604 = tpu.memref_slice %arg2[%select_n3A_352, %mul3A_378, %dma_wait3A_603] : memref<16x4096x256xf32, #tpu.memory_space<hbm>> -> memref<1x64x256xf32, #tpu.memory_space<hbm>>
        %dma_wait3A_605 = tpu.memref_squeeze %dma_wait3A_604 : memref<1x64x256xf32, #tpu.memory_space<hbm>> -> memref<64x256xf32, #tpu.memory_space<hbm>>
        tpu.wait_dma2 semaphore(%arg9 : memref<!tpu.dma_semaphore, #tpu.memory_space<semaphore_mem>>) src(%dma_wait3A_605 : memref<64x256xf32, #tpu.memory_space<hbm>>) dst(%dma_wait3A_602 : memref<64x256xf32, #tpu.memory_space<vmem>>)
        %broadcast_in_dim3A_606 = arith.constant 0.000000e+00 : f32
        %broadcast_in_dim3A_607 = vector.broadcast %broadcast_in_dim3A_606 : f32 to vector<16xf32>
        %scan3A_608 = arith.constant 0 : i32
        %scan3A_609 = arith.constant 64 : i32
        %scan3A_610 = arith.addi %scan3A_608, %scan3A_609 : i32
        %scan3A_611 = arith.constant 2 : i32
        %scan3A_612:16 = scf.for %scan3A_634 = %scan3A_608 to %scan3A_610 step %scan3A_611 iter_args(%scan3A_635 = %broadcast_in_dim3A_607, %scan3A_636 = %broadcast_in_dim3A_607, %scan3A_637 = %broadcast_in_dim3A_607, %scan3A_638 = %broadcast_in_dim3A_607, %scan3A_639 = %broadcast_in_dim3A_607, %scan3A_640 = %broadcast_in_dim3A_607, %scan3A_641 = %broadcast_in_dim3A_607, %scan3A_642 = %broadcast_in_dim3A_607, %scan3A_643 = %broadcast_in_dim3A_607, %scan3A_644 = %broadcast_in_dim3A_607, %scan3A_645 = %broadcast_in_dim3A_607, %scan3A_646 = %broadcast_in_dim3A_607, %scan3A_647 = %broadcast_in_dim3A_607, %scan3A_648 = %broadcast_in_dim3A_607, %scan3A_649 = %broadcast_in_dim3A_607, %scan3A_650 = %broadcast_in_dim3A_607) -> (vector<16xf32>, vector<16xf32>, vector<16xf32>, vector<16xf32>, vector<16xf32>, vector<16xf32>, vector<16xf32>, vector<16xf32>, vector<16xf32>, vector<16xf32>, vector<16xf32>, vector<16xf32>, vector<16xf32>, vector<16xf32>, vector<16xf32>, vector<16xf32>)  : i32 {
          %get3A_651 = arith.constant 0 : i32
          %get3A_652 = arith.index_cast %get3A_651 : i32 to index
          %get3A_653 = arith.index_cast %scan3A_634 : i32 to index
          %get3A_654 = arith.constant 0 : index
          %get3A_655 = tpu.vector_load %arg7[%get3A_652, %get3A_653, %get3A_654] {strides = array<i32>} : memref<4x64x256xf32, #tpu.memory_space<vmem>>, vector<16xf32>,
          %sub3A_656 = arith.subf %get3A_655, %get3A_655 : vector<16xf32>
          %add3A_657 = arith.addf %scan3A_635, %sub3A_656 : vector<16xf32>
          %get3A_658 = arith.constant 0 : i32
          %get3A_659 = arith.index_cast %get3A_658 : i32 to index
          %get3A_660 = arith.index_cast %scan3A_634 : i32 to index
          %get3A_661 = arith.constant 16 : index
          %get3A_662 = tpu.vector_load %arg7[%get3A_659, %get3A_660, %get3A_661] {strides = array<i32>} : memref<4x64x256xf32, #tpu.memory_space<vmem>>, vector<16xf32>,
          %sub3A_663 = arith.subf %get3A_662, %get3A_662 : vector<16xf32>
          %add3A_664 = arith.addf %scan3A_636, %sub3A_663 : vector<16xf32>
          %get3A_665 = arith.constant 0 : i32
          %get3A_666 = arith.index_cast %get3A_665 : i32 to index
          %get3A_667 = arith.index_cast %scan3A_634 : i32 to index
          %get3A_668 = arith.constant 32 : index
          %get3A_669 = tpu.vector_load %arg7[%get3A_666, %get3A_667, %get3A_668] {strides = array<i32>} : memref<4x64x256xf32, #tpu.memory_space<vmem>>, vector<16xf32>,
          %sub3A_670 = arith.subf %get3A_669, %get3A_669 : vector<16xf32>
          %add3A_671 = arith.addf %scan3A_637, %sub3A_670 : vector<16xf32>
          %get3A_672 = arith.constant 0 : i32
          %get3A_673 = arith.index_cast %get3A_672 : i32 to index
          %get3A_674 = arith.index_cast %scan3A_634 : i32 to index
          %get3A_675 = arith.constant 48 : index
          %get3A_676 = tpu.vector_load %arg7[%get3A_673, %get3A_674, %get3A_675] {strides = array<i32>} : memref<4x64x256xf32, #tpu.memory_space<vmem>>, vector<16xf32>,
          %sub3A_677 = arith.subf %get3A_676, %get3A_676 : vector<16xf32>
          %add3A_678 = arith.addf %scan3A_638, %sub3A_677 : vector<16xf32>
          %get3A_679 = arith.constant 0 : i32
          %get3A_680 = arith.index_cast %get3A_679 : i32 to index
          %get3A_681 = arith.index_cast %scan3A_634 : i32 to index
          %get3A_682 = arith.constant 64 : index
          %get3A_683 = tpu.vector_load %arg7[%get3A_680, %get3A_681, %get3A_682] {strides = array<i32>} : memref<4x64x256xf32, #tpu.memory_space<vmem>>, vector<16xf32>,
          %sub3A_684 = arith.subf %get3A_683, %get3A_683 : vector<16xf32>
          %add3A_685 = arith.addf %scan3A_639, %sub3A_684 : vector<16xf32>
          %get3A_686 = arith.constant 0 : i32
          %get3A_687 = arith.index_cast %get3A_686 : i32 to index
          %get3A_688 = arith.index_cast %scan3A_634 : i32 to index
          %get3A_689 = arith.constant 80 : index
          %get3A_690 = tpu.vector_load %arg7[%get3A_687, %get3A_688, %get3A_689] {strides = array<i32>} : memref<4x64x256xf32, #tpu.memory_space<vmem>>, vector<16xf32>,
          %sub3A_691 = arith.subf %get3A_690, %get3A_690 : vector<16xf32>
          %add3A_692 = arith.addf %scan3A_640, %sub3A_691 : vector<16xf32>
          %get3A_693 = arith.constant 0 : i32
          %get3A_694 = arith.index_cast %get3A_693 : i32 to index
          %get3A_695 = arith.index_cast %scan3A_634 : i32 to index
          %get3A_696 = arith.constant 96 : index
          %get3A_697 = tpu.vector_load %arg7[%get3A_694, %get3A_695, %get3A_696] {strides = array<i32>} : memref<4x64x256xf32, #tpu.memory_space<vmem>>, vector<16xf32>,
          %sub3A_698 = arith.subf %get3A_697, %get3A_697 : vector<16xf32>
          %add3A_699 = arith.addf %scan3A_641, %sub3A_698 : vector<16xf32>
          %get3A_700 = arith.constant 0 : i32
          %get3A_701 = arith.index_cast %get3A_700 : i32 to index
          %get3A_702 = arith.index_cast %scan3A_634 : i32 to index
          %get3A_703 = arith.constant 112 : index
          %get3A_704 = tpu.vector_load %arg7[%get3A_701, %get3A_702, %get3A_703] {strides = array<i32>} : memref<4x64x256xf32, #tpu.memory_space<vmem>>, vector<16xf32>,
          %sub3A_705 = arith.subf %get3A_704, %get3A_704 : vector<16xf32>
          %add3A_706 = arith.addf %scan3A_642, %sub3A_705 : vector<16xf32>
          %get3A_707 = arith.constant 0 : i32
          %get3A_708 = arith.index_cast %get3A_707 : i32 to index
          %get3A_709 = arith.index_cast %scan3A_634 : i32 to index
          %get3A_710 = arith.constant 128 : index
          %get3A_711 = tpu.vector_load %arg7[%get3A_708, %get3A_709, %get3A_710] {strides = array<i32>} : memref<4x64x256xf32, #tpu.memory_space<vmem>>, vector<16xf32>,
          %sub3A_712 = arith.subf %get3A_711, %get3A_711 : vector<16xf32>
          %add3A_713 = arith.addf %scan3A_643, %sub3A_712 : vector<16xf32>
          %get3A_714 = arith.constant 0 : i32
          %get3A_715 = arith.index_cast %get3A_714 : i32 to index
          %get3A_716 = arith.index_cast %scan3A_634 : i32 to index
          %get3A_717 = arith.constant 144 : index
          %get3A_718 = tpu.vector_load %arg7[%get3A_715, %get3A_716, %get3A_717] {strides = array<i32>} : memref<4x64x256xf32, #tpu.memory_space<vmem>>, vector<16xf32>,
          %sub3A_719 = arith.subf %get3A_718, %get3A_718 : vector<16xf32>
          %add3A_720 = arith.addf %scan3A_644, %sub3A_719 : vector<16xf32>
          %get3A_721 = arith.constant 0 : i32
          %get3A_722 = arith.index_cast %get3A_721 : i32 to index
          %get3A_723 = arith.index_cast %scan3A_634 : i32 to index
          %get3A_724 = arith.constant 160 : index
          %get3A_725 = tpu.vector_load %arg7[%get3A_722, %get3A_723, %get3A_724] {strides = array<i32>} : memref<4x64x256xf32, #tpu.memory_space<vmem>>, vector<16xf32>,
          %sub3A_726 = arith.subf %get3A_725, %get3A_725 : vector<16xf32>
          %add3A_727 = arith.addf %scan3A_645, %sub3A_726 : vector<16xf32>
          %get3A_728 = arith.constant 0 : i32
          %get3A_729 = arith.index_cast %get3A_728 : i32 to index
          %get3A_730 = arith.index_cast %scan3A_634 : i32 to index
          %get3A_731 = arith.constant 176 : index
          %get3A_732 = tpu.vector_load %arg7[%get3A_729, %get3A_730, %get3A_731] {strides = array<i32>} : memref<4x64x256xf32, #tpu.memory_space<vmem>>, vector<16xf32>,
          %sub3A_733 = arith.subf %get3A_732, %get3A_732 : vector<16xf32>
          %add3A_734 = arith.addf %scan3A_646, %sub3A_733 : vector<16xf32>
          %get3A_735 = arith.constant 0 : i32
          %get3A_736 = arith.index_cast %get3A_735 : i32 to index
          %get3A_737 = arith.index_cast %scan3A_634 : i32 to index
          %get3A_738 = arith.constant 192 : index
          %get3A_739 = tpu.vector_load %arg7[%get3A_736, %get3A_737, %get3A_738] {strides = array<i32>} : memref<4x64x256xf32, #tpu.memory_space<vmem>>, vector<16xf32>,
          %sub3A_740 = arith.subf %get3A_739, %get3A_739 : vector<16xf32>
          %add3A_741 = arith.addf %scan3A_647, %sub3A_740 : vector<16xf32>
          %get3A_742 = arith.constant 0 : i32
          %get3A_743 = arith.index_cast %get3A_742 : i32 to index
          %get3A_744 = arith.index_cast %scan3A_634 : i32 to index
          %get3A_745 = arith.constant 208 : index
          %get3A_746 = tpu.vector_load %arg7[%get3A_743, %get3A_744, %get3A_745] {strides = array<i32>} : memref<4x64x256xf32, #tpu.memory_space<vmem>>, vector<16xf32>,
          %sub3A_747 = arith.subf %get3A_746, %get3A_746 : vector<16xf32>
          %add3A_748 = arith.addf %scan3A_648, %sub3A_747 : vector<16xf32>
          %get3A_749 = arith.constant 0 : i32
          %get3A_750 = arith.index_cast %get3A_749 : i32 to index
          %get3A_751 = arith.index_cast %scan3A_634 : i32 to index
          %get3A_752 = arith.constant 224 : index
          %get3A_753 = tpu.vector_load %arg7[%get3A_750, %get3A_751, %get3A_752] {strides = array<i32>} : memref<4x64x256xf32, #tpu.memory_space<vmem>>, vector<16xf32>,
          %sub3A_754 = arith.subf %get3A_753, %get3A_753 : vector<16xf32>
          %add3A_755 = arith.addf %scan3A_649, %sub3A_754 : vector<16xf32>
          %get3A_756 = arith.constant 0 : i32
          %get3A_757 = arith.index_cast %get3A_756 : i32 to index
          %get3A_758 = arith.index_cast %scan3A_634 : i32 to index
          %get3A_759 = arith.constant 240 : index
          %get3A_760 = tpu.vector_load %arg7[%get3A_757, %get3A_758, %get3A_759] {strides = array<i32>} : memref<4x64x256xf32, #tpu.memory_space<vmem>>, vector<16xf32>,
          %sub3A_761 = arith.subf %get3A_760, %get3A_760 : vector<16xf32>
          %add3A_762 = arith.addf %scan3A_650, %sub3A_761 : vector<16xf32>
          %scan3A_763 = arith.constant 1 : i32
          %scan3A_764 = arith.addi %scan3A_634, %scan3A_763 : i32
          %get3A_765 = arith.constant 0 : i32
          %get3A_766 = arith.index_cast %get3A_765 : i32 to index
          %get3A_767 = arith.index_cast %scan3A_764 : i32 to index
          %get3A_768 = arith.constant 0 : index
          %get3A_769 = tpu.vector_load %arg7[%get3A_766, %get3A_767, %get3A_768] {strides = array<i32>} : memref<4x64x256xf32, #tpu.memory_space<vmem>>, vector<16xf32>,
          %sub3A_770 = arith.subf %get3A_769, %get3A_769 : vector<16xf32>
          %add3A_771 = arith.addf %add3A_657, %sub3A_770 : vector<16xf32>
          %get3A_772 = arith.constant 0 : i32
          %get3A_773 = arith.index_cast %get3A_772 : i32 to index
          %get3A_774 = arith.index_cast %scan3A_764 : i32 to index
          %get3A_775 = arith.constant 16 : index
          %get3A_776 = tpu.vector_load %arg7[%get3A_773, %get3A_774, %get3A_775] {strides = array<i32>} : memref<4x64x256xf32, #tpu.memory_space<vmem>>, vector<16xf32>,
          %sub3A_777 = arith.subf %get3A_776, %get3A_776 : vector<16xf32>
          %add3A_778 = arith.addf %add3A_664, %sub3A_777 : vector<16xf32>
          %get3A_779 = arith.constant 0 : i32
          %get3A_780 = arith.index_cast %get3A_779 : i32 to index
          %get3A_781 = arith.index_cast %scan3A_764 : i32 to index
          %get3A_782 = arith.constant 32 : index
          %get3A_783 = tpu.vector_load %arg7[%get3A_780, %get3A_781, %get3A_782] {strides = array<i32>} : memref<4x64x256xf32, #tpu.memory_space<vmem>>, vector<16xf32>,
          %sub3A_784 = arith.subf %get3A_783, %get3A_783 : vector<16xf32>
          %add3A_785 = arith.addf %add3A_671, %sub3A_784 : vector<16xf32>
          %get3A_786 = arith.constant 0 : i32
          %get3A_787 = arith.index_cast %get3A_786 : i32 to index
          %get3A_788 = arith.index_cast %scan3A_764 : i32 to index
          %get3A_789 = arith.constant 48 : index
          %get3A_790 = tpu.vector_load %arg7[%get3A_787, %get3A_788, %get3A_789] {strides = array<i32>} : memref<4x64x256xf32, #tpu.memory_space<vmem>>, vector<16xf32>,
          %sub3A_791 = arith.subf %get3A_790, %get3A_790 : vector<16xf32>
          %add3A_792 = arith.addf %add3A_678, %sub3A_791 : vector<16xf32>
          %get3A_793 = arith.constant 0 : i32
          %get3A_794 = arith.index_cast %get3A_793 : i32 to index
          %get3A_795 = arith.index_cast %scan3A_764 : i32 to index
          %get3A_796 = arith.constant 64 : index
          %get3A_797 = tpu.vector_load %arg7[%get3A_794, %get3A_795, %get3A_796] {strides = array<i32>} : memref<4x64x256xf32, #tpu.memory_space<vmem>>, vector<16xf32>,
          %sub3A_798 = arith.subf %get3A_797, %get3A_797 : vector<16xf32>
          %add3A_799 = arith.addf %add3A_685, %sub3A_798 : vector<16xf32>
          %get3A_800 = arith.constant 0 : i32
          %get3A_801 = arith.index_cast %get3A_800 : i32 to index
          %get3A_802 = arith.index_cast %scan3A_764 : i32 to index
          %get3A_803 = arith.constant 80 : index
          %get3A_804 = tpu.vector_load %arg7[%get3A_801, %get3A_802, %get3A_803] {strides = array<i32>} : memref<4x64x256xf32, #tpu.memory_space<vmem>>, vector<16xf32>,
          %sub3A_805 = arith.subf %get3A_804, %get3A_804 : vector<16xf32>
          %add3A_806 = arith.addf %add3A_692, %sub3A_805 : vector<16xf32>
          %get3A_807 = arith.constant 0 : i32
          %get3A_808 = arith.index_cast %get3A_807 : i32 to index
          %get3A_809 = arith.index_cast %scan3A_764 : i32 to index
          %get3A_810 = arith.constant 96 : index
          %get3A_811 = tpu.vector_load %arg7[%get3A_808, %get3A_809, %get3A_810] {strides = array<i32>} : memref<4x64x256xf32, #tpu.memory_space<vmem>>, vector<16xf32>,
          %sub3A_812 = arith.subf %get3A_811, %get3A_811 : vector<16xf32>
          %add3A_813 = arith.addf %add3A_699, %sub3A_812 : vector<16xf32>
          %get3A_814 = arith.constant 0 : i32
          %get3A_815 = arith.index_cast %get3A_814 : i32 to index
          %get3A_816 = arith.index_cast %scan3A_764 : i32 to index
          %get3A_817 = arith.constant 112 : index
          %get3A_818 = tpu.vector_load %arg7[%get3A_815, %get3A_816, %get3A_817] {strides = array<i32>} : memref<4x64x256xf32, #tpu.memory_space<vmem>>, vector<16xf32>,
          %sub3A_819 = arith.subf %get3A_818, %get3A_818 : vector<16xf32>
          %add3A_820 = arith.addf %add3A_706, %sub3A_819 : vector<16xf32>
          %get3A_821 = arith.constant 0 : i32
          %get3A_822 = arith.index_cast %get3A_821 : i32 to index
          %get3A_823 = arith.index_cast %scan3A_764 : i32 to index
          %get3A_824 = arith.constant 128 : index
          %get3A_825 = tpu.vector_load %arg7[%get3A_822, %get3A_823, %get3A_824] {strides = array<i32>} : memref<4x64x256xf32, #tpu.memory_space<vmem>>, vector<16xf32>,
          %sub3A_826 = arith.subf %get3A_825, %get3A_825 : vector<16xf32>
          %add3A_827 = arith.addf %add3A_713, %sub3A_826 : vector<16xf32>
          %get3A_828 = arith.constant 0 : i32
          %get3A_829 = arith.index_cast %get3A_828 : i32 to index
          %get3A_830 = arith.index_cast %scan3A_764 : i32 to index
          %get3A_831 = arith.constant 144 : index
          %get3A_832 = tpu.vector_load %arg7[%get3A_829, %get3A_830, %get3A_831] {strides = array<i32>} : memref<4x64x256xf32, #tpu.memory_space<vmem>>, vector<16xf32>,
          %sub3A_833 = arith.subf %get3A_832, %get3A_832 : vector<16xf32>
          %add3A_834 = arith.addf %add3A_720, %sub3A_833 : vector<16xf32>
          %get3A_835 = arith.constant 0 : i32
          %get3A_836 = arith.index_cast %get3A_835 : i32 to index
          %get3A_837 = arith.index_cast %scan3A_764 : i32 to index
          %get3A_838 = arith.constant 160 : index
          %get3A_839 = tpu.vector_load %arg7[%get3A_836, %get3A_837, %get3A_838] {strides = array<i32>} : memref<4x64x256xf32, #tpu.memory_space<vmem>>, vector<16xf32>,
          %sub3A_840 = arith.subf %get3A_839, %get3A_839 : vector<16xf32>
          %add3A_841 = arith.addf %add3A_727, %sub3A_840 : vector<16xf32>
          %get3A_842 = arith.constant 0 : i32
          %get3A_843 = arith.index_cast %get3A_842 : i32 to index
          %get3A_844 = arith.index_cast %scan3A_764 : i32 to index
          %get3A_845 = arith.constant 176 : index
          %get3A_846 = tpu.vector_load %arg7[%get3A_843, %get3A_844, %get3A_845] {strides = array<i32>} : memref<4x64x256xf32, #tpu.memory_space<vmem>>, vector<16xf32>,
          %sub3A_847 = arith.subf %get3A_846, %get3A_846 : vector<16xf32>
          %add3A_848 = arith.addf %add3A_734, %sub3A_847 : vector<16xf32>
          %get3A_849 = arith.constant 0 : i32
          %get3A_850 = arith.index_cast %get3A_849 : i32 to index
          %get3A_851 = arith.index_cast %scan3A_764 : i32 to index
          %get3A_852 = arith.constant 192 : index
          %get3A_853 = tpu.vector_load %arg7[%get3A_850, %get3A_851, %get3A_852] {strides = array<i32>} : memref<4x64x256xf32, #tpu.memory_space<vmem>>, vector<16xf32>,
          %sub3A_854 = arith.subf %get3A_853, %get3A_853 : vector<16xf32>
          %add3A_855 = arith.addf %add3A_741, %sub3A_854 : vector<16xf32>
          %get3A_856 = arith.constant 0 : i32
          %get3A_857 = arith.index_cast %get3A_856 : i32 to index
          %get3A_858 = arith.index_cast %scan3A_764 : i32 to index
          %get3A_859 = arith.constant 208 : index
          %get3A_860 = tpu.vector_load %arg7[%get3A_857, %get3A_858, %get3A_859] {strides = array<i32>} : memref<4x64x256xf32, #tpu.memory_space<vmem>>, vector<16xf32>,
          %sub3A_861 = arith.subf %get3A_860, %get3A_860 : vector<16xf32>
          %add3A_862 = arith.addf %add3A_748, %sub3A_861 : vector<16xf32>
          %get3A_863 = arith.constant 0 : i32
          %get3A_864 = arith.index_cast %get3A_863 : i32 to index
          %get3A_865 = arith.index_cast %scan3A_764 : i32 to index
          %get3A_866 = arith.constant 224 : index
          %get3A_867 = tpu.vector_load %arg7[%get3A_864, %get3A_865, %get3A_866] {strides = array<i32>} : memref<4x64x256xf32, #tpu.memory_space<vmem>>, vector<16xf32>,
          %sub3A_868 = arith.subf %get3A_867, %get3A_867 : vector<16xf32>
          %add3A_869 = arith.addf %add3A_755, %sub3A_868 : vector<16xf32>
          %get3A_870 = arith.constant 0 : i32
          %get3A_871 = arith.index_cast %get3A_870 : i32 to index
          %get3A_872 = arith.index_cast %scan3A_764 : i32 to index
          %get3A_873 = arith.constant 240 : index
          %get3A_874 = tpu.vector_load %arg7[%get3A_871, %get3A_872, %get3A_873] {strides = array<i32>} : memref<4x64x256xf32, #tpu.memory_space<vmem>>, vector<16xf32>,
          %sub3A_875 = arith.subf %get3A_874, %get3A_874 : vector<16xf32>
          %add3A_876 = arith.addf %add3A_762, %sub3A_875 : vector<16xf32>
          scf.yield %add3A_771, %add3A_778, %add3A_785, %add3A_792, %add3A_799, %add3A_806, %add3A_813, %add3A_820, %add3A_827, %add3A_834, %add3A_841, %add3A_848, %add3A_855, %add3A_862, %add3A_869, %add3A_876 : vector<16xf32>, vector<16xf32>, vector<16xf32>, vector<16xf32>, vector<16xf32>, vector<16xf32>, vector<16xf32>, vector<16xf32>, vector<16xf32>, vector<16xf32>, vector<16xf32>, vector<16xf32>, vector<16xf32>, vector<16xf32>, vector<16xf32>, vector<16xf32>
        }
        %scan3A_613 = arith.constant 64 : i32
        %add3A_614 = arith.addf %scan3A_612#0, %scan3A_612#1 : vector<16xf32>
        %add3A_615 = arith.addf %add3A_614, %scan3A_612#2 : vector<16xf32>
        %add3A_616 = arith.addf %add3A_615, %scan3A_612#3 : vector<16xf32>
        %add3A_617 = arith.addf %add3A_616, %scan3A_612#4 : vector<16xf32>
        %add3A_618 = arith.addf %add3A_617, %scan3A_612#5 : vector<16xf32>
        %add3A_619 = arith.addf %add3A_618, %scan3A_612#6 : vector<16xf32>
        %add3A_620 = arith.addf %add3A_619, %scan3A_612#7 : vector<16xf32>
        %add3A_621 = arith.addf %add3A_620, %scan3A_612#8 : vector<16xf32>
        %add3A_622 = arith.addf %add3A_621, %scan3A_612#9 : vector<16xf32>
        %add3A_623 = arith.addf %add3A_622, %scan3A_612#10 : vector<16xf32>
        %add3A_624 = arith.addf %add3A_623, %scan3A_612#11 : vector<16xf32>
        %add3A_625 = arith.addf %add3A_624, %scan3A_612#12 : vector<16xf32>
        %add3A_626 = arith.addf %add3A_625, %scan3A_612#13 : vector<16xf32>
        %add3A_627 = arith.addf %add3A_626, %scan3A_612#14 : vector<16xf32>
        %add3A_628 = arith.addf %add3A_627, %scan3A_612#15 : vector<16xf32>
        %get3A_629 = arith.constant 0 : index
        %get3A_630 = tpu.vector_load %arg8[%get3A_629] {strides = array<i32>} : memref<16xf32, #tpu.memory_space<vmem>>, vector<16xf32>,
        %add3A_631 = arith.addf %get3A_630, %add3A_628 : vector<16xf32>
        %swap3A_632 = arith.constant 0 : index
        %swap3A_633 = tpu.vector_load %arg8[%swap3A_632] {strides = array<i32>} : memref<16xf32, #tpu.memory_space<vmem>>, vector<16xf32>,
        tpu.vector_store %arg8[%swap3A_632], %add3A_631 {strides = array<i32>} : memref<16xf32, #tpu.memory_space<vmem>>, vector<16xf32>,
      } else {
      }
      %add3A_385 = arith.constant 1 : i32
      %add3A_386 = arith.addi %mul3A_320, %add3A_385 : i32
      %add3A_387 = arith.constant 4 : i32
      %add3A_388 = arith.addi %add3A_386, %add3A_387 : i32
      %sub3A_389 = arith.constant 1 : i32
      %sub3A_390 = arith.subi %add3A_388, %sub3A_389 : i32
      %lt3A_391 = arith.constant 32 : i32
      %lt3A_392 = arith.cmpi slt, %sub3A_390, %lt3A_391 : i32
      %convert_element_type3A_393 = arith.extui %lt3A_392 : i1 to i32
      %cond3A_394 = arith.constant 0 : i32
      %cond3A_395 = arith.cmpi ne, %convert_element_type3A_393, %cond3A_394 : i32
      scf.if %cond3A_395 {
        %jit3A_592 = arith.constant 2 : i32
        %div3A_593 = arith.divsi %sub3A_390, %jit3A_592 : i32
        %sign3A_594 = arith.constant 0 : i32
        %sign3A_595 = arith.cmpi sgt, %sub3A_390, %sign3A_594 : i32
        %sign3A_596 = arith.extui %sign3A_595 : i1 to i32
        %sign3A_597 = arith.constant 0 : i32
        %sign3A_598 = arith.cmpi slt, %sub3A_390, %sign3A_597 : i32
        %sign3A_599 = arith.extui %sign3A_598 : i1 to i32
        %sign3A_600 = arith.subi %sign3A_596, %sign3A_599 : i32
        %sign3A_601 = arith.constant 0 : i32
        %sign3A_602 = arith.cmpi sgt, %jit3A_592, %sign3A_601 : i32
        %sign3A_603 = arith.extui %sign3A_602 : i1 to i32
        %sign3A_604 = arith.constant 0 : i32
        %sign3A_605 = arith.cmpi slt, %jit3A_592, %sign3A_604 : i32
        %sign3A_606 = arith.extui %sign3A_605 : i1 to i32
        %sign3A_607 = arith.subi %sign3A_603, %sign3A_606 : i32
        %ne3A_608 = arith.cmpi ne, %sign3A_600, %sign3A_607 : i32
        %rem3A_609 = arith.remsi %sub3A_390, %jit3A_592 : i32
        %ne3A_610 = arith.constant 0 : i32
        %ne3A_611 = arith.cmpi ne, %rem3A_609, %ne3A_610 : i32
        %and3A_612 = arith.andi %ne3A_608, %ne3A_611 : i1
        %sub3A_613 = arith.constant 1 : i32
        %sub3A_614 = arith.subi %div3A_593, %sub3A_613 : i32
        %select_n3A_615 = arith.select %and3A_612, %sub3A_614, %div3A_593 : i32
        %jit3A_616 = arith.constant 2 : i32
        %eq3A_617 = arith.constant 0 : i32
        %eq3A_618 = arith.cmpi eq, %jit3A_616, %eq3A_617 : i32
        %jit3A_619 = arith.constant 1 : i32
        %select_n3A_620 = arith.select %eq3A_618, %jit3A_619, %jit3A_616 : i32
        %rem3A_621 = arith.remsi %sub3A_390, %select_n3A_620 : i32
        %ne3A_622 = arith.constant 0 : i32
        %ne3A_623 = arith.cmpi ne, %rem3A_621, %ne3A_622 : i32
        %lt3A_624 = arith.constant 0 : i32
        %lt3A_625 = arith.cmpi slt, %rem3A_621, %lt3A_624 : i32
        %lt3A_626 = arith.constant 0 : i32
        %lt3A_627 = arith.cmpi slt, %select_n3A_620, %lt3A_626 : i32
        %ne3A_628 = arith.xori %lt3A_625, %lt3A_627 : i1
        %and3A_629 = arith.andi %ne3A_628, %ne3A_623 : i1
        %add3A_630 = arith.addi %rem3A_621, %select_n3A_620 : i32
        %select_n3A_631 = arith.select %and3A_629, %add3A_630, %rem3A_621 : i32
        %mul3A_632 = arith.constant 7 : i32
        %mul3A_633 = arith.muli %select_n3A_615, %mul3A_632 : i32
        %add3A_634 = arith.addi %add3A, %mul3A_633 : i32
        %and3A_635 = arith.constant 31 : i32
        %and3A_636 = arith.andi %add3A_634, %and3A_635 : i32
        %mul3A_637 = arith.constant 32 : i32
        %mul3A_638 = arith.muli %select_n3A_631, %mul3A_637 : i32
        %add3A_639 = arith.addi %mul3A_638, %and3A_636 : i32
        %mul3A_640 = arith.constant 64 : i32
        %mul3A_641 = arith.muli %add3A_639, %mul3A_640 : i32
        %get3A_642 = arith.index_cast %select_n3A_615 : i32 to index
        %get3A_643 = memref.load %arg6[%get3A_642] : memref<16xi32, #tpu.memory_space<smem>>
        %lt3A_644 = arith.cmpi slt, %mul3A_641, %get3A_643 : i32
        %convert_element_type3A_645 = arith.extui %lt3A_644 : i1 to i32
        %cond3A_646 = arith.constant 0 : i32
        %cond3A_647 = arith.cmpi ne, %convert_element_type3A_645, %cond3A_646 : i32
        scf.if %cond3A_647 {
          %dma_start3A = arith.constant 0 : i32
          %dma_start3A_648 = arith.constant 0 : i32
          %dma_start3A_649 = arith.constant 0 : i32
          %dma_start3A_650 = tpu.memref_slice %arg7[%dma_start3A, %dma_start3A_648, %dma_start3A_649] : memref<4x64x256xf32, #tpu.memory_space<vmem>> -> memref<1x64x256xf32, #tpu.memory_space<vmem>>
          %dma_start3A_651 = tpu.memref_squeeze %dma_start3A_650 : memref<1x64x256xf32, #tpu.memory_space<vmem>> -> memref<64x256xf32, #tpu.memory_space<vmem>>
          %dma_start3A_652 = arith.constant 0 : i32
          %dma_start3A_653 = tpu.memref_slice %arg2[%select_n3A_615, %mul3A_641, %dma_start3A_652] : memref<16x4096x256xf32, #tpu.memory_space<hbm>> -> memref<1x64x256xf32, #tpu.memory_space<hbm>>
          %dma_start3A_654 = tpu.memref_squeeze %dma_start3A_653 : memref<1x64x256xf32, #tpu.memory_space<hbm>> -> memref<64x256xf32, #tpu.memory_space<hbm>>
          %dma_start3A_655 = arith.constant 0 : i32
          %dma_start3A_656 = arith.constant 0 : i32
          %dma_start3A_657 = tpu.memref_slice %arg7[%dma_start3A, %dma_start3A_655, %dma_start3A_656] : memref<4x64x256xf32, #tpu.memory_space<vmem>> -> memref<1x64x256xf32, #tpu.memory_space<vmem>>
          %dma_start3A_658 = tpu.memref_squeeze %dma_start3A_657 : memref<1x64x256xf32, #tpu.memory_space<vmem>> -> memref<64x256xf32, #tpu.memory_space<vmem>>
          %dma_start3A_659 = arith.constant 0 : i32
          %dma_start3A_660 = tpu.memref_slice %arg2[%select_n3A_615, %mul3A_641, %dma_start3A_659] : memref<16x4096x256xf32, #tpu.memory_space<hbm>> -> memref<1x64x256xf32, #tpu.memory_space<hbm>>
          %dma_start3A_661 = tpu.memref_squeeze %dma_start3A_660 : memref<1x64x256xf32, #tpu.memory_space<hbm>> -> memref<64x256xf32, #tpu.memory_space<hbm>>
          tpu.enqueue_dma source(%dma_start3A_661 : memref<64x256xf32, #tpu.memory_space<hbm>>) target(%dma_start3A_658 : memref<64x256xf32, #tpu.memory_space<vmem>>) target_semaphore(%arg9 : memref<!tpu.dma_semaphore, #tpu.memory_space<semaphore_mem>>)
        } else {
        }
      } else {
      }
      %add3A_396 = arith.constant 1 : i32
      %add3A_397 = arith.addi %mul3A_320, %add3A_396 : i32
      %jit3A_398 = arith.constant 2 : i32
      %div3A_399 = arith.divsi %add3A_397, %jit3A_398 : i32
      %sign3A_400 = arith.constant 0 : i32
      %sign3A_401 = arith.cmpi sgt, %add3A_397, %sign3A_400 : i32
      %sign3A_402 = arith.extui %sign3A_401 : i1 to i32
      %sign3A_403 = arith.constant 0 : i32
      %sign3A_404 = arith.cmpi slt, %add3A_397, %sign3A_403 : i32
      %sign3A_405 = arith.extui %sign3A_404 : i1 to i32
      %sign3A_406 = arith.subi %sign3A_402, %sign3A_405 : i32
      %sign3A_407 = arith.constant 0 : i32
      %sign3A_408 = arith.cmpi sgt, %jit3A_398, %sign3A_407 : i32
      %sign3A_409 = arith.extui %sign3A_408 : i1 to i32
      %sign3A_410 = arith.constant 0 : i32
      %sign3A_411 = arith.cmpi slt, %jit3A_398, %sign3A_410 : i32
      %sign3A_412 = arith.extui %sign3A_411 : i1 to i32
      %sign3A_413 = arith.subi %sign3A_409, %sign3A_412 : i32
      %ne3A_414 = arith.cmpi ne, %sign3A_406, %sign3A_413 : i32
      %rem3A_415 = arith.remsi %add3A_397, %jit3A_398 : i32
      %ne3A_416 = arith.constant 0 : i32
      %ne3A_417 = arith.cmpi ne, %rem3A_415, %ne3A_416 : i32
      %and3A_418 = arith.andi %ne3A_414, %ne3A_417 : i1
      %sub3A_419 = arith.constant 1 : i32
      %sub3A_420 = arith.subi %div3A_399, %sub3A_419 : i32
      %select_n3A_421 = arith.select %and3A_418, %sub3A_420, %div3A_399 : i32
      %jit3A_422 = arith.constant 2 : i32
      %eq3A_423 = arith.constant 0 : i32
      %eq3A_424 = arith.cmpi eq, %jit3A_422, %eq3A_423 : i32
      %jit3A_425 = arith.constant 1 : i32
      %select_n3A_426 = arith.select %eq3A_424, %jit3A_425, %jit3A_422 : i32
      %rem3A_427 = arith.remsi %add3A_397, %select_n3A_426 : i32
      %ne3A_428 = arith.constant 0 : i32
      %ne3A_429 = arith.cmpi ne, %rem3A_427, %ne3A_428 : i32
      %lt3A_430 = arith.constant 0 : i32
      %lt3A_431 = arith.cmpi slt, %rem3A_427, %lt3A_430 : i32
      %lt3A_432 = arith.constant 0 : i32
      %lt3A_433 = arith.cmpi slt, %select_n3A_426, %lt3A_432 : i32
      %ne3A_434 = arith.xori %lt3A_431, %lt3A_433 : i1
      %and3A_435 = arith.andi %ne3A_434, %ne3A_429 : i1
      %add3A_436 = arith.addi %rem3A_427, %select_n3A_426 : i32
      %select_n3A_437 = arith.select %and3A_435, %add3A_436, %rem3A_427 : i32
      %mul3A_438 = arith.constant 7 : i32
      %mul3A_439 = arith.muli %select_n3A_421, %mul3A_438 : i32
      %add3A_440 = arith.addi %add3A, %mul3A_439 : i32
      %and3A_441 = arith.constant 31 : i32
      %and3A_442 = arith.andi %add3A_440, %and3A_441 : i32
      %mul3A_443 = arith.constant 32 : i32
      %mul3A_444 = arith.muli %select_n3A_437, %mul3A_443 : i32
      %add3A_445 = arith.addi %mul3A_444, %and3A_442 : i32
      %mul3A_446 = arith.constant 64 : i32
      %mul3A_447 = arith.muli %add3A_445, %mul3A_446 : i32
      %get3A_448 = arith.index_cast %select_n3A_421 : i32 to index
      %get3A_449 = memref.load %arg6[%get3A_448] : memref<16xi32, #tpu.memory_space<smem>>
      %lt3A_450 = arith.cmpi slt, %mul3A_447, %get3A_449 : i32
      %convert_element_type3A_451 = arith.extui %lt3A_450 : i1 to i32
      %cond3A_452 = arith.constant 0 : i32
      %cond3A_453 = arith.cmpi ne, %convert_element_type3A_451, %cond3A_452 : i32
      scf.if %cond3A_453 {
        %dma_wait3A = arith.constant 1 : i32
        %dma_wait3A_592 = arith.constant 0 : i32
        %dma_wait3A_593 = arith.constant 0 : i32
        %dma_wait3A_594 = tpu.memref_slice %arg7[%dma_wait3A, %dma_wait3A_592, %dma_wait3A_593] : memref<4x64x256xf32, #tpu.memory_space<vmem>> -> memref<1x64x256xf32, #tpu.memory_space<vmem>>
        %dma_wait3A_595 = tpu.memref_squeeze %dma_wait3A_594 : memref<1x64x256xf32, #tpu.memory_space<vmem>> -> memref<64x256xf32, #tpu.memory_space<vmem>>
        %dma_wait3A_596 = arith.constant 0 : i32
        %dma_wait3A_597 = tpu.memref_slice %arg2[%select_n3A_421, %mul3A_447, %dma_wait3A_596] : memref<16x4096x256xf32, #tpu.memory_space<hbm>> -> memref<1x64x256xf32, #tpu.memory_space<hbm>>
        %dma_wait3A_598 = tpu.memref_squeeze %dma_wait3A_597 : memref<1x64x256xf32, #tpu.memory_space<hbm>> -> memref<64x256xf32, #tpu.memory_space<hbm>>
        %dma_wait3A_599 = arith.constant 0 : i32
        %dma_wait3A_600 = arith.constant 0 : i32
        %dma_wait3A_601 = tpu.memref_slice %arg7[%dma_wait3A, %dma_wait3A_599, %dma_wait3A_600] : memref<4x64x256xf32, #tpu.memory_space<vmem>> -> memref<1x64x256xf32, #tpu.memory_space<vmem>>
        %dma_wait3A_602 = tpu.memref_squeeze %dma_wait3A_601 : memref<1x64x256xf32, #tpu.memory_space<vmem>> -> memref<64x256xf32, #tpu.memory_space<vmem>>
        %dma_wait3A_603 = arith.constant 0 : i32
        %dma_wait3A_604 = tpu.memref_slice %arg2[%select_n3A_421, %mul3A_447, %dma_wait3A_603] : memref<16x4096x256xf32, #tpu.memory_space<hbm>> -> memref<1x64x256xf32, #tpu.memory_space<hbm>>
        %dma_wait3A_605 = tpu.memref_squeeze %dma_wait3A_604 : memref<1x64x256xf32, #tpu.memory_space<hbm>> -> memref<64x256xf32, #tpu.memory_space<hbm>>
        tpu.wait_dma2 semaphore(%arg10 : memref<!tpu.dma_semaphore, #tpu.memory_space<semaphore_mem>>) src(%dma_wait3A_605 : memref<64x256xf32, #tpu.memory_space<hbm>>) dst(%dma_wait3A_602 : memref<64x256xf32, #tpu.memory_space<vmem>>)
        %broadcast_in_dim3A_606 = arith.constant 0.000000e+00 : f32
        %broadcast_in_dim3A_607 = vector.broadcast %broadcast_in_dim3A_606 : f32 to vector<16xf32>
        %scan3A_608 = arith.constant 0 : i32
        %scan3A_609 = arith.constant 64 : i32
        %scan3A_610 = arith.addi %scan3A_608, %scan3A_609 : i32
        %scan3A_611 = arith.constant 2 : i32
        %scan3A_612:16 = scf.for %scan3A_634 = %scan3A_608 to %scan3A_610 step %scan3A_611 iter_args(%scan3A_635 = %broadcast_in_dim3A_607, %scan3A_636 = %broadcast_in_dim3A_607, %scan3A_637 = %broadcast_in_dim3A_607, %scan3A_638 = %broadcast_in_dim3A_607, %scan3A_639 = %broadcast_in_dim3A_607, %scan3A_640 = %broadcast_in_dim3A_607, %scan3A_641 = %broadcast_in_dim3A_607, %scan3A_642 = %broadcast_in_dim3A_607, %scan3A_643 = %broadcast_in_dim3A_607, %scan3A_644 = %broadcast_in_dim3A_607, %scan3A_645 = %broadcast_in_dim3A_607, %scan3A_646 = %broadcast_in_dim3A_607, %scan3A_647 = %broadcast_in_dim3A_607, %scan3A_648 = %broadcast_in_dim3A_607, %scan3A_649 = %broadcast_in_dim3A_607, %scan3A_650 = %broadcast_in_dim3A_607) -> (vector<16xf32>, vector<16xf32>, vector<16xf32>, vector<16xf32>, vector<16xf32>, vector<16xf32>, vector<16xf32>, vector<16xf32>, vector<16xf32>, vector<16xf32>, vector<16xf32>, vector<16xf32>, vector<16xf32>, vector<16xf32>, vector<16xf32>, vector<16xf32>)  : i32 {
          %get3A_651 = arith.constant 1 : i32
          %get3A_652 = arith.index_cast %get3A_651 : i32 to index
          %get3A_653 = arith.index_cast %scan3A_634 : i32 to index
          %get3A_654 = arith.constant 0 : index
          %get3A_655 = tpu.vector_load %arg7[%get3A_652, %get3A_653, %get3A_654] {strides = array<i32>} : memref<4x64x256xf32, #tpu.memory_space<vmem>>, vector<16xf32>,
          %sub3A_656 = arith.subf %get3A_655, %get3A_655 : vector<16xf32>
          %add3A_657 = arith.addf %scan3A_635, %sub3A_656 : vector<16xf32>
          %get3A_658 = arith.constant 1 : i32
          %get3A_659 = arith.index_cast %get3A_658 : i32 to index
          %get3A_660 = arith.index_cast %scan3A_634 : i32 to index
          %get3A_661 = arith.constant 16 : index
          %get3A_662 = tpu.vector_load %arg7[%get3A_659, %get3A_660, %get3A_661] {strides = array<i32>} : memref<4x64x256xf32, #tpu.memory_space<vmem>>, vector<16xf32>,
          %sub3A_663 = arith.subf %get3A_662, %get3A_662 : vector<16xf32>
          %add3A_664 = arith.addf %scan3A_636, %sub3A_663 : vector<16xf32>
          %get3A_665 = arith.constant 1 : i32
          %get3A_666 = arith.index_cast %get3A_665 : i32 to index
          %get3A_667 = arith.index_cast %scan3A_634 : i32 to index
          %get3A_668 = arith.constant 32 : index
          %get3A_669 = tpu.vector_load %arg7[%get3A_666, %get3A_667, %get3A_668] {strides = array<i32>} : memref<4x64x256xf32, #tpu.memory_space<vmem>>, vector<16xf32>,
          %sub3A_670 = arith.subf %get3A_669, %get3A_669 : vector<16xf32>
          %add3A_671 = arith.addf %scan3A_637, %sub3A_670 : vector<16xf32>
          %get3A_672 = arith.constant 1 : i32
          %get3A_673 = arith.index_cast %get3A_672 : i32 to index
          %get3A_674 = arith.index_cast %scan3A_634 : i32 to index
          %get3A_675 = arith.constant 48 : index
          %get3A_676 = tpu.vector_load %arg7[%get3A_673, %get3A_674, %get3A_675] {strides = array<i32>} : memref<4x64x256xf32, #tpu.memory_space<vmem>>, vector<16xf32>,
          %sub3A_677 = arith.subf %get3A_676, %get3A_676 : vector<16xf32>
          %add3A_678 = arith.addf %scan3A_638, %sub3A_677 : vector<16xf32>
          %get3A_679 = arith.constant 1 : i32
          %get3A_680 = arith.index_cast %get3A_679 : i32 to index
          %get3A_681 = arith.index_cast %scan3A_634 : i32 to index
          %get3A_682 = arith.constant 64 : index
          %get3A_683 = tpu.vector_load %arg7[%get3A_680, %get3A_681, %get3A_682] {strides = array<i32>} : memref<4x64x256xf32, #tpu.memory_space<vmem>>, vector<16xf32>,
          %sub3A_684 = arith.subf %get3A_683, %get3A_683 : vector<16xf32>
          %add3A_685 = arith.addf %scan3A_639, %sub3A_684 : vector<16xf32>
          %get3A_686 = arith.constant 1 : i32
          %get3A_687 = arith.index_cast %get3A_686 : i32 to index
          %get3A_688 = arith.index_cast %scan3A_634 : i32 to index
          %get3A_689 = arith.constant 80 : index
          %get3A_690 = tpu.vector_load %arg7[%get3A_687, %get3A_688, %get3A_689] {strides = array<i32>} : memref<4x64x256xf32, #tpu.memory_space<vmem>>, vector<16xf32>,
          %sub3A_691 = arith.subf %get3A_690, %get3A_690 : vector<16xf32>
          %add3A_692 = arith.addf %scan3A_640, %sub3A_691 : vector<16xf32>
          %get3A_693 = arith.constant 1 : i32
          %get3A_694 = arith.index_cast %get3A_693 : i32 to index
          %get3A_695 = arith.index_cast %scan3A_634 : i32 to index
          %get3A_696 = arith.constant 96 : index
          %get3A_697 = tpu.vector_load %arg7[%get3A_694, %get3A_695, %get3A_696] {strides = array<i32>} : memref<4x64x256xf32, #tpu.memory_space<vmem>>, vector<16xf32>,
          %sub3A_698 = arith.subf %get3A_697, %get3A_697 : vector<16xf32>
          %add3A_699 = arith.addf %scan3A_641, %sub3A_698 : vector<16xf32>
          %get3A_700 = arith.constant 1 : i32
          %get3A_701 = arith.index_cast %get3A_700 : i32 to index
          %get3A_702 = arith.index_cast %scan3A_634 : i32 to index
          %get3A_703 = arith.constant 112 : index
          %get3A_704 = tpu.vector_load %arg7[%get3A_701, %get3A_702, %get3A_703] {strides = array<i32>} : memref<4x64x256xf32, #tpu.memory_space<vmem>>, vector<16xf32>,
          %sub3A_705 = arith.subf %get3A_704, %get3A_704 : vector<16xf32>
          %add3A_706 = arith.addf %scan3A_642, %sub3A_705 : vector<16xf32>
          %get3A_707 = arith.constant 1 : i32
          %get3A_708 = arith.index_cast %get3A_707 : i32 to index
          %get3A_709 = arith.index_cast %scan3A_634 : i32 to index
          %get3A_710 = arith.constant 128 : index
          %get3A_711 = tpu.vector_load %arg7[%get3A_708, %get3A_709, %get3A_710] {strides = array<i32>} : memref<4x64x256xf32, #tpu.memory_space<vmem>>, vector<16xf32>,
          %sub3A_712 = arith.subf %get3A_711, %get3A_711 : vector<16xf32>
          %add3A_713 = arith.addf %scan3A_643, %sub3A_712 : vector<16xf32>
          %get3A_714 = arith.constant 1 : i32
          %get3A_715 = arith.index_cast %get3A_714 : i32 to index
          %get3A_716 = arith.index_cast %scan3A_634 : i32 to index
          %get3A_717 = arith.constant 144 : index
          %get3A_718 = tpu.vector_load %arg7[%get3A_715, %get3A_716, %get3A_717] {strides = array<i32>} : memref<4x64x256xf32, #tpu.memory_space<vmem>>, vector<16xf32>,
          %sub3A_719 = arith.subf %get3A_718, %get3A_718 : vector<16xf32>
          %add3A_720 = arith.addf %scan3A_644, %sub3A_719 : vector<16xf32>
          %get3A_721 = arith.constant 1 : i32
          %get3A_722 = arith.index_cast %get3A_721 : i32 to index
          %get3A_723 = arith.index_cast %scan3A_634 : i32 to index
          %get3A_724 = arith.constant 160 : index
          %get3A_725 = tpu.vector_load %arg7[%get3A_722, %get3A_723, %get3A_724] {strides = array<i32>} : memref<4x64x256xf32, #tpu.memory_space<vmem>>, vector<16xf32>,
          %sub3A_726 = arith.subf %get3A_725, %get3A_725 : vector<16xf32>
          %add3A_727 = arith.addf %scan3A_645, %sub3A_726 : vector<16xf32>
          %get3A_728 = arith.constant 1 : i32
          %get3A_729 = arith.index_cast %get3A_728 : i32 to index
          %get3A_730 = arith.index_cast %scan3A_634 : i32 to index
          %get3A_731 = arith.constant 176 : index
          %get3A_732 = tpu.vector_load %arg7[%get3A_729, %get3A_730, %get3A_731] {strides = array<i32>} : memref<4x64x256xf32, #tpu.memory_space<vmem>>, vector<16xf32>,
          %sub3A_733 = arith.subf %get3A_732, %get3A_732 : vector<16xf32>
          %add3A_734 = arith.addf %scan3A_646, %sub3A_733 : vector<16xf32>
          %get3A_735 = arith.constant 1 : i32
          %get3A_736 = arith.index_cast %get3A_735 : i32 to index
          %get3A_737 = arith.index_cast %scan3A_634 : i32 to index
          %get3A_738 = arith.constant 192 : index
          %get3A_739 = tpu.vector_load %arg7[%get3A_736, %get3A_737, %get3A_738] {strides = array<i32>} : memref<4x64x256xf32, #tpu.memory_space<vmem>>, vector<16xf32>,
          %sub3A_740 = arith.subf %get3A_739, %get3A_739 : vector<16xf32>
          %add3A_741 = arith.addf %scan3A_647, %sub3A_740 : vector<16xf32>
          %get3A_742 = arith.constant 1 : i32
          %get3A_743 = arith.index_cast %get3A_742 : i32 to index
          %get3A_744 = arith.index_cast %scan3A_634 : i32 to index
          %get3A_745 = arith.constant 208 : index
          %get3A_746 = tpu.vector_load %arg7[%get3A_743, %get3A_744, %get3A_745] {strides = array<i32>} : memref<4x64x256xf32, #tpu.memory_space<vmem>>, vector<16xf32>,
          %sub3A_747 = arith.subf %get3A_746, %get3A_746 : vector<16xf32>
          %add3A_748 = arith.addf %scan3A_648, %sub3A_747 : vector<16xf32>
          %get3A_749 = arith.constant 1 : i32
          %get3A_750 = arith.index_cast %get3A_749 : i32 to index
          %get3A_751 = arith.index_cast %scan3A_634 : i32 to index
          %get3A_752 = arith.constant 224 : index
          %get3A_753 = tpu.vector_load %arg7[%get3A_750, %get3A_751, %get3A_752] {strides = array<i32>} : memref<4x64x256xf32, #tpu.memory_space<vmem>>, vector<16xf32>,
          %sub3A_754 = arith.subf %get3A_753, %get3A_753 : vector<16xf32>
          %add3A_755 = arith.addf %scan3A_649, %sub3A_754 : vector<16xf32>
          %get3A_756 = arith.constant 1 : i32
          %get3A_757 = arith.index_cast %get3A_756 : i32 to index
          %get3A_758 = arith.index_cast %scan3A_634 : i32 to index
          %get3A_759 = arith.constant 240 : index
          %get3A_760 = tpu.vector_load %arg7[%get3A_757, %get3A_758, %get3A_759] {strides = array<i32>} : memref<4x64x256xf32, #tpu.memory_space<vmem>>, vector<16xf32>,
          %sub3A_761 = arith.subf %get3A_760, %get3A_760 : vector<16xf32>
          %add3A_762 = arith.addf %scan3A_650, %sub3A_761 : vector<16xf32>
          %scan3A_763 = arith.constant 1 : i32
          %scan3A_764 = arith.addi %scan3A_634, %scan3A_763 : i32
          %get3A_765 = arith.constant 1 : i32
          %get3A_766 = arith.index_cast %get3A_765 : i32 to index
          %get3A_767 = arith.index_cast %scan3A_764 : i32 to index
          %get3A_768 = arith.constant 0 : index
          %get3A_769 = tpu.vector_load %arg7[%get3A_766, %get3A_767, %get3A_768] {strides = array<i32>} : memref<4x64x256xf32, #tpu.memory_space<vmem>>, vector<16xf32>,
          %sub3A_770 = arith.subf %get3A_769, %get3A_769 : vector<16xf32>
          %add3A_771 = arith.addf %add3A_657, %sub3A_770 : vector<16xf32>
          %get3A_772 = arith.constant 1 : i32
          %get3A_773 = arith.index_cast %get3A_772 : i32 to index
          %get3A_774 = arith.index_cast %scan3A_764 : i32 to index
          %get3A_775 = arith.constant 16 : index
          %get3A_776 = tpu.vector_load %arg7[%get3A_773, %get3A_774, %get3A_775] {strides = array<i32>} : memref<4x64x256xf32, #tpu.memory_space<vmem>>, vector<16xf32>,
          %sub3A_777 = arith.subf %get3A_776, %get3A_776 : vector<16xf32>
          %add3A_778 = arith.addf %add3A_664, %sub3A_777 : vector<16xf32>
          %get3A_779 = arith.constant 1 : i32
          %get3A_780 = arith.index_cast %get3A_779 : i32 to index
          %get3A_781 = arith.index_cast %scan3A_764 : i32 to index
          %get3A_782 = arith.constant 32 : index
          %get3A_783 = tpu.vector_load %arg7[%get3A_780, %get3A_781, %get3A_782] {strides = array<i32>} : memref<4x64x256xf32, #tpu.memory_space<vmem>>, vector<16xf32>,
          %sub3A_784 = arith.subf %get3A_783, %get3A_783 : vector<16xf32>
          %add3A_785 = arith.addf %add3A_671, %sub3A_784 : vector<16xf32>
          %get3A_786 = arith.constant 1 : i32
          %get3A_787 = arith.index_cast %get3A_786 : i32 to index
          %get3A_788 = arith.index_cast %scan3A_764 : i32 to index
          %get3A_789 = arith.constant 48 : index
          %get3A_790 = tpu.vector_load %arg7[%get3A_787, %get3A_788, %get3A_789] {strides = array<i32>} : memref<4x64x256xf32, #tpu.memory_space<vmem>>, vector<16xf32>,
          %sub3A_791 = arith.subf %get3A_790, %get3A_790 : vector<16xf32>
          %add3A_792 = arith.addf %add3A_678, %sub3A_791 : vector<16xf32>
          %get3A_793 = arith.constant 1 : i32
          %get3A_794 = arith.index_cast %get3A_793 : i32 to index
          %get3A_795 = arith.index_cast %scan3A_764 : i32 to index
          %get3A_796 = arith.constant 64 : index
          %get3A_797 = tpu.vector_load %arg7[%get3A_794, %get3A_795, %get3A_796] {strides = array<i32>} : memref<4x64x256xf32, #tpu.memory_space<vmem>>, vector<16xf32>,
          %sub3A_798 = arith.subf %get3A_797, %get3A_797 : vector<16xf32>
          %add3A_799 = arith.addf %add3A_685, %sub3A_798 : vector<16xf32>
          %get3A_800 = arith.constant 1 : i32
          %get3A_801 = arith.index_cast %get3A_800 : i32 to index
          %get3A_802 = arith.index_cast %scan3A_764 : i32 to index
          %get3A_803 = arith.constant 80 : index
          %get3A_804 = tpu.vector_load %arg7[%get3A_801, %get3A_802, %get3A_803] {strides = array<i32>} : memref<4x64x256xf32, #tpu.memory_space<vmem>>, vector<16xf32>,
          %sub3A_805 = arith.subf %get3A_804, %get3A_804 : vector<16xf32>
          %add3A_806 = arith.addf %add3A_692, %sub3A_805 : vector<16xf32>
          %get3A_807 = arith.constant 1 : i32
          %get3A_808 = arith.index_cast %get3A_807 : i32 to index
          %get3A_809 = arith.index_cast %scan3A_764 : i32 to index
          %get3A_810 = arith.constant 96 : index
          %get3A_811 = tpu.vector_load %arg7[%get3A_808, %get3A_809, %get3A_810] {strides = array<i32>} : memref<4x64x256xf32, #tpu.memory_space<vmem>>, vector<16xf32>,
          %sub3A_812 = arith.subf %get3A_811, %get3A_811 : vector<16xf32>
          %add3A_813 = arith.addf %add3A_699, %sub3A_812 : vector<16xf32>
          %get3A_814 = arith.constant 1 : i32
          %get3A_815 = arith.index_cast %get3A_814 : i32 to index
          %get3A_816 = arith.index_cast %scan3A_764 : i32 to index
          %get3A_817 = arith.constant 112 : index
          %get3A_818 = tpu.vector_load %arg7[%get3A_815, %get3A_816, %get3A_817] {strides = array<i32>} : memref<4x64x256xf32, #tpu.memory_space<vmem>>, vector<16xf32>,
          %sub3A_819 = arith.subf %get3A_818, %get3A_818 : vector<16xf32>
          %add3A_820 = arith.addf %add3A_706, %sub3A_819 : vector<16xf32>
          %get3A_821 = arith.constant 1 : i32
          %get3A_822 = arith.index_cast %get3A_821 : i32 to index
          %get3A_823 = arith.index_cast %scan3A_764 : i32 to index
          %get3A_824 = arith.constant 128 : index
          %get3A_825 = tpu.vector_load %arg7[%get3A_822, %get3A_823, %get3A_824] {strides = array<i32>} : memref<4x64x256xf32, #tpu.memory_space<vmem>>, vector<16xf32>,
          %sub3A_826 = arith.subf %get3A_825, %get3A_825 : vector<16xf32>
          %add3A_827 = arith.addf %add3A_713, %sub3A_826 : vector<16xf32>
          %get3A_828 = arith.constant 1 : i32
          %get3A_829 = arith.index_cast %get3A_828 : i32 to index
          %get3A_830 = arith.index_cast %scan3A_764 : i32 to index
          %get3A_831 = arith.constant 144 : index
          %get3A_832 = tpu.vector_load %arg7[%get3A_829, %get3A_830, %get3A_831] {strides = array<i32>} : memref<4x64x256xf32, #tpu.memory_space<vmem>>, vector<16xf32>,
          %sub3A_833 = arith.subf %get3A_832, %get3A_832 : vector<16xf32>
          %add3A_834 = arith.addf %add3A_720, %sub3A_833 : vector<16xf32>
          %get3A_835 = arith.constant 1 : i32
          %get3A_836 = arith.index_cast %get3A_835 : i32 to index
          %get3A_837 = arith.index_cast %scan3A_764 : i32 to index
          %get3A_838 = arith.constant 160 : index
          %get3A_839 = tpu.vector_load %arg7[%get3A_836, %get3A_837, %get3A_838] {strides = array<i32>} : memref<4x64x256xf32, #tpu.memory_space<vmem>>, vector<16xf32>,
          %sub3A_840 = arith.subf %get3A_839, %get3A_839 : vector<16xf32>
          %add3A_841 = arith.addf %add3A_727, %sub3A_840 : vector<16xf32>
          %get3A_842 = arith.constant 1 : i32
          %get3A_843 = arith.index_cast %get3A_842 : i32 to index
          %get3A_844 = arith.index_cast %scan3A_764 : i32 to index
          %get3A_845 = arith.constant 176 : index
          %get3A_846 = tpu.vector_load %arg7[%get3A_843, %get3A_844, %get3A_845] {strides = array<i32>} : memref<4x64x256xf32, #tpu.memory_space<vmem>>, vector<16xf32>,
          %sub3A_847 = arith.subf %get3A_846, %get3A_846 : vector<16xf32>
          %add3A_848 = arith.addf %add3A_734, %sub3A_847 : vector<16xf32>
          %get3A_849 = arith.constant 1 : i32
          %get3A_850 = arith.index_cast %get3A_849 : i32 to index
          %get3A_851 = arith.index_cast %scan3A_764 : i32 to index
          %get3A_852 = arith.constant 192 : index
          %get3A_853 = tpu.vector_load %arg7[%get3A_850, %get3A_851, %get3A_852] {strides = array<i32>} : memref<4x64x256xf32, #tpu.memory_space<vmem>>, vector<16xf32>,
          %sub3A_854 = arith.subf %get3A_853, %get3A_853 : vector<16xf32>
          %add3A_855 = arith.addf %add3A_741, %sub3A_854 : vector<16xf32>
          %get3A_856 = arith.constant 1 : i32
          %get3A_857 = arith.index_cast %get3A_856 : i32 to index
          %get3A_858 = arith.index_cast %scan3A_764 : i32 to index
          %get3A_859 = arith.constant 208 : index
          %get3A_860 = tpu.vector_load %arg7[%get3A_857, %get3A_858, %get3A_859] {strides = array<i32>} : memref<4x64x256xf32, #tpu.memory_space<vmem>>, vector<16xf32>,
          %sub3A_861 = arith.subf %get3A_860, %get3A_860 : vector<16xf32>
          %add3A_862 = arith.addf %add3A_748, %sub3A_861 : vector<16xf32>
          %get3A_863 = arith.constant 1 : i32
          %get3A_864 = arith.index_cast %get3A_863 : i32 to index
          %get3A_865 = arith.index_cast %scan3A_764 : i32 to index
          %get3A_866 = arith.constant 224 : index
          %get3A_867 = tpu.vector_load %arg7[%get3A_864, %get3A_865, %get3A_866] {strides = array<i32>} : memref<4x64x256xf32, #tpu.memory_space<vmem>>, vector<16xf32>,
          %sub3A_868 = arith.subf %get3A_867, %get3A_867 : vector<16xf32>
          %add3A_869 = arith.addf %add3A_755, %sub3A_868 : vector<16xf32>
          %get3A_870 = arith.constant 1 : i32
          %get3A_871 = arith.index_cast %get3A_870 : i32 to index
          %get3A_872 = arith.index_cast %scan3A_764 : i32 to index
          %get3A_873 = arith.constant 240 : index
          %get3A_874 = tpu.vector_load %arg7[%get3A_871, %get3A_872, %get3A_873] {strides = array<i32>} : memref<4x64x256xf32, #tpu.memory_space<vmem>>, vector<16xf32>,
          %sub3A_875 = arith.subf %get3A_874, %get3A_874 : vector<16xf32>
          %add3A_876 = arith.addf %add3A_762, %sub3A_875 : vector<16xf32>
          scf.yield %add3A_771, %add3A_778, %add3A_785, %add3A_792, %add3A_799, %add3A_806, %add3A_813, %add3A_820, %add3A_827, %add3A_834, %add3A_841, %add3A_848, %add3A_855, %add3A_862, %add3A_869, %add3A_876 : vector<16xf32>, vector<16xf32>, vector<16xf32>, vector<16xf32>, vector<16xf32>, vector<16xf32>, vector<16xf32>, vector<16xf32>, vector<16xf32>, vector<16xf32>, vector<16xf32>, vector<16xf32>, vector<16xf32>, vector<16xf32>, vector<16xf32>, vector<16xf32>
        }
        %scan3A_613 = arith.constant 64 : i32
        %add3A_614 = arith.addf %scan3A_612#0, %scan3A_612#1 : vector<16xf32>
        %add3A_615 = arith.addf %add3A_614, %scan3A_612#2 : vector<16xf32>
        %add3A_616 = arith.addf %add3A_615, %scan3A_612#3 : vector<16xf32>
        %add3A_617 = arith.addf %add3A_616, %scan3A_612#4 : vector<16xf32>
        %add3A_618 = arith.addf %add3A_617, %scan3A_612#5 : vector<16xf32>
        %add3A_619 = arith.addf %add3A_618, %scan3A_612#6 : vector<16xf32>
        %add3A_620 = arith.addf %add3A_619, %scan3A_612#7 : vector<16xf32>
        %add3A_621 = arith.addf %add3A_620, %scan3A_612#8 : vector<16xf32>
        %add3A_622 = arith.addf %add3A_621, %scan3A_612#9 : vector<16xf32>
        %add3A_623 = arith.addf %add3A_622, %scan3A_612#10 : vector<16xf32>
        %add3A_624 = arith.addf %add3A_623, %scan3A_612#11 : vector<16xf32>
        %add3A_625 = arith.addf %add3A_624, %scan3A_612#12 : vector<16xf32>
        %add3A_626 = arith.addf %add3A_625, %scan3A_612#13 : vector<16xf32>
        %add3A_627 = arith.addf %add3A_626, %scan3A_612#14 : vector<16xf32>
        %add3A_628 = arith.addf %add3A_627, %scan3A_612#15 : vector<16xf32>
        %get3A_629 = arith.constant 0 : index
        %get3A_630 = tpu.vector_load %arg8[%get3A_629] {strides = array<i32>} : memref<16xf32, #tpu.memory_space<vmem>>, vector<16xf32>,
        %add3A_631 = arith.addf %get3A_630, %add3A_628 : vector<16xf32>
        %swap3A_632 = arith.constant 0 : index
        %swap3A_633 = tpu.vector_load %arg8[%swap3A_632] {strides = array<i32>} : memref<16xf32, #tpu.memory_space<vmem>>, vector<16xf32>,
        tpu.vector_store %arg8[%swap3A_632], %add3A_631 {strides = array<i32>} : memref<16xf32, #tpu.memory_space<vmem>>, vector<16xf32>,
      } else {
      }
      %add3A_454 = arith.constant 2 : i32
      %add3A_455 = arith.addi %mul3A_320, %add3A_454 : i32
      %add3A_456 = arith.constant 4 : i32
      %add3A_457 = arith.addi %add3A_455, %add3A_456 : i32
      %sub3A_458 = arith.constant 1 : i32
      %sub3A_459 = arith.subi %add3A_457, %sub3A_458 : i32
      %lt3A_460 = arith.constant 32 : i32
      %lt3A_461 = arith.cmpi slt, %sub3A_459, %lt3A_460 : i32
      %convert_element_type3A_462 = arith.extui %lt3A_461 : i1 to i32
      %cond3A_463 = arith.constant 0 : i32
      %cond3A_464 = arith.cmpi ne, %convert_element_type3A_462, %cond3A_463 : i32
      scf.if %cond3A_464 {
        %jit3A_592 = arith.constant 2 : i32
        %div3A_593 = arith.divsi %sub3A_459, %jit3A_592 : i32
        %sign3A_594 = arith.constant 0 : i32
        %sign3A_595 = arith.cmpi sgt, %sub3A_459, %sign3A_594 : i32
        %sign3A_596 = arith.extui %sign3A_595 : i1 to i32
        %sign3A_597 = arith.constant 0 : i32
        %sign3A_598 = arith.cmpi slt, %sub3A_459, %sign3A_597 : i32
        %sign3A_599 = arith.extui %sign3A_598 : i1 to i32
        %sign3A_600 = arith.subi %sign3A_596, %sign3A_599 : i32
        %sign3A_601 = arith.constant 0 : i32
        %sign3A_602 = arith.cmpi sgt, %jit3A_592, %sign3A_601 : i32
        %sign3A_603 = arith.extui %sign3A_602 : i1 to i32
        %sign3A_604 = arith.constant 0 : i32
        %sign3A_605 = arith.cmpi slt, %jit3A_592, %sign3A_604 : i32
        %sign3A_606 = arith.extui %sign3A_605 : i1 to i32
        %sign3A_607 = arith.subi %sign3A_603, %sign3A_606 : i32
        %ne3A_608 = arith.cmpi ne, %sign3A_600, %sign3A_607 : i32
        %rem3A_609 = arith.remsi %sub3A_459, %jit3A_592 : i32
        %ne3A_610 = arith.constant 0 : i32
        %ne3A_611 = arith.cmpi ne, %rem3A_609, %ne3A_610 : i32
        %and3A_612 = arith.andi %ne3A_608, %ne3A_611 : i1
        %sub3A_613 = arith.constant 1 : i32
        %sub3A_614 = arith.subi %div3A_593, %sub3A_613 : i32
        %select_n3A_615 = arith.select %and3A_612, %sub3A_614, %div3A_593 : i32
        %jit3A_616 = arith.constant 2 : i32
        %eq3A_617 = arith.constant 0 : i32
        %eq3A_618 = arith.cmpi eq, %jit3A_616, %eq3A_617 : i32
        %jit3A_619 = arith.constant 1 : i32
        %select_n3A_620 = arith.select %eq3A_618, %jit3A_619, %jit3A_616 : i32
        %rem3A_621 = arith.remsi %sub3A_459, %select_n3A_620 : i32
        %ne3A_622 = arith.constant 0 : i32
        %ne3A_623 = arith.cmpi ne, %rem3A_621, %ne3A_622 : i32
        %lt3A_624 = arith.constant 0 : i32
        %lt3A_625 = arith.cmpi slt, %rem3A_621, %lt3A_624 : i32
        %lt3A_626 = arith.constant 0 : i32
        %lt3A_627 = arith.cmpi slt, %select_n3A_620, %lt3A_626 : i32
        %ne3A_628 = arith.xori %lt3A_625, %lt3A_627 : i1
        %and3A_629 = arith.andi %ne3A_628, %ne3A_623 : i1
        %add3A_630 = arith.addi %rem3A_621, %select_n3A_620 : i32
        %select_n3A_631 = arith.select %and3A_629, %add3A_630, %rem3A_621 : i32
        %mul3A_632 = arith.constant 7 : i32
        %mul3A_633 = arith.muli %select_n3A_615, %mul3A_632 : i32
        %add3A_634 = arith.addi %add3A, %mul3A_633 : i32
        %and3A_635 = arith.constant 31 : i32
        %and3A_636 = arith.andi %add3A_634, %and3A_635 : i32
        %mul3A_637 = arith.constant 32 : i32
        %mul3A_638 = arith.muli %select_n3A_631, %mul3A_637 : i32
        %add3A_639 = arith.addi %mul3A_638, %and3A_636 : i32
        %mul3A_640 = arith.constant 64 : i32
        %mul3A_641 = arith.muli %add3A_639, %mul3A_640 : i32
        %get3A_642 = arith.index_cast %select_n3A_615 : i32 to index
        %get3A_643 = memref.load %arg6[%get3A_642] : memref<16xi32, #tpu.memory_space<smem>>
        %lt3A_644 = arith.cmpi slt, %mul3A_641, %get3A_643 : i32
        %convert_element_type3A_645 = arith.extui %lt3A_644 : i1 to i32
        %cond3A_646 = arith.constant 0 : i32
        %cond3A_647 = arith.cmpi ne, %convert_element_type3A_645, %cond3A_646 : i32
        scf.if %cond3A_647 {
          %dma_start3A = arith.constant 1 : i32
          %dma_start3A_648 = arith.constant 0 : i32
          %dma_start3A_649 = arith.constant 0 : i32
          %dma_start3A_650 = tpu.memref_slice %arg7[%dma_start3A, %dma_start3A_648, %dma_start3A_649] : memref<4x64x256xf32, #tpu.memory_space<vmem>> -> memref<1x64x256xf32, #tpu.memory_space<vmem>>
          %dma_start3A_651 = tpu.memref_squeeze %dma_start3A_650 : memref<1x64x256xf32, #tpu.memory_space<vmem>> -> memref<64x256xf32, #tpu.memory_space<vmem>>
          %dma_start3A_652 = arith.constant 0 : i32
          %dma_start3A_653 = tpu.memref_slice %arg2[%select_n3A_615, %mul3A_641, %dma_start3A_652] : memref<16x4096x256xf32, #tpu.memory_space<hbm>> -> memref<1x64x256xf32, #tpu.memory_space<hbm>>
          %dma_start3A_654 = tpu.memref_squeeze %dma_start3A_653 : memref<1x64x256xf32, #tpu.memory_space<hbm>> -> memref<64x256xf32, #tpu.memory_space<hbm>>
          %dma_start3A_655 = arith.constant 0 : i32
          %dma_start3A_656 = arith.constant 0 : i32
          %dma_start3A_657 = tpu.memref_slice %arg7[%dma_start3A, %dma_start3A_655, %dma_start3A_656] : memref<4x64x256xf32, #tpu.memory_space<vmem>> -> memref<1x64x256xf32, #tpu.memory_space<vmem>>
          %dma_start3A_658 = tpu.memref_squeeze %dma_start3A_657 : memref<1x64x256xf32, #tpu.memory_space<vmem>> -> memref<64x256xf32, #tpu.memory_space<vmem>>
          %dma_start3A_659 = arith.constant 0 : i32
          %dma_start3A_660 = tpu.memref_slice %arg2[%select_n3A_615, %mul3A_641, %dma_start3A_659] : memref<16x4096x256xf32, #tpu.memory_space<hbm>> -> memref<1x64x256xf32, #tpu.memory_space<hbm>>
          %dma_start3A_661 = tpu.memref_squeeze %dma_start3A_660 : memref<1x64x256xf32, #tpu.memory_space<hbm>> -> memref<64x256xf32, #tpu.memory_space<hbm>>
          tpu.enqueue_dma source(%dma_start3A_661 : memref<64x256xf32, #tpu.memory_space<hbm>>) target(%dma_start3A_658 : memref<64x256xf32, #tpu.memory_space<vmem>>) target_semaphore(%arg10 : memref<!tpu.dma_semaphore, #tpu.memory_space<semaphore_mem>>)
        } else {
        }
      } else {
      }
      %add3A_465 = arith.constant 2 : i32
      %add3A_466 = arith.addi %mul3A_320, %add3A_465 : i32
      %jit3A_467 = arith.constant 2 : i32
      %div3A_468 = arith.divsi %add3A_466, %jit3A_467 : i32
      %sign3A_469 = arith.constant 0 : i32
      %sign3A_470 = arith.cmpi sgt, %add3A_466, %sign3A_469 : i32
      %sign3A_471 = arith.extui %sign3A_470 : i1 to i32
      %sign3A_472 = arith.constant 0 : i32
      %sign3A_473 = arith.cmpi slt, %add3A_466, %sign3A_472 : i32
      %sign3A_474 = arith.extui %sign3A_473 : i1 to i32
      %sign3A_475 = arith.subi %sign3A_471, %sign3A_474 : i32
      %sign3A_476 = arith.constant 0 : i32
      %sign3A_477 = arith.cmpi sgt, %jit3A_467, %sign3A_476 : i32
      %sign3A_478 = arith.extui %sign3A_477 : i1 to i32
      %sign3A_479 = arith.constant 0 : i32
      %sign3A_480 = arith.cmpi slt, %jit3A_467, %sign3A_479 : i32
      %sign3A_481 = arith.extui %sign3A_480 : i1 to i32
      %sign3A_482 = arith.subi %sign3A_478, %sign3A_481 : i32
      %ne3A_483 = arith.cmpi ne, %sign3A_475, %sign3A_482 : i32
      %rem3A_484 = arith.remsi %add3A_466, %jit3A_467 : i32
      %ne3A_485 = arith.constant 0 : i32
      %ne3A_486 = arith.cmpi ne, %rem3A_484, %ne3A_485 : i32
      %and3A_487 = arith.andi %ne3A_483, %ne3A_486 : i1
      %sub3A_488 = arith.constant 1 : i32
      %sub3A_489 = arith.subi %div3A_468, %sub3A_488 : i32
      %select_n3A_490 = arith.select %and3A_487, %sub3A_489, %div3A_468 : i32
      %jit3A_491 = arith.constant 2 : i32
      %eq3A_492 = arith.constant 0 : i32
      %eq3A_493 = arith.cmpi eq, %jit3A_491, %eq3A_492 : i32
      %jit3A_494 = arith.constant 1 : i32
      %select_n3A_495 = arith.select %eq3A_493, %jit3A_494, %jit3A_491 : i32
      %rem3A_496 = arith.remsi %add3A_466, %select_n3A_495 : i32
      %ne3A_497 = arith.constant 0 : i32
      %ne3A_498 = arith.cmpi ne, %rem3A_496, %ne3A_497 : i32
      %lt3A_499 = arith.constant 0 : i32
      %lt3A_500 = arith.cmpi slt, %rem3A_496, %lt3A_499 : i32
      %lt3A_501 = arith.constant 0 : i32
      %lt3A_502 = arith.cmpi slt, %select_n3A_495, %lt3A_501 : i32
      %ne3A_503 = arith.xori %lt3A_500, %lt3A_502 : i1
      %and3A_504 = arith.andi %ne3A_503, %ne3A_498 : i1
      %add3A_505 = arith.addi %rem3A_496, %select_n3A_495 : i32
      %select_n3A_506 = arith.select %and3A_504, %add3A_505, %rem3A_496 : i32
      %mul3A_507 = arith.constant 7 : i32
      %mul3A_508 = arith.muli %select_n3A_490, %mul3A_507 : i32
      %add3A_509 = arith.addi %add3A, %mul3A_508 : i32
      %and3A_510 = arith.constant 31 : i32
      %and3A_511 = arith.andi %add3A_509, %and3A_510 : i32
      %mul3A_512 = arith.constant 32 : i32
      %mul3A_513 = arith.muli %select_n3A_506, %mul3A_512 : i32
      %add3A_514 = arith.addi %mul3A_513, %and3A_511 : i32
      %mul3A_515 = arith.constant 64 : i32
      %mul3A_516 = arith.muli %add3A_514, %mul3A_515 : i32
      %get3A_517 = arith.index_cast %select_n3A_490 : i32 to index
      %get3A_518 = memref.load %arg6[%get3A_517] : memref<16xi32, #tpu.memory_space<smem>>
      %lt3A_519 = arith.cmpi slt, %mul3A_516, %get3A_518 : i32
      %convert_element_type3A_520 = arith.extui %lt3A_519 : i1 to i32
      %cond3A_521 = arith.constant 0 : i32
      %cond3A_522 = arith.cmpi ne, %convert_element_type3A_520, %cond3A_521 : i32
      scf.if %cond3A_522 {
        %dma_wait3A = arith.constant 2 : i32
        %dma_wait3A_592 = arith.constant 0 : i32
        %dma_wait3A_593 = arith.constant 0 : i32
        %dma_wait3A_594 = tpu.memref_slice %arg7[%dma_wait3A, %dma_wait3A_592, %dma_wait3A_593] : memref<4x64x256xf32, #tpu.memory_space<vmem>> -> memref<1x64x256xf32, #tpu.memory_space<vmem>>
        %dma_wait3A_595 = tpu.memref_squeeze %dma_wait3A_594 : memref<1x64x256xf32, #tpu.memory_space<vmem>> -> memref<64x256xf32, #tpu.memory_space<vmem>>
        %dma_wait3A_596 = arith.constant 0 : i32
        %dma_wait3A_597 = tpu.memref_slice %arg2[%select_n3A_490, %mul3A_516, %dma_wait3A_596] : memref<16x4096x256xf32, #tpu.memory_space<hbm>> -> memref<1x64x256xf32, #tpu.memory_space<hbm>>
        %dma_wait3A_598 = tpu.memref_squeeze %dma_wait3A_597 : memref<1x64x256xf32, #tpu.memory_space<hbm>> -> memref<64x256xf32, #tpu.memory_space<hbm>>
        %dma_wait3A_599 = arith.constant 0 : i32
        %dma_wait3A_600 = arith.constant 0 : i32
        %dma_wait3A_601 = tpu.memref_slice %arg7[%dma_wait3A, %dma_wait3A_599, %dma_wait3A_600] : memref<4x64x256xf32, #tpu.memory_space<vmem>> -> memref<1x64x256xf32, #tpu.memory_space<vmem>>
        %dma_wait3A_602 = tpu.memref_squeeze %dma_wait3A_601 : memref<1x64x256xf32, #tpu.memory_space<vmem>> -> memref<64x256xf32, #tpu.memory_space<vmem>>
        %dma_wait3A_603 = arith.constant 0 : i32
        %dma_wait3A_604 = tpu.memref_slice %arg2[%select_n3A_490, %mul3A_516, %dma_wait3A_603] : memref<16x4096x256xf32, #tpu.memory_space<hbm>> -> memref<1x64x256xf32, #tpu.memory_space<hbm>>
        %dma_wait3A_605 = tpu.memref_squeeze %dma_wait3A_604 : memref<1x64x256xf32, #tpu.memory_space<hbm>> -> memref<64x256xf32, #tpu.memory_space<hbm>>
        tpu.wait_dma2 semaphore(%arg11 : memref<!tpu.dma_semaphore, #tpu.memory_space<semaphore_mem>>) src(%dma_wait3A_605 : memref<64x256xf32, #tpu.memory_space<hbm>>) dst(%dma_wait3A_602 : memref<64x256xf32, #tpu.memory_space<vmem>>)
        %broadcast_in_dim3A_606 = arith.constant 0.000000e+00 : f32
        %broadcast_in_dim3A_607 = vector.broadcast %broadcast_in_dim3A_606 : f32 to vector<16xf32>
        %scan3A_608 = arith.constant 0 : i32
        %scan3A_609 = arith.constant 64 : i32
        %scan3A_610 = arith.addi %scan3A_608, %scan3A_609 : i32
        %scan3A_611 = arith.constant 2 : i32
        %scan3A_612:16 = scf.for %scan3A_634 = %scan3A_608 to %scan3A_610 step %scan3A_611 iter_args(%scan3A_635 = %broadcast_in_dim3A_607, %scan3A_636 = %broadcast_in_dim3A_607, %scan3A_637 = %broadcast_in_dim3A_607, %scan3A_638 = %broadcast_in_dim3A_607, %scan3A_639 = %broadcast_in_dim3A_607, %scan3A_640 = %broadcast_in_dim3A_607, %scan3A_641 = %broadcast_in_dim3A_607, %scan3A_642 = %broadcast_in_dim3A_607, %scan3A_643 = %broadcast_in_dim3A_607, %scan3A_644 = %broadcast_in_dim3A_607, %scan3A_645 = %broadcast_in_dim3A_607, %scan3A_646 = %broadcast_in_dim3A_607, %scan3A_647 = %broadcast_in_dim3A_607, %scan3A_648 = %broadcast_in_dim3A_607, %scan3A_649 = %broadcast_in_dim3A_607, %scan3A_650 = %broadcast_in_dim3A_607) -> (vector<16xf32>, vector<16xf32>, vector<16xf32>, vector<16xf32>, vector<16xf32>, vector<16xf32>, vector<16xf32>, vector<16xf32>, vector<16xf32>, vector<16xf32>, vector<16xf32>, vector<16xf32>, vector<16xf32>, vector<16xf32>, vector<16xf32>, vector<16xf32>)  : i32 {
          %get3A_651 = arith.constant 2 : i32
          %get3A_652 = arith.index_cast %get3A_651 : i32 to index
          %get3A_653 = arith.index_cast %scan3A_634 : i32 to index
          %get3A_654 = arith.constant 0 : index
          %get3A_655 = tpu.vector_load %arg7[%get3A_652, %get3A_653, %get3A_654] {strides = array<i32>} : memref<4x64x256xf32, #tpu.memory_space<vmem>>, vector<16xf32>,
          %sub3A_656 = arith.subf %get3A_655, %get3A_655 : vector<16xf32>
          %add3A_657 = arith.addf %scan3A_635, %sub3A_656 : vector<16xf32>
          %get3A_658 = arith.constant 2 : i32
          %get3A_659 = arith.index_cast %get3A_658 : i32 to index
          %get3A_660 = arith.index_cast %scan3A_634 : i32 to index
          %get3A_661 = arith.constant 16 : index
          %get3A_662 = tpu.vector_load %arg7[%get3A_659, %get3A_660, %get3A_661] {strides = array<i32>} : memref<4x64x256xf32, #tpu.memory_space<vmem>>, vector<16xf32>,
          %sub3A_663 = arith.subf %get3A_662, %get3A_662 : vector<16xf32>
          %add3A_664 = arith.addf %scan3A_636, %sub3A_663 : vector<16xf32>
          %get3A_665 = arith.constant 2 : i32
          %get3A_666 = arith.index_cast %get3A_665 : i32 to index
          %get3A_667 = arith.index_cast %scan3A_634 : i32 to index
          %get3A_668 = arith.constant 32 : index
          %get3A_669 = tpu.vector_load %arg7[%get3A_666, %get3A_667, %get3A_668] {strides = array<i32>} : memref<4x64x256xf32, #tpu.memory_space<vmem>>, vector<16xf32>,
          %sub3A_670 = arith.subf %get3A_669, %get3A_669 : vector<16xf32>
          %add3A_671 = arith.addf %scan3A_637, %sub3A_670 : vector<16xf32>
          %get3A_672 = arith.constant 2 : i32
          %get3A_673 = arith.index_cast %get3A_672 : i32 to index
          %get3A_674 = arith.index_cast %scan3A_634 : i32 to index
          %get3A_675 = arith.constant 48 : index
          %get3A_676 = tpu.vector_load %arg7[%get3A_673, %get3A_674, %get3A_675] {strides = array<i32>} : memref<4x64x256xf32, #tpu.memory_space<vmem>>, vector<16xf32>,
          %sub3A_677 = arith.subf %get3A_676, %get3A_676 : vector<16xf32>
          %add3A_678 = arith.addf %scan3A_638, %sub3A_677 : vector<16xf32>
          %get3A_679 = arith.constant 2 : i32
          %get3A_680 = arith.index_cast %get3A_679 : i32 to index
          %get3A_681 = arith.index_cast %scan3A_634 : i32 to index
          %get3A_682 = arith.constant 64 : index
          %get3A_683 = tpu.vector_load %arg7[%get3A_680, %get3A_681, %get3A_682] {strides = array<i32>} : memref<4x64x256xf32, #tpu.memory_space<vmem>>, vector<16xf32>,
          %sub3A_684 = arith.subf %get3A_683, %get3A_683 : vector<16xf32>
          %add3A_685 = arith.addf %scan3A_639, %sub3A_684 : vector<16xf32>
          %get3A_686 = arith.constant 2 : i32
          %get3A_687 = arith.index_cast %get3A_686 : i32 to index
          %get3A_688 = arith.index_cast %scan3A_634 : i32 to index
          %get3A_689 = arith.constant 80 : index
          %get3A_690 = tpu.vector_load %arg7[%get3A_687, %get3A_688, %get3A_689] {strides = array<i32>} : memref<4x64x256xf32, #tpu.memory_space<vmem>>, vector<16xf32>,
          %sub3A_691 = arith.subf %get3A_690, %get3A_690 : vector<16xf32>
          %add3A_692 = arith.addf %scan3A_640, %sub3A_691 : vector<16xf32>
          %get3A_693 = arith.constant 2 : i32
          %get3A_694 = arith.index_cast %get3A_693 : i32 to index
          %get3A_695 = arith.index_cast %scan3A_634 : i32 to index
          %get3A_696 = arith.constant 96 : index
          %get3A_697 = tpu.vector_load %arg7[%get3A_694, %get3A_695, %get3A_696] {strides = array<i32>} : memref<4x64x256xf32, #tpu.memory_space<vmem>>, vector<16xf32>,
          %sub3A_698 = arith.subf %get3A_697, %get3A_697 : vector<16xf32>
          %add3A_699 = arith.addf %scan3A_641, %sub3A_698 : vector<16xf32>
          %get3A_700 = arith.constant 2 : i32
          %get3A_701 = arith.index_cast %get3A_700 : i32 to index
          %get3A_702 = arith.index_cast %scan3A_634 : i32 to index
          %get3A_703 = arith.constant 112 : index
          %get3A_704 = tpu.vector_load %arg7[%get3A_701, %get3A_702, %get3A_703] {strides = array<i32>} : memref<4x64x256xf32, #tpu.memory_space<vmem>>, vector<16xf32>,
          %sub3A_705 = arith.subf %get3A_704, %get3A_704 : vector<16xf32>
          %add3A_706 = arith.addf %scan3A_642, %sub3A_705 : vector<16xf32>
          %get3A_707 = arith.constant 2 : i32
          %get3A_708 = arith.index_cast %get3A_707 : i32 to index
          %get3A_709 = arith.index_cast %scan3A_634 : i32 to index
          %get3A_710 = arith.constant 128 : index
          %get3A_711 = tpu.vector_load %arg7[%get3A_708, %get3A_709, %get3A_710] {strides = array<i32>} : memref<4x64x256xf32, #tpu.memory_space<vmem>>, vector<16xf32>,
          %sub3A_712 = arith.subf %get3A_711, %get3A_711 : vector<16xf32>
          %add3A_713 = arith.addf %scan3A_643, %sub3A_712 : vector<16xf32>
          %get3A_714 = arith.constant 2 : i32
          %get3A_715 = arith.index_cast %get3A_714 : i32 to index
          %get3A_716 = arith.index_cast %scan3A_634 : i32 to index
          %get3A_717 = arith.constant 144 : index
          %get3A_718 = tpu.vector_load %arg7[%get3A_715, %get3A_716, %get3A_717] {strides = array<i32>} : memref<4x64x256xf32, #tpu.memory_space<vmem>>, vector<16xf32>,
          %sub3A_719 = arith.subf %get3A_718, %get3A_718 : vector<16xf32>
          %add3A_720 = arith.addf %scan3A_644, %sub3A_719 : vector<16xf32>
          %get3A_721 = arith.constant 2 : i32
          %get3A_722 = arith.index_cast %get3A_721 : i32 to index
          %get3A_723 = arith.index_cast %scan3A_634 : i32 to index
          %get3A_724 = arith.constant 160 : index
          %get3A_725 = tpu.vector_load %arg7[%get3A_722, %get3A_723, %get3A_724] {strides = array<i32>} : memref<4x64x256xf32, #tpu.memory_space<vmem>>, vector<16xf32>,
          %sub3A_726 = arith.subf %get3A_725, %get3A_725 : vector<16xf32>
          %add3A_727 = arith.addf %scan3A_645, %sub3A_726 : vector<16xf32>
          %get3A_728 = arith.constant 2 : i32
          %get3A_729 = arith.index_cast %get3A_728 : i32 to index
          %get3A_730 = arith.index_cast %scan3A_634 : i32 to index
          %get3A_731 = arith.constant 176 : index
          %get3A_732 = tpu.vector_load %arg7[%get3A_729, %get3A_730, %get3A_731] {strides = array<i32>} : memref<4x64x256xf32, #tpu.memory_space<vmem>>, vector<16xf32>,
          %sub3A_733 = arith.subf %get3A_732, %get3A_732 : vector<16xf32>
          %add3A_734 = arith.addf %scan3A_646, %sub3A_733 : vector<16xf32>
          %get3A_735 = arith.constant 2 : i32
          %get3A_736 = arith.index_cast %get3A_735 : i32 to index
          %get3A_737 = arith.index_cast %scan3A_634 : i32 to index
          %get3A_738 = arith.constant 192 : index
          %get3A_739 = tpu.vector_load %arg7[%get3A_736, %get3A_737, %get3A_738] {strides = array<i32>} : memref<4x64x256xf32, #tpu.memory_space<vmem>>, vector<16xf32>,
          %sub3A_740 = arith.subf %get3A_739, %get3A_739 : vector<16xf32>
          %add3A_741 = arith.addf %scan3A_647, %sub3A_740 : vector<16xf32>
          %get3A_742 = arith.constant 2 : i32
          %get3A_743 = arith.index_cast %get3A_742 : i32 to index
          %get3A_744 = arith.index_cast %scan3A_634 : i32 to index
          %get3A_745 = arith.constant 208 : index
          %get3A_746 = tpu.vector_load %arg7[%get3A_743, %get3A_744, %get3A_745] {strides = array<i32>} : memref<4x64x256xf32, #tpu.memory_space<vmem>>, vector<16xf32>,
          %sub3A_747 = arith.subf %get3A_746, %get3A_746 : vector<16xf32>
          %add3A_748 = arith.addf %scan3A_648, %sub3A_747 : vector<16xf32>
          %get3A_749 = arith.constant 2 : i32
          %get3A_750 = arith.index_cast %get3A_749 : i32 to index
          %get3A_751 = arith.index_cast %scan3A_634 : i32 to index
          %get3A_752 = arith.constant 224 : index
          %get3A_753 = tpu.vector_load %arg7[%get3A_750, %get3A_751, %get3A_752] {strides = array<i32>} : memref<4x64x256xf32, #tpu.memory_space<vmem>>, vector<16xf32>,
          %sub3A_754 = arith.subf %get3A_753, %get3A_753 : vector<16xf32>
          %add3A_755 = arith.addf %scan3A_649, %sub3A_754 : vector<16xf32>
          %get3A_756 = arith.constant 2 : i32
          %get3A_757 = arith.index_cast %get3A_756 : i32 to index
          %get3A_758 = arith.index_cast %scan3A_634 : i32 to index
          %get3A_759 = arith.constant 240 : index
          %get3A_760 = tpu.vector_load %arg7[%get3A_757, %get3A_758, %get3A_759] {strides = array<i32>} : memref<4x64x256xf32, #tpu.memory_space<vmem>>, vector<16xf32>,
          %sub3A_761 = arith.subf %get3A_760, %get3A_760 : vector<16xf32>
          %add3A_762 = arith.addf %scan3A_650, %sub3A_761 : vector<16xf32>
          %scan3A_763 = arith.constant 1 : i32
          %scan3A_764 = arith.addi %scan3A_634, %scan3A_763 : i32
          %get3A_765 = arith.constant 2 : i32
          %get3A_766 = arith.index_cast %get3A_765 : i32 to index
          %get3A_767 = arith.index_cast %scan3A_764 : i32 to index
          %get3A_768 = arith.constant 0 : index
          %get3A_769 = tpu.vector_load %arg7[%get3A_766, %get3A_767, %get3A_768] {strides = array<i32>} : memref<4x64x256xf32, #tpu.memory_space<vmem>>, vector<16xf32>,
          %sub3A_770 = arith.subf %get3A_769, %get3A_769 : vector<16xf32>
          %add3A_771 = arith.addf %add3A_657, %sub3A_770 : vector<16xf32>
          %get3A_772 = arith.constant 2 : i32
          %get3A_773 = arith.index_cast %get3A_772 : i32 to index
          %get3A_774 = arith.index_cast %scan3A_764 : i32 to index
          %get3A_775 = arith.constant 16 : index
          %get3A_776 = tpu.vector_load %arg7[%get3A_773, %get3A_774, %get3A_775] {strides = array<i32>} : memref<4x64x256xf32, #tpu.memory_space<vmem>>, vector<16xf32>,
          %sub3A_777 = arith.subf %get3A_776, %get3A_776 : vector<16xf32>
          %add3A_778 = arith.addf %add3A_664, %sub3A_777 : vector<16xf32>
          %get3A_779 = arith.constant 2 : i32
          %get3A_780 = arith.index_cast %get3A_779 : i32 to index
          %get3A_781 = arith.index_cast %scan3A_764 : i32 to index
          %get3A_782 = arith.constant 32 : index
          %get3A_783 = tpu.vector_load %arg7[%get3A_780, %get3A_781, %get3A_782] {strides = array<i32>} : memref<4x64x256xf32, #tpu.memory_space<vmem>>, vector<16xf32>,
          %sub3A_784 = arith.subf %get3A_783, %get3A_783 : vector<16xf32>
          %add3A_785 = arith.addf %add3A_671, %sub3A_784 : vector<16xf32>
          %get3A_786 = arith.constant 2 : i32
          %get3A_787 = arith.index_cast %get3A_786 : i32 to index
          %get3A_788 = arith.index_cast %scan3A_764 : i32 to index
          %get3A_789 = arith.constant 48 : index
          %get3A_790 = tpu.vector_load %arg7[%get3A_787, %get3A_788, %get3A_789] {strides = array<i32>} : memref<4x64x256xf32, #tpu.memory_space<vmem>>, vector<16xf32>,
          %sub3A_791 = arith.subf %get3A_790, %get3A_790 : vector<16xf32>
          %add3A_792 = arith.addf %add3A_678, %sub3A_791 : vector<16xf32>
          %get3A_793 = arith.constant 2 : i32
          %get3A_794 = arith.index_cast %get3A_793 : i32 to index
          %get3A_795 = arith.index_cast %scan3A_764 : i32 to index
          %get3A_796 = arith.constant 64 : index
          %get3A_797 = tpu.vector_load %arg7[%get3A_794, %get3A_795, %get3A_796] {strides = array<i32>} : memref<4x64x256xf32, #tpu.memory_space<vmem>>, vector<16xf32>,
          %sub3A_798 = arith.subf %get3A_797, %get3A_797 : vector<16xf32>
          %add3A_799 = arith.addf %add3A_685, %sub3A_798 : vector<16xf32>
          %get3A_800 = arith.constant 2 : i32
          %get3A_801 = arith.index_cast %get3A_800 : i32 to index
          %get3A_802 = arith.index_cast %scan3A_764 : i32 to index
          %get3A_803 = arith.constant 80 : index
          %get3A_804 = tpu.vector_load %arg7[%get3A_801, %get3A_802, %get3A_803] {strides = array<i32>} : memref<4x64x256xf32, #tpu.memory_space<vmem>>, vector<16xf32>,
          %sub3A_805 = arith.subf %get3A_804, %get3A_804 : vector<16xf32>
          %add3A_806 = arith.addf %add3A_692, %sub3A_805 : vector<16xf32>
          %get3A_807 = arith.constant 2 : i32
          %get3A_808 = arith.index_cast %get3A_807 : i32 to index
          %get3A_809 = arith.index_cast %scan3A_764 : i32 to index
          %get3A_810 = arith.constant 96 : index
          %get3A_811 = tpu.vector_load %arg7[%get3A_808, %get3A_809, %get3A_810] {strides = array<i32>} : memref<4x64x256xf32, #tpu.memory_space<vmem>>, vector<16xf32>,
          %sub3A_812 = arith.subf %get3A_811, %get3A_811 : vector<16xf32>
          %add3A_813 = arith.addf %add3A_699, %sub3A_812 : vector<16xf32>
          %get3A_814 = arith.constant 2 : i32
          %get3A_815 = arith.index_cast %get3A_814 : i32 to index
          %get3A_816 = arith.index_cast %scan3A_764 : i32 to index
          %get3A_817 = arith.constant 112 : index
          %get3A_818 = tpu.vector_load %arg7[%get3A_815, %get3A_816, %get3A_817] {strides = array<i32>} : memref<4x64x256xf32, #tpu.memory_space<vmem>>, vector<16xf32>,
          %sub3A_819 = arith.subf %get3A_818, %get3A_818 : vector<16xf32>
          %add3A_820 = arith.addf %add3A_706, %sub3A_819 : vector<16xf32>
          %get3A_821 = arith.constant 2 : i32
          %get3A_822 = arith.index_cast %get3A_821 : i32 to index
          %get3A_823 = arith.index_cast %scan3A_764 : i32 to index
          %get3A_824 = arith.constant 128 : index
          %get3A_825 = tpu.vector_load %arg7[%get3A_822, %get3A_823, %get3A_824] {strides = array<i32>} : memref<4x64x256xf32, #tpu.memory_space<vmem>>, vector<16xf32>,
          %sub3A_826 = arith.subf %get3A_825, %get3A_825 : vector<16xf32>
          %add3A_827 = arith.addf %add3A_713, %sub3A_826 : vector<16xf32>
          %get3A_828 = arith.constant 2 : i32
          %get3A_829 = arith.index_cast %get3A_828 : i32 to index
          %get3A_830 = arith.index_cast %scan3A_764 : i32 to index
          %get3A_831 = arith.constant 144 : index
          %get3A_832 = tpu.vector_load %arg7[%get3A_829, %get3A_830, %get3A_831] {strides = array<i32>} : memref<4x64x256xf32, #tpu.memory_space<vmem>>, vector<16xf32>,
          %sub3A_833 = arith.subf %get3A_832, %get3A_832 : vector<16xf32>
          %add3A_834 = arith.addf %add3A_720, %sub3A_833 : vector<16xf32>
          %get3A_835 = arith.constant 2 : i32
          %get3A_836 = arith.index_cast %get3A_835 : i32 to index
          %get3A_837 = arith.index_cast %scan3A_764 : i32 to index
          %get3A_838 = arith.constant 160 : index
          %get3A_839 = tpu.vector_load %arg7[%get3A_836, %get3A_837, %get3A_838] {strides = array<i32>} : memref<4x64x256xf32, #tpu.memory_space<vmem>>, vector<16xf32>,
          %sub3A_840 = arith.subf %get3A_839, %get3A_839 : vector<16xf32>
          %add3A_841 = arith.addf %add3A_727, %sub3A_840 : vector<16xf32>
          %get3A_842 = arith.constant 2 : i32
          %get3A_843 = arith.index_cast %get3A_842 : i32 to index
          %get3A_844 = arith.index_cast %scan3A_764 : i32 to index
          %get3A_845 = arith.constant 176 : index
          %get3A_846 = tpu.vector_load %arg7[%get3A_843, %get3A_844, %get3A_845] {strides = array<i32>} : memref<4x64x256xf32, #tpu.memory_space<vmem>>, vector<16xf32>,
          %sub3A_847 = arith.subf %get3A_846, %get3A_846 : vector<16xf32>
          %add3A_848 = arith.addf %add3A_734, %sub3A_847 : vector<16xf32>
          %get3A_849 = arith.constant 2 : i32
          %get3A_850 = arith.index_cast %get3A_849 : i32 to index
          %get3A_851 = arith.index_cast %scan3A_764 : i32 to index
          %get3A_852 = arith.constant 192 : index
          %get3A_853 = tpu.vector_load %arg7[%get3A_850, %get3A_851, %get3A_852] {strides = array<i32>} : memref<4x64x256xf32, #tpu.memory_space<vmem>>, vector<16xf32>,
          %sub3A_854 = arith.subf %get3A_853, %get3A_853 : vector<16xf32>
          %add3A_855 = arith.addf %add3A_741, %sub3A_854 : vector<16xf32>
          %get3A_856 = arith.constant 2 : i32
          %get3A_857 = arith.index_cast %get3A_856 : i32 to index
          %get3A_858 = arith.index_cast %scan3A_764 : i32 to index
          %get3A_859 = arith.constant 208 : index
          %get3A_860 = tpu.vector_load %arg7[%get3A_857, %get3A_858, %get3A_859] {strides = array<i32>} : memref<4x64x256xf32, #tpu.memory_space<vmem>>, vector<16xf32>,
          %sub3A_861 = arith.subf %get3A_860, %get3A_860 : vector<16xf32>
          %add3A_862 = arith.addf %add3A_748, %sub3A_861 : vector<16xf32>
          %get3A_863 = arith.constant 2 : i32
          %get3A_864 = arith.index_cast %get3A_863 : i32 to index
          %get3A_865 = arith.index_cast %scan3A_764 : i32 to index
          %get3A_866 = arith.constant 224 : index
          %get3A_867 = tpu.vector_load %arg7[%get3A_864, %get3A_865, %get3A_866] {strides = array<i32>} : memref<4x64x256xf32, #tpu.memory_space<vmem>>, vector<16xf32>,
          %sub3A_868 = arith.subf %get3A_867, %get3A_867 : vector<16xf32>
          %add3A_869 = arith.addf %add3A_755, %sub3A_868 : vector<16xf32>
          %get3A_870 = arith.constant 2 : i32
          %get3A_871 = arith.index_cast %get3A_870 : i32 to index
          %get3A_872 = arith.index_cast %scan3A_764 : i32 to index
          %get3A_873 = arith.constant 240 : index
          %get3A_874 = tpu.vector_load %arg7[%get3A_871, %get3A_872, %get3A_873] {strides = array<i32>} : memref<4x64x256xf32, #tpu.memory_space<vmem>>, vector<16xf32>,
          %sub3A_875 = arith.subf %get3A_874, %get3A_874 : vector<16xf32>
          %add3A_876 = arith.addf %add3A_762, %sub3A_875 : vector<16xf32>
          scf.yield %add3A_771, %add3A_778, %add3A_785, %add3A_792, %add3A_799, %add3A_806, %add3A_813, %add3A_820, %add3A_827, %add3A_834, %add3A_841, %add3A_848, %add3A_855, %add3A_862, %add3A_869, %add3A_876 : vector<16xf32>, vector<16xf32>, vector<16xf32>, vector<16xf32>, vector<16xf32>, vector<16xf32>, vector<16xf32>, vector<16xf32>, vector<16xf32>, vector<16xf32>, vector<16xf32>, vector<16xf32>, vector<16xf32>, vector<16xf32>, vector<16xf32>, vector<16xf32>
        }
        %scan3A_613 = arith.constant 64 : i32
        %add3A_614 = arith.addf %scan3A_612#0, %scan3A_612#1 : vector<16xf32>
        %add3A_615 = arith.addf %add3A_614, %scan3A_612#2 : vector<16xf32>
        %add3A_616 = arith.addf %add3A_615, %scan3A_612#3 : vector<16xf32>
        %add3A_617 = arith.addf %add3A_616, %scan3A_612#4 : vector<16xf32>
        %add3A_618 = arith.addf %add3A_617, %scan3A_612#5 : vector<16xf32>
        %add3A_619 = arith.addf %add3A_618, %scan3A_612#6 : vector<16xf32>
        %add3A_620 = arith.addf %add3A_619, %scan3A_612#7 : vector<16xf32>
        %add3A_621 = arith.addf %add3A_620, %scan3A_612#8 : vector<16xf32>
        %add3A_622 = arith.addf %add3A_621, %scan3A_612#9 : vector<16xf32>
        %add3A_623 = arith.addf %add3A_622, %scan3A_612#10 : vector<16xf32>
        %add3A_624 = arith.addf %add3A_623, %scan3A_612#11 : vector<16xf32>
        %add3A_625 = arith.addf %add3A_624, %scan3A_612#12 : vector<16xf32>
        %add3A_626 = arith.addf %add3A_625, %scan3A_612#13 : vector<16xf32>
        %add3A_627 = arith.addf %add3A_626, %scan3A_612#14 : vector<16xf32>
        %add3A_628 = arith.addf %add3A_627, %scan3A_612#15 : vector<16xf32>
        %get3A_629 = arith.constant 0 : index
        %get3A_630 = tpu.vector_load %arg8[%get3A_629] {strides = array<i32>} : memref<16xf32, #tpu.memory_space<vmem>>, vector<16xf32>,
        %add3A_631 = arith.addf %get3A_630, %add3A_628 : vector<16xf32>
        %swap3A_632 = arith.constant 0 : index
        %swap3A_633 = tpu.vector_load %arg8[%swap3A_632] {strides = array<i32>} : memref<16xf32, #tpu.memory_space<vmem>>, vector<16xf32>,
        tpu.vector_store %arg8[%swap3A_632], %add3A_631 {strides = array<i32>} : memref<16xf32, #tpu.memory_space<vmem>>, vector<16xf32>,
      } else {
      }
      %add3A_523 = arith.constant 3 : i32
      %add3A_524 = arith.addi %mul3A_320, %add3A_523 : i32
      %add3A_525 = arith.constant 4 : i32
      %add3A_526 = arith.addi %add3A_524, %add3A_525 : i32
      %sub3A_527 = arith.constant 1 : i32
      %sub3A_528 = arith.subi %add3A_526, %sub3A_527 : i32
      %lt3A_529 = arith.constant 32 : i32
      %lt3A_530 = arith.cmpi slt, %sub3A_528, %lt3A_529 : i32
      %convert_element_type3A_531 = arith.extui %lt3A_530 : i1 to i32
      %cond3A_532 = arith.constant 0 : i32
      %cond3A_533 = arith.cmpi ne, %convert_element_type3A_531, %cond3A_532 : i32
      scf.if %cond3A_533 {
        %jit3A_592 = arith.constant 2 : i32
        %div3A_593 = arith.divsi %sub3A_528, %jit3A_592 : i32
        %sign3A_594 = arith.constant 0 : i32
        %sign3A_595 = arith.cmpi sgt, %sub3A_528, %sign3A_594 : i32
        %sign3A_596 = arith.extui %sign3A_595 : i1 to i32
        %sign3A_597 = arith.constant 0 : i32
        %sign3A_598 = arith.cmpi slt, %sub3A_528, %sign3A_597 : i32
        %sign3A_599 = arith.extui %sign3A_598 : i1 to i32
        %sign3A_600 = arith.subi %sign3A_596, %sign3A_599 : i32
        %sign3A_601 = arith.constant 0 : i32
        %sign3A_602 = arith.cmpi sgt, %jit3A_592, %sign3A_601 : i32
        %sign3A_603 = arith.extui %sign3A_602 : i1 to i32
        %sign3A_604 = arith.constant 0 : i32
        %sign3A_605 = arith.cmpi slt, %jit3A_592, %sign3A_604 : i32
        %sign3A_606 = arith.extui %sign3A_605 : i1 to i32
        %sign3A_607 = arith.subi %sign3A_603, %sign3A_606 : i32
        %ne3A_608 = arith.cmpi ne, %sign3A_600, %sign3A_607 : i32
        %rem3A_609 = arith.remsi %sub3A_528, %jit3A_592 : i32
        %ne3A_610 = arith.constant 0 : i32
        %ne3A_611 = arith.cmpi ne, %rem3A_609, %ne3A_610 : i32
        %and3A_612 = arith.andi %ne3A_608, %ne3A_611 : i1
        %sub3A_613 = arith.constant 1 : i32
        %sub3A_614 = arith.subi %div3A_593, %sub3A_613 : i32
        %select_n3A_615 = arith.select %and3A_612, %sub3A_614, %div3A_593 : i32
        %jit3A_616 = arith.constant 2 : i32
        %eq3A_617 = arith.constant 0 : i32
        %eq3A_618 = arith.cmpi eq, %jit3A_616, %eq3A_617 : i32
        %jit3A_619 = arith.constant 1 : i32
        %select_n3A_620 = arith.select %eq3A_618, %jit3A_619, %jit3A_616 : i32
        %rem3A_621 = arith.remsi %sub3A_528, %select_n3A_620 : i32
        %ne3A_622 = arith.constant 0 : i32
        %ne3A_623 = arith.cmpi ne, %rem3A_621, %ne3A_622 : i32
        %lt3A_624 = arith.constant 0 : i32
        %lt3A_625 = arith.cmpi slt, %rem3A_621, %lt3A_624 : i32
        %lt3A_626 = arith.constant 0 : i32
        %lt3A_627 = arith.cmpi slt, %select_n3A_620, %lt3A_626 : i32
        %ne3A_628 = arith.xori %lt3A_625, %lt3A_627 : i1
        %and3A_629 = arith.andi %ne3A_628, %ne3A_623 : i1
        %add3A_630 = arith.addi %rem3A_621, %select_n3A_620 : i32
        %select_n3A_631 = arith.select %and3A_629, %add3A_630, %rem3A_621 : i32
        %mul3A_632 = arith.constant 7 : i32
        %mul3A_633 = arith.muli %select_n3A_615, %mul3A_632 : i32
        %add3A_634 = arith.addi %add3A, %mul3A_633 : i32
        %and3A_635 = arith.constant 31 : i32
        %and3A_636 = arith.andi %add3A_634, %and3A_635 : i32
        %mul3A_637 = arith.constant 32 : i32
        %mul3A_638 = arith.muli %select_n3A_631, %mul3A_637 : i32
        %add3A_639 = arith.addi %mul3A_638, %and3A_636 : i32
        %mul3A_640 = arith.constant 64 : i32
        %mul3A_641 = arith.muli %add3A_639, %mul3A_640 : i32
        %get3A_642 = arith.index_cast %select_n3A_615 : i32 to index
        %get3A_643 = memref.load %arg6[%get3A_642] : memref<16xi32, #tpu.memory_space<smem>>
        %lt3A_644 = arith.cmpi slt, %mul3A_641, %get3A_643 : i32
        %convert_element_type3A_645 = arith.extui %lt3A_644 : i1 to i32
        %cond3A_646 = arith.constant 0 : i32
        %cond3A_647 = arith.cmpi ne, %convert_element_type3A_645, %cond3A_646 : i32
        scf.if %cond3A_647 {
          %dma_start3A = arith.constant 2 : i32
          %dma_start3A_648 = arith.constant 0 : i32
          %dma_start3A_649 = arith.constant 0 : i32
          %dma_start3A_650 = tpu.memref_slice %arg7[%dma_start3A, %dma_start3A_648, %dma_start3A_649] : memref<4x64x256xf32, #tpu.memory_space<vmem>> -> memref<1x64x256xf32, #tpu.memory_space<vmem>>
          %dma_start3A_651 = tpu.memref_squeeze %dma_start3A_650 : memref<1x64x256xf32, #tpu.memory_space<vmem>> -> memref<64x256xf32, #tpu.memory_space<vmem>>
          %dma_start3A_652 = arith.constant 0 : i32
          %dma_start3A_653 = tpu.memref_slice %arg2[%select_n3A_615, %mul3A_641, %dma_start3A_652] : memref<16x4096x256xf32, #tpu.memory_space<hbm>> -> memref<1x64x256xf32, #tpu.memory_space<hbm>>
          %dma_start3A_654 = tpu.memref_squeeze %dma_start3A_653 : memref<1x64x256xf32, #tpu.memory_space<hbm>> -> memref<64x256xf32, #tpu.memory_space<hbm>>
          %dma_start3A_655 = arith.constant 0 : i32
          %dma_start3A_656 = arith.constant 0 : i32
          %dma_start3A_657 = tpu.memref_slice %arg7[%dma_start3A, %dma_start3A_655, %dma_start3A_656] : memref<4x64x256xf32, #tpu.memory_space<vmem>> -> memref<1x64x256xf32, #tpu.memory_space<vmem>>
          %dma_start3A_658 = tpu.memref_squeeze %dma_start3A_657 : memref<1x64x256xf32, #tpu.memory_space<vmem>> -> memref<64x256xf32, #tpu.memory_space<vmem>>
          %dma_start3A_659 = arith.constant 0 : i32
          %dma_start3A_660 = tpu.memref_slice %arg2[%select_n3A_615, %mul3A_641, %dma_start3A_659] : memref<16x4096x256xf32, #tpu.memory_space<hbm>> -> memref<1x64x256xf32, #tpu.memory_space<hbm>>
          %dma_start3A_661 = tpu.memref_squeeze %dma_start3A_660 : memref<1x64x256xf32, #tpu.memory_space<hbm>> -> memref<64x256xf32, #tpu.memory_space<hbm>>
          tpu.enqueue_dma source(%dma_start3A_661 : memref<64x256xf32, #tpu.memory_space<hbm>>) target(%dma_start3A_658 : memref<64x256xf32, #tpu.memory_space<vmem>>) target_semaphore(%arg11 : memref<!tpu.dma_semaphore, #tpu.memory_space<semaphore_mem>>)
        } else {
        }
      } else {
      }
      %add3A_534 = arith.constant 3 : i32
      %add3A_535 = arith.addi %mul3A_320, %add3A_534 : i32
      %jit3A_536 = arith.constant 2 : i32
      %div3A_537 = arith.divsi %add3A_535, %jit3A_536 : i32
      %sign3A_538 = arith.constant 0 : i32
      %sign3A_539 = arith.cmpi sgt, %add3A_535, %sign3A_538 : i32
      %sign3A_540 = arith.extui %sign3A_539 : i1 to i32
      %sign3A_541 = arith.constant 0 : i32
      %sign3A_542 = arith.cmpi slt, %add3A_535, %sign3A_541 : i32
      %sign3A_543 = arith.extui %sign3A_542 : i1 to i32
      %sign3A_544 = arith.subi %sign3A_540, %sign3A_543 : i32
      %sign3A_545 = arith.constant 0 : i32
      %sign3A_546 = arith.cmpi sgt, %jit3A_536, %sign3A_545 : i32
      %sign3A_547 = arith.extui %sign3A_546 : i1 to i32
      %sign3A_548 = arith.constant 0 : i32
      %sign3A_549 = arith.cmpi slt, %jit3A_536, %sign3A_548 : i32
      %sign3A_550 = arith.extui %sign3A_549 : i1 to i32
      %sign3A_551 = arith.subi %sign3A_547, %sign3A_550 : i32
      %ne3A_552 = arith.cmpi ne, %sign3A_544, %sign3A_551 : i32
      %rem3A_553 = arith.remsi %add3A_535, %jit3A_536 : i32
      %ne3A_554 = arith.constant 0 : i32
      %ne3A_555 = arith.cmpi ne, %rem3A_553, %ne3A_554 : i32
      %and3A_556 = arith.andi %ne3A_552, %ne3A_555 : i1
      %sub3A_557 = arith.constant 1 : i32
      %sub3A_558 = arith.subi %div3A_537, %sub3A_557 : i32
      %select_n3A_559 = arith.select %and3A_556, %sub3A_558, %div3A_537 : i32
      %jit3A_560 = arith.constant 2 : i32
      %eq3A_561 = arith.constant 0 : i32
      %eq3A_562 = arith.cmpi eq, %jit3A_560, %eq3A_561 : i32
      %jit3A_563 = arith.constant 1 : i32
      %select_n3A_564 = arith.select %eq3A_562, %jit3A_563, %jit3A_560 : i32
      %rem3A_565 = arith.remsi %add3A_535, %select_n3A_564 : i32
      %ne3A_566 = arith.constant 0 : i32
      %ne3A_567 = arith.cmpi ne, %rem3A_565, %ne3A_566 : i32
      %lt3A_568 = arith.constant 0 : i32
      %lt3A_569 = arith.cmpi slt, %rem3A_565, %lt3A_568 : i32
      %lt3A_570 = arith.constant 0 : i32
      %lt3A_571 = arith.cmpi slt, %select_n3A_564, %lt3A_570 : i32
      %ne3A_572 = arith.xori %lt3A_569, %lt3A_571 : i1
      %and3A_573 = arith.andi %ne3A_572, %ne3A_567 : i1
      %add3A_574 = arith.addi %rem3A_565, %select_n3A_564 : i32
      %select_n3A_575 = arith.select %and3A_573, %add3A_574, %rem3A_565 : i32
      %mul3A_576 = arith.constant 7 : i32
      %mul3A_577 = arith.muli %select_n3A_559, %mul3A_576 : i32
      %add3A_578 = arith.addi %add3A, %mul3A_577 : i32
      %and3A_579 = arith.constant 31 : i32
      %and3A_580 = arith.andi %add3A_578, %and3A_579 : i32
      %mul3A_581 = arith.constant 32 : i32
      %mul3A_582 = arith.muli %select_n3A_575, %mul3A_581 : i32
      %add3A_583 = arith.addi %mul3A_582, %and3A_580 : i32
      %mul3A_584 = arith.constant 64 : i32
      %mul3A_585 = arith.muli %add3A_583, %mul3A_584 : i32
      %get3A_586 = arith.index_cast %select_n3A_559 : i32 to index
      %get3A_587 = memref.load %arg6[%get3A_586] : memref<16xi32, #tpu.memory_space<smem>>
      %lt3A_588 = arith.cmpi slt, %mul3A_585, %get3A_587 : i32
      %convert_element_type3A_589 = arith.extui %lt3A_588 : i1 to i32
      %cond3A_590 = arith.constant 0 : i32
      %cond3A_591 = arith.cmpi ne, %convert_element_type3A_589, %cond3A_590 : i32
      scf.if %cond3A_591 {
        %dma_wait3A = arith.constant 3 : i32
        %dma_wait3A_592 = arith.constant 0 : i32
        %dma_wait3A_593 = arith.constant 0 : i32
        %dma_wait3A_594 = tpu.memref_slice %arg7[%dma_wait3A, %dma_wait3A_592, %dma_wait3A_593] : memref<4x64x256xf32, #tpu.memory_space<vmem>> -> memref<1x64x256xf32, #tpu.memory_space<vmem>>
        %dma_wait3A_595 = tpu.memref_squeeze %dma_wait3A_594 : memref<1x64x256xf32, #tpu.memory_space<vmem>> -> memref<64x256xf32, #tpu.memory_space<vmem>>
        %dma_wait3A_596 = arith.constant 0 : i32
        %dma_wait3A_597 = tpu.memref_slice %arg2[%select_n3A_559, %mul3A_585, %dma_wait3A_596] : memref<16x4096x256xf32, #tpu.memory_space<hbm>> -> memref<1x64x256xf32, #tpu.memory_space<hbm>>
        %dma_wait3A_598 = tpu.memref_squeeze %dma_wait3A_597 : memref<1x64x256xf32, #tpu.memory_space<hbm>> -> memref<64x256xf32, #tpu.memory_space<hbm>>
        %dma_wait3A_599 = arith.constant 0 : i32
        %dma_wait3A_600 = arith.constant 0 : i32
        %dma_wait3A_601 = tpu.memref_slice %arg7[%dma_wait3A, %dma_wait3A_599, %dma_wait3A_600] : memref<4x64x256xf32, #tpu.memory_space<vmem>> -> memref<1x64x256xf32, #tpu.memory_space<vmem>>
        %dma_wait3A_602 = tpu.memref_squeeze %dma_wait3A_601 : memref<1x64x256xf32, #tpu.memory_space<vmem>> -> memref<64x256xf32, #tpu.memory_space<vmem>>
        %dma_wait3A_603 = arith.constant 0 : i32
        %dma_wait3A_604 = tpu.memref_slice %arg2[%select_n3A_559, %mul3A_585, %dma_wait3A_603] : memref<16x4096x256xf32, #tpu.memory_space<hbm>> -> memref<1x64x256xf32, #tpu.memory_space<hbm>>
        %dma_wait3A_605 = tpu.memref_squeeze %dma_wait3A_604 : memref<1x64x256xf32, #tpu.memory_space<hbm>> -> memref<64x256xf32, #tpu.memory_space<hbm>>
        tpu.wait_dma2 semaphore(%arg12 : memref<!tpu.dma_semaphore, #tpu.memory_space<semaphore_mem>>) src(%dma_wait3A_605 : memref<64x256xf32, #tpu.memory_space<hbm>>) dst(%dma_wait3A_602 : memref<64x256xf32, #tpu.memory_space<vmem>>)
        %broadcast_in_dim3A_606 = arith.constant 0.000000e+00 : f32
        %broadcast_in_dim3A_607 = vector.broadcast %broadcast_in_dim3A_606 : f32 to vector<16xf32>
        %scan3A_608 = arith.constant 0 : i32
        %scan3A_609 = arith.constant 64 : i32
        %scan3A_610 = arith.addi %scan3A_608, %scan3A_609 : i32
        %scan3A_611 = arith.constant 2 : i32
        %scan3A_612:16 = scf.for %scan3A_634 = %scan3A_608 to %scan3A_610 step %scan3A_611 iter_args(%scan3A_635 = %broadcast_in_dim3A_607, %scan3A_636 = %broadcast_in_dim3A_607, %scan3A_637 = %broadcast_in_dim3A_607, %scan3A_638 = %broadcast_in_dim3A_607, %scan3A_639 = %broadcast_in_dim3A_607, %scan3A_640 = %broadcast_in_dim3A_607, %scan3A_641 = %broadcast_in_dim3A_607, %scan3A_642 = %broadcast_in_dim3A_607, %scan3A_643 = %broadcast_in_dim3A_607, %scan3A_644 = %broadcast_in_dim3A_607, %scan3A_645 = %broadcast_in_dim3A_607, %scan3A_646 = %broadcast_in_dim3A_607, %scan3A_647 = %broadcast_in_dim3A_607, %scan3A_648 = %broadcast_in_dim3A_607, %scan3A_649 = %broadcast_in_dim3A_607, %scan3A_650 = %broadcast_in_dim3A_607) -> (vector<16xf32>, vector<16xf32>, vector<16xf32>, vector<16xf32>, vector<16xf32>, vector<16xf32>, vector<16xf32>, vector<16xf32>, vector<16xf32>, vector<16xf32>, vector<16xf32>, vector<16xf32>, vector<16xf32>, vector<16xf32>, vector<16xf32>, vector<16xf32>)  : i32 {
          %get3A_651 = arith.constant 3 : i32
          %get3A_652 = arith.index_cast %get3A_651 : i32 to index
          %get3A_653 = arith.index_cast %scan3A_634 : i32 to index
          %get3A_654 = arith.constant 0 : index
          %get3A_655 = tpu.vector_load %arg7[%get3A_652, %get3A_653, %get3A_654] {strides = array<i32>} : memref<4x64x256xf32, #tpu.memory_space<vmem>>, vector<16xf32>,
          %sub3A_656 = arith.subf %get3A_655, %get3A_655 : vector<16xf32>
          %add3A_657 = arith.addf %scan3A_635, %sub3A_656 : vector<16xf32>
          %get3A_658 = arith.constant 3 : i32
          %get3A_659 = arith.index_cast %get3A_658 : i32 to index
          %get3A_660 = arith.index_cast %scan3A_634 : i32 to index
          %get3A_661 = arith.constant 16 : index
          %get3A_662 = tpu.vector_load %arg7[%get3A_659, %get3A_660, %get3A_661] {strides = array<i32>} : memref<4x64x256xf32, #tpu.memory_space<vmem>>, vector<16xf32>,
          %sub3A_663 = arith.subf %get3A_662, %get3A_662 : vector<16xf32>
          %add3A_664 = arith.addf %scan3A_636, %sub3A_663 : vector<16xf32>
          %get3A_665 = arith.constant 3 : i32
          %get3A_666 = arith.index_cast %get3A_665 : i32 to index
          %get3A_667 = arith.index_cast %scan3A_634 : i32 to index
          %get3A_668 = arith.constant 32 : index
          %get3A_669 = tpu.vector_load %arg7[%get3A_666, %get3A_667, %get3A_668] {strides = array<i32>} : memref<4x64x256xf32, #tpu.memory_space<vmem>>, vector<16xf32>,
          %sub3A_670 = arith.subf %get3A_669, %get3A_669 : vector<16xf32>
          %add3A_671 = arith.addf %scan3A_637, %sub3A_670 : vector<16xf32>
          %get3A_672 = arith.constant 3 : i32
          %get3A_673 = arith.index_cast %get3A_672 : i32 to index
          %get3A_674 = arith.index_cast %scan3A_634 : i32 to index
          %get3A_675 = arith.constant 48 : index
          %get3A_676 = tpu.vector_load %arg7[%get3A_673, %get3A_674, %get3A_675] {strides = array<i32>} : memref<4x64x256xf32, #tpu.memory_space<vmem>>, vector<16xf32>,
          %sub3A_677 = arith.subf %get3A_676, %get3A_676 : vector<16xf32>
          %add3A_678 = arith.addf %scan3A_638, %sub3A_677 : vector<16xf32>
          %get3A_679 = arith.constant 3 : i32
          %get3A_680 = arith.index_cast %get3A_679 : i32 to index
          %get3A_681 = arith.index_cast %scan3A_634 : i32 to index
          %get3A_682 = arith.constant 64 : index
          %get3A_683 = tpu.vector_load %arg7[%get3A_680, %get3A_681, %get3A_682] {strides = array<i32>} : memref<4x64x256xf32, #tpu.memory_space<vmem>>, vector<16xf32>,
          %sub3A_684 = arith.subf %get3A_683, %get3A_683 : vector<16xf32>
          %add3A_685 = arith.addf %scan3A_639, %sub3A_684 : vector<16xf32>
          %get3A_686 = arith.constant 3 : i32
          %get3A_687 = arith.index_cast %get3A_686 : i32 to index
          %get3A_688 = arith.index_cast %scan3A_634 : i32 to index
          %get3A_689 = arith.constant 80 : index
          %get3A_690 = tpu.vector_load %arg7[%get3A_687, %get3A_688, %get3A_689] {strides = array<i32>} : memref<4x64x256xf32, #tpu.memory_space<vmem>>, vector<16xf32>,
          %sub3A_691 = arith.subf %get3A_690, %get3A_690 : vector<16xf32>
          %add3A_692 = arith.addf %scan3A_640, %sub3A_691 : vector<16xf32>
          %get3A_693 = arith.constant 3 : i32
          %get3A_694 = arith.index_cast %get3A_693 : i32 to index
          %get3A_695 = arith.index_cast %scan3A_634 : i32 to index
          %get3A_696 = arith.constant 96 : index
          %get3A_697 = tpu.vector_load %arg7[%get3A_694, %get3A_695, %get3A_696] {strides = array<i32>} : memref<4x64x256xf32, #tpu.memory_space<vmem>>, vector<16xf32>,
          %sub3A_698 = arith.subf %get3A_697, %get3A_697 : vector<16xf32>
          %add3A_699 = arith.addf %scan3A_641, %sub3A_698 : vector<16xf32>
          %get3A_700 = arith.constant 3 : i32
          %get3A_701 = arith.index_cast %get3A_700 : i32 to index
          %get3A_702 = arith.index_cast %scan3A_634 : i32 to index
          %get3A_703 = arith.constant 112 : index
          %get3A_704 = tpu.vector_load %arg7[%get3A_701, %get3A_702, %get3A_703] {strides = array<i32>} : memref<4x64x256xf32, #tpu.memory_space<vmem>>, vector<16xf32>,
          %sub3A_705 = arith.subf %get3A_704, %get3A_704 : vector<16xf32>
          %add3A_706 = arith.addf %scan3A_642, %sub3A_705 : vector<16xf32>
          %get3A_707 = arith.constant 3 : i32
          %get3A_708 = arith.index_cast %get3A_707 : i32 to index
          %get3A_709 = arith.index_cast %scan3A_634 : i32 to index
          %get3A_710 = arith.constant 128 : index
          %get3A_711 = tpu.vector_load %arg7[%get3A_708, %get3A_709, %get3A_710] {strides = array<i32>} : memref<4x64x256xf32, #tpu.memory_space<vmem>>, vector<16xf32>,
          %sub3A_712 = arith.subf %get3A_711, %get3A_711 : vector<16xf32>
          %add3A_713 = arith.addf %scan3A_643, %sub3A_712 : vector<16xf32>
          %get3A_714 = arith.constant 3 : i32
          %get3A_715 = arith.index_cast %get3A_714 : i32 to index
          %get3A_716 = arith.index_cast %scan3A_634 : i32 to index
          %get3A_717 = arith.constant 144 : index
          %get3A_718 = tpu.vector_load %arg7[%get3A_715, %get3A_716, %get3A_717] {strides = array<i32>} : memref<4x64x256xf32, #tpu.memory_space<vmem>>, vector<16xf32>,
          %sub3A_719 = arith.subf %get3A_718, %get3A_718 : vector<16xf32>
          %add3A_720 = arith.addf %scan3A_644, %sub3A_719 : vector<16xf32>
          %get3A_721 = arith.constant 3 : i32
          %get3A_722 = arith.index_cast %get3A_721 : i32 to index
          %get3A_723 = arith.index_cast %scan3A_634 : i32 to index
          %get3A_724 = arith.constant 160 : index
          %get3A_725 = tpu.vector_load %arg7[%get3A_722, %get3A_723, %get3A_724] {strides = array<i32>} : memref<4x64x256xf32, #tpu.memory_space<vmem>>, vector<16xf32>,
          %sub3A_726 = arith.subf %get3A_725, %get3A_725 : vector<16xf32>
          %add3A_727 = arith.addf %scan3A_645, %sub3A_726 : vector<16xf32>
          %get3A_728 = arith.constant 3 : i32
          %get3A_729 = arith.index_cast %get3A_728 : i32 to index
          %get3A_730 = arith.index_cast %scan3A_634 : i32 to index
          %get3A_731 = arith.constant 176 : index
          %get3A_732 = tpu.vector_load %arg7[%get3A_729, %get3A_730, %get3A_731] {strides = array<i32>} : memref<4x64x256xf32, #tpu.memory_space<vmem>>, vector<16xf32>,
          %sub3A_733 = arith.subf %get3A_732, %get3A_732 : vector<16xf32>
          %add3A_734 = arith.addf %scan3A_646, %sub3A_733 : vector<16xf32>
          %get3A_735 = arith.constant 3 : i32
          %get3A_736 = arith.index_cast %get3A_735 : i32 to index
          %get3A_737 = arith.index_cast %scan3A_634 : i32 to index
          %get3A_738 = arith.constant 192 : index
          %get3A_739 = tpu.vector_load %arg7[%get3A_736, %get3A_737, %get3A_738] {strides = array<i32>} : memref<4x64x256xf32, #tpu.memory_space<vmem>>, vector<16xf32>,
          %sub3A_740 = arith.subf %get3A_739, %get3A_739 : vector<16xf32>
          %add3A_741 = arith.addf %scan3A_647, %sub3A_740 : vector<16xf32>
          %get3A_742 = arith.constant 3 : i32
          %get3A_743 = arith.index_cast %get3A_742 : i32 to index
          %get3A_744 = arith.index_cast %scan3A_634 : i32 to index
          %get3A_745 = arith.constant 208 : index
          %get3A_746 = tpu.vector_load %arg7[%get3A_743, %get3A_744, %get3A_745] {strides = array<i32>} : memref<4x64x256xf32, #tpu.memory_space<vmem>>, vector<16xf32>,
          %sub3A_747 = arith.subf %get3A_746, %get3A_746 : vector<16xf32>
          %add3A_748 = arith.addf %scan3A_648, %sub3A_747 : vector<16xf32>
          %get3A_749 = arith.constant 3 : i32
          %get3A_750 = arith.index_cast %get3A_749 : i32 to index
          %get3A_751 = arith.index_cast %scan3A_634 : i32 to index
          %get3A_752 = arith.constant 224 : index
          %get3A_753 = tpu.vector_load %arg7[%get3A_750, %get3A_751, %get3A_752] {strides = array<i32>} : memref<4x64x256xf32, #tpu.memory_space<vmem>>, vector<16xf32>,
          %sub3A_754 = arith.subf %get3A_753, %get3A_753 : vector<16xf32>
          %add3A_755 = arith.addf %scan3A_649, %sub3A_754 : vector<16xf32>
          %get3A_756 = arith.constant 3 : i32
          %get3A_757 = arith.index_cast %get3A_756 : i32 to index
          %get3A_758 = arith.index_cast %scan3A_634 : i32 to index
          %get3A_759 = arith.constant 240 : index
          %get3A_760 = tpu.vector_load %arg7[%get3A_757, %get3A_758, %get3A_759] {strides = array<i32>} : memref<4x64x256xf32, #tpu.memory_space<vmem>>, vector<16xf32>,
          %sub3A_761 = arith.subf %get3A_760, %get3A_760 : vector<16xf32>
          %add3A_762 = arith.addf %scan3A_650, %sub3A_761 : vector<16xf32>
          %scan3A_763 = arith.constant 1 : i32
          %scan3A_764 = arith.addi %scan3A_634, %scan3A_763 : i32
          %get3A_765 = arith.constant 3 : i32
          %get3A_766 = arith.index_cast %get3A_765 : i32 to index
          %get3A_767 = arith.index_cast %scan3A_764 : i32 to index
          %get3A_768 = arith.constant 0 : index
          %get3A_769 = tpu.vector_load %arg7[%get3A_766, %get3A_767, %get3A_768] {strides = array<i32>} : memref<4x64x256xf32, #tpu.memory_space<vmem>>, vector<16xf32>,
          %sub3A_770 = arith.subf %get3A_769, %get3A_769 : vector<16xf32>
          %add3A_771 = arith.addf %add3A_657, %sub3A_770 : vector<16xf32>
          %get3A_772 = arith.constant 3 : i32
          %get3A_773 = arith.index_cast %get3A_772 : i32 to index
          %get3A_774 = arith.index_cast %scan3A_764 : i32 to index
          %get3A_775 = arith.constant 16 : index
          %get3A_776 = tpu.vector_load %arg7[%get3A_773, %get3A_774, %get3A_775] {strides = array<i32>} : memref<4x64x256xf32, #tpu.memory_space<vmem>>, vector<16xf32>,
          %sub3A_777 = arith.subf %get3A_776, %get3A_776 : vector<16xf32>
          %add3A_778 = arith.addf %add3A_664, %sub3A_777 : vector<16xf32>
          %get3A_779 = arith.constant 3 : i32
          %get3A_780 = arith.index_cast %get3A_779 : i32 to index
          %get3A_781 = arith.index_cast %scan3A_764 : i32 to index
          %get3A_782 = arith.constant 32 : index
          %get3A_783 = tpu.vector_load %arg7[%get3A_780, %get3A_781, %get3A_782] {strides = array<i32>} : memref<4x64x256xf32, #tpu.memory_space<vmem>>, vector<16xf32>,
          %sub3A_784 = arith.subf %get3A_783, %get3A_783 : vector<16xf32>
          %add3A_785 = arith.addf %add3A_671, %sub3A_784 : vector<16xf32>
          %get3A_786 = arith.constant 3 : i32
          %get3A_787 = arith.index_cast %get3A_786 : i32 to index
          %get3A_788 = arith.index_cast %scan3A_764 : i32 to index
          %get3A_789 = arith.constant 48 : index
          %get3A_790 = tpu.vector_load %arg7[%get3A_787, %get3A_788, %get3A_789] {strides = array<i32>} : memref<4x64x256xf32, #tpu.memory_space<vmem>>, vector<16xf32>,
          %sub3A_791 = arith.subf %get3A_790, %get3A_790 : vector<16xf32>
          %add3A_792 = arith.addf %add3A_678, %sub3A_791 : vector<16xf32>
          %get3A_793 = arith.constant 3 : i32
          %get3A_794 = arith.index_cast %get3A_793 : i32 to index
          %get3A_795 = arith.index_cast %scan3A_764 : i32 to index
          %get3A_796 = arith.constant 64 : index
          %get3A_797 = tpu.vector_load %arg7[%get3A_794, %get3A_795, %get3A_796] {strides = array<i32>} : memref<4x64x256xf32, #tpu.memory_space<vmem>>, vector<16xf32>,
          %sub3A_798 = arith.subf %get3A_797, %get3A_797 : vector<16xf32>
          %add3A_799 = arith.addf %add3A_685, %sub3A_798 : vector<16xf32>
          %get3A_800 = arith.constant 3 : i32
          %get3A_801 = arith.index_cast %get3A_800 : i32 to index
          %get3A_802 = arith.index_cast %scan3A_764 : i32 to index
          %get3A_803 = arith.constant 80 : index
          %get3A_804 = tpu.vector_load %arg7[%get3A_801, %get3A_802, %get3A_803] {strides = array<i32>} : memref<4x64x256xf32, #tpu.memory_space<vmem>>, vector<16xf32>,
          %sub3A_805 = arith.subf %get3A_804, %get3A_804 : vector<16xf32>
          %add3A_806 = arith.addf %add3A_692, %sub3A_805 : vector<16xf32>
          %get3A_807 = arith.constant 3 : i32
          %get3A_808 = arith.index_cast %get3A_807 : i32 to index
          %get3A_809 = arith.index_cast %scan3A_764 : i32 to index
          %get3A_810 = arith.constant 96 : index
          %get3A_811 = tpu.vector_load %arg7[%get3A_808, %get3A_809, %get3A_810] {strides = array<i32>} : memref<4x64x256xf32, #tpu.memory_space<vmem>>, vector<16xf32>,
          %sub3A_812 = arith.subf %get3A_811, %get3A_811 : vector<16xf32>
          %add3A_813 = arith.addf %add3A_699, %sub3A_812 : vector<16xf32>
          %get3A_814 = arith.constant 3 : i32
          %get3A_815 = arith.index_cast %get3A_814 : i32 to index
          %get3A_816 = arith.index_cast %scan3A_764 : i32 to index
          %get3A_817 = arith.constant 112 : index
          %get3A_818 = tpu.vector_load %arg7[%get3A_815, %get3A_816, %get3A_817] {strides = array<i32>} : memref<4x64x256xf32, #tpu.memory_space<vmem>>, vector<16xf32>,
          %sub3A_819 = arith.subf %get3A_818, %get3A_818 : vector<16xf32>
          %add3A_820 = arith.addf %add3A_706, %sub3A_819 : vector<16xf32>
          %get3A_821 = arith.constant 3 : i32
          %get3A_822 = arith.index_cast %get3A_821 : i32 to index
          %get3A_823 = arith.index_cast %scan3A_764 : i32 to index
          %get3A_824 = arith.constant 128 : index
          %get3A_825 = tpu.vector_load %arg7[%get3A_822, %get3A_823, %get3A_824] {strides = array<i32>} : memref<4x64x256xf32, #tpu.memory_space<vmem>>, vector<16xf32>,
          %sub3A_826 = arith.subf %get3A_825, %get3A_825 : vector<16xf32>
          %add3A_827 = arith.addf %add3A_713, %sub3A_826 : vector<16xf32>
          %get3A_828 = arith.constant 3 : i32
          %get3A_829 = arith.index_cast %get3A_828 : i32 to index
          %get3A_830 = arith.index_cast %scan3A_764 : i32 to index
          %get3A_831 = arith.constant 144 : index
          %get3A_832 = tpu.vector_load %arg7[%get3A_829, %get3A_830, %get3A_831] {strides = array<i32>} : memref<4x64x256xf32, #tpu.memory_space<vmem>>, vector<16xf32>,
          %sub3A_833 = arith.subf %get3A_832, %get3A_832 : vector<16xf32>
          %add3A_834 = arith.addf %add3A_720, %sub3A_833 : vector<16xf32>
          %get3A_835 = arith.constant 3 : i32
          %get3A_836 = arith.index_cast %get3A_835 : i32 to index
          %get3A_837 = arith.index_cast %scan3A_764 : i32 to index
          %get3A_838 = arith.constant 160 : index
          %get3A_839 = tpu.vector_load %arg7[%get3A_836, %get3A_837, %get3A_838] {strides = array<i32>} : memref<4x64x256xf32, #tpu.memory_space<vmem>>, vector<16xf32>,
          %sub3A_840 = arith.subf %get3A_839, %get3A_839 : vector<16xf32>
          %add3A_841 = arith.addf %add3A_727, %sub3A_840 : vector<16xf32>
          %get3A_842 = arith.constant 3 : i32
          %get3A_843 = arith.index_cast %get3A_842 : i32 to index
          %get3A_844 = arith.index_cast %scan3A_764 : i32 to index
          %get3A_845 = arith.constant 176 : index
          %get3A_846 = tpu.vector_load %arg7[%get3A_843, %get3A_844, %get3A_845] {strides = array<i32>} : memref<4x64x256xf32, #tpu.memory_space<vmem>>, vector<16xf32>,
          %sub3A_847 = arith.subf %get3A_846, %get3A_846 : vector<16xf32>
          %add3A_848 = arith.addf %add3A_734, %sub3A_847 : vector<16xf32>
          %get3A_849 = arith.constant 3 : i32
          %get3A_850 = arith.index_cast %get3A_849 : i32 to index
          %get3A_851 = arith.index_cast %scan3A_764 : i32 to index
          %get3A_852 = arith.constant 192 : index
          %get3A_853 = tpu.vector_load %arg7[%get3A_850, %get3A_851, %get3A_852] {strides = array<i32>} : memref<4x64x256xf32, #tpu.memory_space<vmem>>, vector<16xf32>,
          %sub3A_854 = arith.subf %get3A_853, %get3A_853 : vector<16xf32>
          %add3A_855 = arith.addf %add3A_741, %sub3A_854 : vector<16xf32>
          %get3A_856 = arith.constant 3 : i32
          %get3A_857 = arith.index_cast %get3A_856 : i32 to index
          %get3A_858 = arith.index_cast %scan3A_764 : i32 to index
          %get3A_859 = arith.constant 208 : index
          %get3A_860 = tpu.vector_load %arg7[%get3A_857, %get3A_858, %get3A_859] {strides = array<i32>} : memref<4x64x256xf32, #tpu.memory_space<vmem>>, vector<16xf32>,
          %sub3A_861 = arith.subf %get3A_860, %get3A_860 : vector<16xf32>
          %add3A_862 = arith.addf %add3A_748, %sub3A_861 : vector<16xf32>
          %get3A_863 = arith.constant 3 : i32
          %get3A_864 = arith.index_cast %get3A_863 : i32 to index
          %get3A_865 = arith.index_cast %scan3A_764 : i32 to index
          %get3A_866 = arith.constant 224 : index
          %get3A_867 = tpu.vector_load %arg7[%get3A_864, %get3A_865, %get3A_866] {strides = array<i32>} : memref<4x64x256xf32, #tpu.memory_space<vmem>>, vector<16xf32>,
          %sub3A_868 = arith.subf %get3A_867, %get3A_867 : vector<16xf32>
          %add3A_869 = arith.addf %add3A_755, %sub3A_868 : vector<16xf32>
          %get3A_870 = arith.constant 3 : i32
          %get3A_871 = arith.index_cast %get3A_870 : i32 to index
          %get3A_872 = arith.index_cast %scan3A_764 : i32 to index
          %get3A_873 = arith.constant 240 : index
          %get3A_874 = tpu.vector_load %arg7[%get3A_871, %get3A_872, %get3A_873] {strides = array<i32>} : memref<4x64x256xf32, #tpu.memory_space<vmem>>, vector<16xf32>,
          %sub3A_875 = arith.subf %get3A_874, %get3A_874 : vector<16xf32>
          %add3A_876 = arith.addf %add3A_762, %sub3A_875 : vector<16xf32>
          scf.yield %add3A_771, %add3A_778, %add3A_785, %add3A_792, %add3A_799, %add3A_806, %add3A_813, %add3A_820, %add3A_827, %add3A_834, %add3A_841, %add3A_848, %add3A_855, %add3A_862, %add3A_869, %add3A_876 : vector<16xf32>, vector<16xf32>, vector<16xf32>, vector<16xf32>, vector<16xf32>, vector<16xf32>, vector<16xf32>, vector<16xf32>, vector<16xf32>, vector<16xf32>, vector<16xf32>, vector<16xf32>, vector<16xf32>, vector<16xf32>, vector<16xf32>, vector<16xf32>
        }
        %scan3A_613 = arith.constant 64 : i32
        %add3A_614 = arith.addf %scan3A_612#0, %scan3A_612#1 : vector<16xf32>
        %add3A_615 = arith.addf %add3A_614, %scan3A_612#2 : vector<16xf32>
        %add3A_616 = arith.addf %add3A_615, %scan3A_612#3 : vector<16xf32>
        %add3A_617 = arith.addf %add3A_616, %scan3A_612#4 : vector<16xf32>
        %add3A_618 = arith.addf %add3A_617, %scan3A_612#5 : vector<16xf32>
        %add3A_619 = arith.addf %add3A_618, %scan3A_612#6 : vector<16xf32>
        %add3A_620 = arith.addf %add3A_619, %scan3A_612#7 : vector<16xf32>
        %add3A_621 = arith.addf %add3A_620, %scan3A_612#8 : vector<16xf32>
        %add3A_622 = arith.addf %add3A_621, %scan3A_612#9 : vector<16xf32>
        %add3A_623 = arith.addf %add3A_622, %scan3A_612#10 : vector<16xf32>
        %add3A_624 = arith.addf %add3A_623, %scan3A_612#11 : vector<16xf32>
        %add3A_625 = arith.addf %add3A_624, %scan3A_612#12 : vector<16xf32>
        %add3A_626 = arith.addf %add3A_625, %scan3A_612#13 : vector<16xf32>
        %add3A_627 = arith.addf %add3A_626, %scan3A_612#14 : vector<16xf32>
        %add3A_628 = arith.addf %add3A_627, %scan3A_612#15 : vector<16xf32>
        %get3A_629 = arith.constant 0 : index
        %get3A_630 = tpu.vector_load %arg8[%get3A_629] {strides = array<i32>} : memref<16xf32, #tpu.memory_space<vmem>>, vector<16xf32>,
        %add3A_631 = arith.addf %get3A_630, %add3A_628 : vector<16xf32>
        %swap3A_632 = arith.constant 0 : index
        %swap3A_633 = tpu.vector_load %arg8[%swap3A_632] {strides = array<i32>} : memref<16xf32, #tpu.memory_space<vmem>>, vector<16xf32>,
        tpu.vector_store %arg8[%swap3A_632], %add3A_631 {strides = array<i32>} : memref<16xf32, #tpu.memory_space<vmem>>, vector<16xf32>,
      } else {
      }
    }
    %scan3A_317 = arith.constant 8 : i32
    "tpu.region"() ({
      %run_scoped3A = tpu.sem_alloc : memref<!tpu.dma_semaphore, #tpu.memory_space<semaphore_mem>>
      %dma_start3A = arith.constant 0 : i32
      %dma_start3A_318 = tpu.memref_slice %arg4[%add3A, %dma_start3A] : memref<32x16xf32, #tpu.memory_space<hbm>> -> memref<1x16xf32, #tpu.memory_space<hbm>>
      %dma_start3A_319 = tpu.memref_squeeze %dma_start3A_318 : memref<1x16xf32, #tpu.memory_space<hbm>> -> memref<16xf32, #tpu.memory_space<hbm>>
      %dma_start3A_320 = arith.constant 0 : i32
      %dma_start3A_321 = tpu.memref_slice %arg4[%add3A, %dma_start3A_320] : memref<32x16xf32, #tpu.memory_space<hbm>> -> memref<1x16xf32, #tpu.memory_space<hbm>>
      %dma_start3A_322 = tpu.memref_squeeze %dma_start3A_321 : memref<1x16xf32, #tpu.memory_space<hbm>> -> memref<16xf32, #tpu.memory_space<hbm>>
      tpu.enqueue_dma source(%arg8 : memref<16xf32, #tpu.memory_space<vmem>>) target(%dma_start3A_322 : memref<16xf32, #tpu.memory_space<hbm>>) target_semaphore(%run_scoped3A : memref<!tpu.dma_semaphore, #tpu.memory_space<semaphore_mem>>)
      %dma_wait3A = arith.constant 0 : i32
      %dma_wait3A_323 = tpu.memref_slice %arg4[%add3A, %dma_wait3A] : memref<32x16xf32, #tpu.memory_space<hbm>> -> memref<1x16xf32, #tpu.memory_space<hbm>>
      %dma_wait3A_324 = tpu.memref_squeeze %dma_wait3A_323 : memref<1x16xf32, #tpu.memory_space<hbm>> -> memref<16xf32, #tpu.memory_space<hbm>>
      %dma_wait3A_325 = arith.constant 0 : i32
      %dma_wait3A_326 = tpu.memref_slice %arg4[%add3A, %dma_wait3A_325] : memref<32x16xf32, #tpu.memory_space<hbm>> -> memref<1x16xf32, #tpu.memory_space<hbm>>
      %dma_wait3A_327 = tpu.memref_squeeze %dma_wait3A_326 : memref<1x16xf32, #tpu.memory_space<hbm>> -> memref<16xf32, #tpu.memory_space<hbm>>
      tpu.wait_dma2 semaphore(%run_scoped3A : memref<!tpu.dma_semaphore, #tpu.memory_space<semaphore_mem>>) src(%arg8 : memref<16xf32, #tpu.memory_space<vmem>>) dst(%dma_wait3A_327 : memref<16xf32, #tpu.memory_space<hbm>>)
      tpu.yield
    }) : () -> ()
    return
  }
}

</mosaic_0001>

<sc_bundles>
// kernel: kernel.3.cloned.1.call-start
scs
__scs_entry_jumppad:
0x0: {  	(pc) =	sbr.rel $0x88, $3  }
0x1: {  	(tag) =	ssettag $0x0;
	lr =	simm.s32 $0x1  }
0x2: {  	[smem:$0x3F9F] =	sst lr;
	_ =	strace $0xD0000000  }
0x3: {  	_ = 	snop  }
0x4: {  	_ = 	snop  }
0x5: {  	_ = 	snop  }
0x6: {  	_ = 	snop  }
0x7: {  	_ = 	snop  }
__scs_overlays_trampoline_lowered:
0x8: {  	[smem:$0x3FAE] =	sst s0  }
0x9: {  	[smem:$0x3FAF] =	sst s1  }
0xa: {  	[smem:$0x3FB0] =	sst s2  }
0xb: {  	[smem:$0x3FB1] =	sst s3  }
0xc: {  	[smem:$0x3FB2] =	sst s4  }
0xd: {  	[smem:$0x3FB3] =	sst s5  }
0xe: {  	[smem:$0x3FB4] =	sst s6  }
0xf: {  	[smem:$0x3FB5] =	sst s7  }
0x10: {  	[smem:$0x3FB6] =	sst s8  }
0x11: {  	[smem:$0x3FB7] =	sst s9;
	s0 =	simm.s32 @!p0 $0x0  }
0x12: {  	s1 =	sld [smem:$0x3F9D];
	s0 =	simm.s32 @p0 $0x1  }
0x13: {  	[smem:$0x3FB8] =	sst s0;
	s0 =	simm.s32 @!p1 $0x0  }
0x14: {  	s2 =	sld [smem:$0x3F9C];
	s0 =	simm.s32 @p1 $0x1  }
0x15: {  	[smem:$0x3FB9] =	sst s0;
	s0 =	simm.s32 @!p2 $0x0  }
0x16: {  	s3 =	sld [smem:$0x3FDB];
	s0 =	simm.s32 @p2 $0x1  }
0x17: {  	s4 =	simm.s32 $0x1BF5;
	[smem:$0x3FBB] =	sst s0  }
0x18: {  	s0 =	sld [smem:$0x3F9E];
	_ =	swait.ge [sflag:s4], $0x0  }
0x19: {  	s7 =	sld [smem:$0x3F9F]  }
0x1a: {  	s8 =	sadd.s32 $0xFFFFE003, lr  }
0x1b: {  	s9 =	sadd.s32 $0xFFFFFEF7, lr;
	s5 =	simm.s32 $0xFFFFFFFF;
	p2 =	slt.u32 s8, $0xFFFFF086  }
0x1c: {  	p1 =	slt.u32 s9, $0xF7A;
	s5 =	simm.s32 @!p2 $0x0  }
0x1d: {  	s5 =	simm.s32 @p1 $0x1;
	p0 =	seq.s32 s7, s2  }
0x1e: {  	s7 =	smul.u32 @!p0 $0xF7A, s2;
	p2 =	seq.s32 @!p0 s5, $0x0  }
0x1f: {  	s9 =	smul.u32 $0xF7A, s1;
	s8 =	simm.s32 @!p0 $0x1BF5;
	p2 =	por !p2, p0  }
0x20: {  	[sflag:s8] =	ssyncset.s32 @!p0 $0xFFFFF086;
	s6 =	sadd.s32 @!p0 s3, s7;
	s7 =	simm.s32 @!p0 $0x108  }
0x21: {  	s3 =	sadd.s32 s3, s9;
	s6 =	sadd.s32 @!p0 $0x88, s6;
	s7 =	simm.s32 @p2 $0x1082  }
0x22: {  	[simem:s7], [sflag:s8] =	dma.local @!p0 [hbm:s6], $0xF7A  }
0x23: {  	s9 =	sor.u32 $0xD0000000, s2;
	s6 =	simm.s32 $0x108;
	_ =	swait.ge @!p0 [sflag:s8], $0x0  }
0x24: {  	s3 =	sadd.s32 $0x88, s3;
	s6 =	simm.s32 @!p1 $0x1082;
	[sflag:s4] =	ssyncset.s32 $0xFFFFF086  }
0x25: {  	[simem:s6], [sflag:s4] =	dma.local [hbm:s3], $0xF7A  }
0x26: {  	[smem:$0x3F9F] =	sst s1;
	(tag) =	ssettag s2;
	_ =	strace s9  }
0x27: {  	s1 =	sld [smem:$0x3FAF]  }
0x28: {  	s2 =	sld [smem:$0x3FB0]  }
0x29: {  	s4 =	sld [smem:$0x3FB2]  }
0x2a: {  	p0 =	seq.s32 s5, $0x0;
	s5 =	sld [smem:$0x3FB3]  }
0x2b: {  	s6 =	sld [smem:$0x3FB4]  }
0x2c: {  	s7 =	sld [smem:$0x3FB5]  }
0x2d: {  	s3 =	simm.s32 $0x108;
	s8 =	sld [smem:$0x3FB6]  }
0x2e: {  	s3 =	simm.s32 @!p0 $0x1082;
	s9 =	sld [smem:$0x3FB7]  }
0x2f: {  	lr =	sadd.s32 s0, s3;
	s0 =	sld [smem:$0x3FAE]  }
0x30: {  	s3 =	sld [smem:$0x3FB1]  }
0x31: {  	[smem:$0x3FBA] =	sst s10  }
0x32: {  	s10 =	sld [smem:$0x3FB8];
	_ =	sdelay $0x3  }
0x33: {  	p0 =	seq.s32 s10, $0x1;
	s10 =	sld [smem:$0x3FBA];
	_ =	sdelay $0x3  }
0x34: {  	[smem:$0x3FBA] =	sst s10  }
0x35: {  	s10 =	sld [smem:$0x3FB9];
	_ =	sdelay $0x3  }
0x36: {  	p1 =	seq.s32 s10, $0x1;
	s10 =	sld [smem:$0x3FBA];
	_ =	sdelay $0x3  }
0x37: {  	[smem:$0x3FBA] =	sst s10  }
0x38: {  	s10 =	sld [smem:$0x3FBB]  }
0x39: {  	_ = 	snop;
	(pc) =	sbr.ind lr, $3  }
0x3a: {  	_ = 	snop  }
0x3b: {  	_ = 	snop  }
0x3c: {  	p2 =	seq.s32 s10, $0x1;
	s10 =	sld [smem:$0x3FBA]  }
0x3d: {  	_ =	shalt  }
0x3e: {  	_ =	shalt  }
0x3f: {  	_ =	shalt  }
0x40: {  	_ =	shalt  }
0x41: {  	_ =	shalt  }
0x42: {  	_ =	shalt  }
0x43: {  	_ =	shalt  }
0x44: {  	_ =	shalt  }
0x45: {  	_ =	shalt  }
0x46: {  	_ =	shalt  }
0x47: {  	_ =	shalt  }
0x48: {  	_ =	shalt  }
0x49: {  	_ =	shalt  }
0x4a: {  	_ =	shalt  }
0x4b: {  	_ =	shalt  }
0x4c: {  	_ =	shalt  }
0x4d: {  	_ =	shalt  }
0x4e: {  	_ =	shalt  }
0x4f: {  	_ =	shalt  }
0x50: {  	_ =	shalt  }
0x51: {  	_ =	shalt  }
0x52: {  	_ =	shalt  }
0x53: {  	_ =	shalt  }
0x54: {  	_ =	shalt  }
0x55: {  	_ =	shalt  }
0x56: {  	_ =	shalt  }
0x57: {  	_ =	shalt  }
0x58: {  	_ =	shalt  }
0x59: {  	_ =	shalt  }
0x5a: {  	_ =	shalt  }
0x5b: {  	_ =	shalt  }
0x5c: {  	_ =	shalt  }
0x5d: {  	_ =	shalt  }
0x5e: {  	_ =	shalt  }
0x5f: {  	_ =	shalt  }
0x60: {  	_ =	shalt  }
0x61: {  	_ =	shalt  }
0x62: {  	_ =	shalt  }
0x63: {  	_ =	shalt  }
0x64: {  	_ =	shalt  }
0x65: {  	_ =	shalt  }
0x66: {  	_ =	shalt  }
0x67: {  	_ =	shalt  }
0x68: {  	_ =	shalt  }
0x69: {  	_ =	shalt  }
0x6a: {  	_ =	shalt  }
0x6b: {  	_ =	shalt  }
0x6c: {  	_ =	shalt  }
0x6d: {  	_ =	shalt  }
0x6e: {  	_ =	shalt  }
0x6f: {  	_ =	shalt  }
0x70: {  	_ =	shalt  }
0x71: {  	_ =	shalt  }
0x72: {  	_ =	shalt  }
0x73: {  	_ =	shalt  }
0x74: {  	_ =	shalt  }
0x75: {  	_ =	shalt  }
0x76: {  	_ =	shalt  }
0x77: {  	_ =	shalt  }
0x78: {  	_ =	shalt  }
0x79: {  	_ =	shalt  }
0x7a: {  	_ =	shalt  }
0x7b: {  	_ =	shalt  }
0x7c: {  	_ =	shalt  }
0x7d: {  	_ =	shalt  }
0x7e: {  	_ =	shalt  }
0x7f: {  	_ =	shalt  }
0x80: {  	_ =	shalt  }
0x81: {  	_ =	shalt  }
0x82: {  	_ =	shalt  }
0x83: {  	_ =	shalt  }
0x84: {  	_ =	shalt  }
0x85: {  	_ =	shalt  }
0x86: {  	_ =	shalt  }
0x87: {  	_ =	shalt  }
.Lfunc_end0:
.L_simem_size_0:
called_computation_lowered:
.L_overlay_start_0:
0x88: {  	s2 =	sld [smem:$0x3FD9]  }
0x89: {  	s3 =	sld [smem:$0x3FFE];
	_ =	sdelay $0x1  }
0x8a: {  	s1 =	srdreg.scid  }
0x8b: {  	s0 =	sand.u32 $0x1, s1  }
0x8c: {  	s17 =	sshll.u32 s0, $0xA;
	s2 =	sadd.s32 s3, s2  }
0x8d: {  	s2 =	sadd.s32 s2, s17  }
0x8e: {  	[smem:$0x3FC6] =	sst s2  }
0x8f: {  	_ = 	snop  }
0x90: {  	s2 =	sld [smem:$0x3FC9]  }
0x91: {  	s18 =	sld [smem:$0x3FC8];
	(tm) =	ssettm $0x1  }
0x92: {  	s4 =	sld [smem:$0x3FFB];
	_ =	sdelay $0x3  }
0x93: {  	_ =	strace s4  }
0x94: {  	s4 =	sld [smem:$0x3FFC];
	_ =	sdelay $0x3  }
0x95: {  	_ =	strace s4  }
0x96: {  	s4 =	sld [smem:$0x3FFD];
	_ =	sdelay $0x3  }
0x97: {  	_ =	strace s4  }
0x98: {  	_ =	strace $0x8FFFFFFF  }
0x99: {  	s19 =	sld [smem:$0x3FDB];
	_ =	sdelay $0x1  }
0x9a: {  	s5 =	simm.s32 $_scs_section_size  }
0x9b: {  	s6 =	simm.s32 $_size__tile_overlayer_lowered;
	s7 =	simm.s32 $_tile_overlayer_lowered  }
0x9c: {  	s22 =	simm.s32 $0x1BFF;
	s21 =	sshll.u32 s7, $0x1;
	s4 =	sadd.s32 s5, s19  }
0x9d: {  	s8 =	simm.s32 $0x0;
	s20 =	sshll.u32 s6, $0x1;
	s6 =	sadd.s32 s21, s4  }
0x9e: {  	[timem:s8], [sflag:s22] =	dma.local [hbm:s6], s20  }
0x9f: {  	_ =	swait.ge [sflag:s22], s20  }
0xa0: {  	s5 =	ssub.s32 $0x0, s20;
	[sflag:s22] =	ssyncset.done $0x0  }
0xa1: {  	[sflag:s22] =	ssyncadd.s32 s5;
	_ =	sdelay $0x1  }
0xa2: {  	s23 =	simm.s32 $0x1B8B  }
0xa3: {  	_ =	swait.ge [sflag:s23], $0x1  }
0xa4: {  	[sflag:s23] =	ssyncset.done $0x0  }
0xa5: {  	s25 =	simm.s32 $0x1B8E;
	s24 =	sld [smem:$0x3FFE];
	[sflag:s23] =	ssyncadd.s32 $0xFFFFFFFF  }
0xa6: {  	s26 =	simm.s32 $execute0_lowered;
	[smem:$0x3FD2] =	sst s25  }
0xa7: {  	s6 =	sshll.u32 s26, $0x1;
	_ =	strace $0x80000046;
	[dreg:$0x1] =	wrdreg $0xFFFFFFFF  }
0xa8: {  	s28 =	simm.s32 $_size_execute0_lowered;
	s4 =	sadd.s32 s4, s6;
	[dreg:$0x0] =	wrdreg $0x0  }
0xa9: {  	s6 =	sshll.u32 s28, $0x1;
	[dreg:$0x2] =	wrdreg s4  }
0xaa: {  	[dreg:$0x3] =	wrdreg s6  }
0xab: {  	[dreg:$0x4] =	wrdreg $0xC0  }
0xac: {  	_ =	task [dreg:s8], $0x5FFFF  }
0xad: {  	[dreg:$0x1] =	wrdreg $0xFFFFFFFF  }
0xae: {  	[dreg:$0x0] =	wrdreg $0x60  }
0xaf: {  	[dreg:$0x2] =	wrdreg s2  }
0xb0: {  	[dreg:$0x3] =	wrdreg s18  }
0xb1: {  	[dreg:$0x4] =	wrdreg s24  }
0xb2: {  	[dreg:$0x5] =	wrdreg $0x9  }
0xb3: {  	_ =	task.clear_ibuf [dreg:s8], $0x6FFFF;
	_ =	strace $0x90000046  }
0xb4: {  	s29 =	simm.s32 $0x9;
	_ =	strace $0x80000048  }
0xb5: {  	_ =	swait.ge [sflag:s29], $0x1  }
0xb6: {  	[sflag:s29] =	ssyncadd.s32 $0xFFFFFFFF  }
0xb7: {  	_ =	strace $0x90000048  }
0xb8: {  	_ =	sfence  }
0xb9: {  	s30 =	sld [smem:$0x0];
	_ =	sdelay $0x2  }
0xba: {  	s31 =	sshll.u32 s1, $0xD;
	s1 =	sshrl.u32 s1, $0x2  }
0xbb: {  	s3 =	sand.u32 $0x4000, s31;
	s1 =	sadd.s32 s1, s30  }
0xbc: {  	s0 =	sor.u32 s3, s0;
	s1 =	sshll.u32 s1, $0x11  }
0xbd: {  	s0 =	sor.u32 s1, s0  }
0xbe: {  	s0 =	sadd.s32 $0x8F2B, s0  }
0xbf: {  	[sflag:s0] =	ssyncadd.remote.s32 $0x1  }
0xc0: {  	_ =	sfence.sel $0xFFFF  }
0xc1: {  	[dreg:$0x0] =	wrdreg $0xFFFFFFFF;
	(pc) =	sbr.abs _section_cstart, $3  }
0xc2: {  	[dreg:$0x1] =	wrdreg $0xFFFFFFFF  }
0xc3: {  	_ =	task.clear_ibuf [dreg:s8], $0x2FFFF;
	_ =	strace $0x9FFFFFFF  }
0xc4: {  	(tm) =	ssettm $0x7FFFFFFF  }
0xc5: {  	_ =	shalt  }
tec
execute0_lowered:
.L_overlay_start_1:
0x0: {  	(tag) =	ssettag $0x1  }
0x1: {  	s1 =	rddreg [dreg:$0x0];
	s0 =	srdreg.scid  }
0x2: {  	s3 =	stileid.u32;
	s2 =	rddreg [dreg:$0x2];
	s4 =	simm.s32 $0x0  }
0x3: {  	s15 =	simm.s32 $0x5;
	s16 =	simm.s32 $0x1;
	s17 =	simm.s32 $0x2  }
0x4: {  	s18 =	simm.s32 $0x3;
	s19 =	simm.s32 $0x4;
	s21 =	simm.s32 $0x0  }
0x5: {  	s0 =	sand.u32 $0x1, s0;
	s5 =	sshll.u32 s3, $0x1;
	[smem:$0x7FF] =	sst s4  }
0x6: {  	s5 =	sor.u32 s0, s5;
	s0 =	ssub.s32 $0x2, s0;
	_ =	strace $0x80000047  }
0x7: {  	vm0 =	vmmov $0x1;
	vm1 =	vcmask $0x308;
	s6 =	sshll.u32 s5, $0x6;
	s7 =	sshrl.u32 s0, $0x1;
	s9 =	sshll.u32 s5, $0xB  }
.Ltmp0:
0x8: {  	vm2 =	vcmask $0x70C;
	vm3 =	vcmask $0xB10;
	vm4 =	vcmask $0xF14;
	s12 =	sadd.s32 $0x7, s5;
	s8 =	sadd.s32 $0x1C0, s6;
	(pc) =	sbr.rel .LBB2_1-.Ltmp0, $4  }
0x9: {  	vm5 =	vcmask $0x1318;
	vm6 =	vcmask $0x171C;
	vm7 =	vcmask $0x1B20;
	s13 =	sshll.u32 s5, $0x4;
	s0 =	ssub.s32 s0, s7;
	s8 =	sand.u32 $0x7C0, s8  }
0xa: {  	vm8 =	vcmask $0x1F24;
	vm9 =	vcmask $0x2328;
	vm10 =	vcmask $0x272C;
	s7 =	sor.u32 $0x800, s6;
	s9 =	sadd.s32 s1, s9;
	s11 =	sshll.u32 s8, $0x5  }
0xb: {  	vm11 =	vcmask $0x2B30;
	vm12 =	vcmask $0x2F34;
	vm13 =	vcmask $0x3338;
	s13 =	sadd.s32 s2, s13;
	s10 =	sshll.u32 s7, $0x5;
	s11 =	sadd.s32 s11, s1  }
0xc: {  	vm14 =	vcmask $0x373C;
	vm15 =	vmmov $0x7fff;
	v0 =	vimm.f32 $0.0e+00;
	s14 =	smax.u32 s0, $0x1;
	s10 =	sadd.s32 s1, s10;
	s11 =	sadd.s32 $0x20000, s11  }
.LBB2_19:
0xd: {  	s21 =	sadd.s32 $0x1, s21  }
0xe: {  	p0 =	sne.s32 s21, s14  }
.Ltmp1:
0xf: {  	s0 =	simm.s32 $0x10080;
	(pc) =	sbr.rel @!p0 .LBB2_20-.Ltmp1, $4  }
0x10: {  	[hbm4b:s13+s4] =	stream.linear.scatter [tilespmem:s0], [sflag:$0x5], $0x80, $0x38;
	[tilespmem:$0x10100] =	vst v63  }
0x11: {  	_ =	swait.ge [sflag:s15], $0x80  }
0x12: {  	[sflag:s15] =	ssyncset.done $0x0  }
0x13: {  	[sflag:s15] =	ssyncadd.s32 $0xFFFFFF80  }
.LBB2_1:
0x14: {  	s0 =	rddreg [dreg:$0x1]  }
0x15: {  	[tilespmem:s4], [sflag:$0x5] =	stream.linear.gather [hbm4b:s0+s4], $0x80, $0x38;
	[tilespmem:$0x10100] =	vst v63  }
0x16: {  	_ =	swait.ge [sflag:s15], $0x80  }
0x17: {  	[sflag:s15] =	ssyncset.done $0x0  }
0x18: {  	[sflag:s15] =	ssyncadd.s32 $0xFFFFFF80  }
0x19: {  	v1 =	vld [tilespmem:$0x0];
	_ =	sdelay $0x4  }
0x1a: {  	v2 =	vnsel vm0, $0x0, v1  }
0x1b: {  	v3 =	vsel vm1, $0x0, v1;
	v2 =	vxor.u32 $0x80000000, v2  }
0x1c: {  	(xrf0) =	vmax.scan.msk.u32 $0xffff, v2;
	v2 =	vxor.u32 $0x80000000, v3;
	v3 =	vsel vm2, $0x0, v1  }
0x1d: {  	(xrf0) =	vmax.scan.msk.u32 $0xffff, v2;
	v2 =	vxor.u32 $0x80000000, v3;
	v3 =	vsel vm3, $0x0, v1  }
0x1e: {  	(xrf0) =	vmax.scan.msk.u32 $0xffff, v2;
	v2 =	vxor.u32 $0x80000000, v3;
	v3 =	vsel vm4, $0x0, v1  }
0x1f: {  	(xrf0) =	vmax.scan.msk.u32 $0xffff, v2;
	v2 =	vxor.u32 $0x80000000, v3  }
0x20: {  	(xrf0) =	vmax.scan.msk.u32 $0xffff, v2;
	_ =	sdelay $0x1  }
0x21: {  	v2, _, _ =	vpop (xrf0)  }
0x22: {  	(v2sf) =	vpush v2, $0xF;
	v2, _, _ =	vpop (xrf0)  }
0x23: {  	(v2sf) =	vpush v2, $0xF;
	v2, _, _ =	vpop (xrf0)  }
0x24: {  	(v2sf) =	vpush v2, $0xF;
	v2, _, _ =	vpop (xrf0)  }
0x25: {  	v3 =	vsel vm5, $0x0, v1;
	(v2sf) =	vpush v2, $0xF;
	v2, _, _ =	vpop (xrf0)  }
0x26: {  	(v2sf) =	vpush v2, $0xF;
	v2 =	vxor.u32 $0x80000000, v3  }
0x27: {  	(xrf0) =	vmax.scan.msk.u32 $0xffff, v2;
	v2 =	vsel vm6, $0x0, v1  }
0x28: {  	v3 =	vsel vm7, $0x0, v1;
	v2 =	vxor.u32 $0x80000000, v2  }
0x29: {  	(xrf0) =	vmax.scan.msk.u32 $0xffff, v2;
	v2 =	vxor.u32 $0x80000000, v3;
	v3 =	vsel vm8, $0x0, v1  }
0x2a: {  	(xrf0) =	vmax.scan.msk.u32 $0xffff, v2;
	v2 =	vxor.u32 $0x80000000, v3;
	v3 =	vsel vm9, $0x0, v1  }
0x2b: {  	(xrf0) =	vmax.scan.msk.u32 $0xffff, v2;
	v2 =	vxor.u32 $0x80000000, v3;
	v3 =	vsel vm10, $0x0, v1  }
0x2c: {  	(xrf0) =	vmax.scan.msk.u32 $0xffff, v2;
	v2 =	vxor.u32 $0x80000000, v3;
	v3 =	vsel vm11, $0x0, v1  }
0x2d: {  	(xrf0) =	vmax.scan.msk.u32 $0xffff, v2;
	v2 =	vxor.u32 $0x80000000, v3;
	v3 =	vsel vm12, $0x0, v1  }
0x2e: {  	v4, _, _ =	vpop (xrf0);
	(xrf0) =	vmax.scan.msk.u32 $0xffff, v2;
	v2 =	vxor.u32 $0x80000000, v3;
	v3 =	vsel vm13, $0x0, v1  }
0x2f: {  	(v2sf) =	vpush v4, $0xF;
	v62, _, _ =	vpop (xrf0);
	(xrf0) =	vmax.scan.msk.u32 $0xffff, v2;
	v2 =	vxor.u32 $0x80000000, v3;
	v3 =	vsel vm14, $0x0, v1  }
0x30: {  	v1 =	vsel vm15, $0x0, v1;
	v63, _, _ =	vpop (xrf0);
	(xrf0) =	vmax.scan.msk.u32 $0xffff, v2;
	v2 =	vxor.u32 $0x80000000, v3  }
0x31: {  	(v2sf) =	vpush v62, $0xF;
	v1 =	vxor.u32 $0x80000000, v1;
	s23 =	spop (v2sf)  }
0x32: {  	(v2sf) =	vpush v63, $0xF;
	v3, _, _ =	vpop (xrf0);
	s0 =	sxor.u32 $0x80000000, s23;
	s2 =	spop (v2sf)  }
0x33: {  	(xrf0) =	vmax.scan.msk.u32 $0xffff, v2;
	(v2sf) =	vpush v3, $0xF;
	v2, _, _ =	vpop (xrf0);
	[smem:$0x0] =	sst s0;
	s2 =	sxor.u32 $0x80000000, s2;
	s22 =	spop (v2sf)  }
0x34: {  	(xrf0) =	vmax.scan.msk.u32 $0xffff, v1;
	p0 =	sge.s32 s6, s0;
	v1, _, _ =	vpop (xrf0);
	(v2sf) =	vpush v2, $0xF;
	[smem:$0x1] =	sst s2;
	s24 =	sxor.u32 $0x80000000, s22  }
0x35: {  	s25 =	spop (v2sf);
	s2 =	simm.s32 @!p0 $0x0;
	s22 =	simm.s32 @!p0 $0x80;
	v2, _, _ =	vpop (xrf0);
	(v2sf) =	vpush v1, $0xF  }
0x36: {  	[tilespmem:$0x10080] =	vst v0;
	[smem:$0x2] =	sst s24;
	s26 =	sxor.u32 $0x80000000, s25;
	s28 =	spop (v2sf);
	v1, _, _ =	vpop (xrf0);
	(v2sf) =	vpush v2, $0xF  }
0x37: {  	[tilespmem:s22], [sflag:$0x1] =	stream.linear.gather @!p0 [hbm4b:s9+s2], $0x4000, $0x38;
	v2, _, _ =	vpop (xrf0);
	(v2sf) =	vpush v1, $0xF;
	[tilespmem:$0x10100] =	vst v63  }
0x38: {  	[smem:$0x3] =	sst s26;
	s29 =	sxor.u32 $0x80000000, s28;
	(v2sf) =	vpush v2, $0xF  }
0x39: {  	[smem:$0x4] =	sst s29;
	v1, _, _ =	vpop (xrf0)  }
0x3a: {  	p0 =	sge.s32 s7, s0;
	s30 =	sld [smem:$0x1];
	(v2sf) =	vpush v1, $0xF;
	v1, _, _ =	vpop (xrf0)  }
0x3b: {  	s2 =	simm.s32 @!p0 $0x0;
	s22 =	simm.s32 @!p0 $0x4080;
	(v2sf) =	vpush v1, $0xF  }
0x3c: {  	[tilespmem:s22], [sflag:$0x2] =	stream.linear.gather @!p0 [hbm4b:s10+s2], $0x4000, $0x38;
	[tilespmem:$0x10100] =	vst v63  }
0x3d: {  	p0 =	sge.s32 s8, s30  }
0x3e: {  	s2 =	simm.s32 @!p0 $0x0;
	s22 =	simm.s32 @!p0 $0x8080;
	s31 =	spop (v2sf)  }
0x3f: {  	[tilespmem:s22], [sflag:$0x3] =	stream.linear.gather @!p0 [hbm4b:s11+s2], $0x4000, $0x38;
	[tilespmem:$0x10100] =	vst v63  }
0x40: {  	s3 =	spop (v2sf)  }
0x41: {  	s0 =	sxor.u32 $0x80000000, s31;
	s20 =	spop (v2sf)  }
0x42: {  	[smem:$0x5] =	sst s0;
	s23 =	sxor.u32 $0x80000000, s3;
	s24 =	spop (v2sf)  }
0x43: {  	[smem:$0x6] =	sst s23;
	s25 =	sxor.u32 $0x80000000, s20;
	s26 =	spop (v2sf)  }
0x44: {  	[smem:$0x7] =	sst s25;
	s28 =	sxor.u32 $0x80000000, s24;
	s29 =	spop (v2sf)  }
0x45: {  	[smem:$0x8] =	sst s28;
	s30 =	sxor.u32 $0x80000000, s26;
	s31 =	spop (v2sf)  }
0x46: {  	[smem:$0x9] =	sst s30;
	s3 =	sxor.u32 $0x80000000, s29;
	s20 =	spop (v2sf)  }
0x47: {  	[smem:$0xA] =	sst s3;
	s23 =	sxor.u32 $0x80000000, s31;
	s24 =	spop (v2sf)  }
.Ltmp2:
0x48: {  	[smem:$0xB] =	sst s23;
	s25 =	sxor.u32 $0x80000000, s20;
	(pc) =	sbr.rel .LBB2_2-.Ltmp2, $4  }
0x49: {  	s26 =	spop (v2sf);
	[smem:$0xC] =	sst s25;
	s28 =	sxor.u32 $0x80000000, s24  }
0x4a: {  	[smem:$0xD] =	sst s28;
	s29 =	sxor.u32 $0x80000000, s26;
	s30 =	spop (v2sf)  }
0x4b: {  	[smem:$0xE] =	sst s29;
	s31 =	sxor.u32 $0x80000000, s30  }
0x4c: {  	s22 =	simm.s32 $0x0;
	[smem:$0xF] =	sst s31  }
.LBB2_18:
0x4d: {  	s22 =	sadd.s32 $0x1, s22  }
0x4e: {  	p0 =	sne.s32 s22, $0x8  }
.Ltmp3:
0x4f: {  	_ = 	snop;
	(pc) =	sbr.rel @!p0 .LBB2_19-.Ltmp3, $1  }
0x50: {  	_ =	sdelay $0x3  }
.LBB2_2:
0x51: {  	s0 =	sshllo.u32 s22, $0x1  }
0x52: {  	s2 =	smul.u32 $0x7, s0;
	_ =	sdelay $0x1  }
0x53: {  	s2 =	sadd.s32 s5, s2  }
0x54: {  	s23 =	sld [smem:s0+$0x0];
	s2 =	sshll.u32 s2, $0x6  }
0x55: {  	s2 =	sand.u32 $0x7C0, s2  }
0x56: {  	s2 =	sor.u32 $0x800, s2  }
0x57: {  	p0 =	sge.s32 s2, s23  }
0x58: {  	s0 =	sshll.u32 @!p0 s0, $0x11  }
0x59: {  	s2 =	sshll.u32 @!p0 s2, $0x5;
	s0 =	sadd.s32 @!p0 s1, s0  }
0x5a: {  	s23 =	simm.s32 @!p0 $0xC080;
	s0 =	sadd.s32 @!p0 s2, s0;
	s2 =	simm.s32 @!p0 $0x0  }
0x5b: {  	[tilespmem:s23], [sflag:$0x4] =	stream.linear.gather @!p0 [hbm4b:s0+s2], $0x4000, $0x38;
	[tilespmem:$0x10100] =	vst v63  }
0x5c: {  	s30 =	sshll.u32 s22, $0x1;
	s23 =	smul.u32 $0xE, s22  }
0x5d: {  	s24 =	sand.u32 $0x3FFFFFFE, s30  }
0x5e: {  	s26 =	sld [smem:s24+$0x0];
	s31 =	sadd.s32 s5, s23  }
0x5f: {  	s0 =	sshll.u32 s31, $0x6  }
0x60: {  	s29 =	sand.u32 $0x7C0, s0  }
0x61: {  	p1 =	sge.s32 s29, s26  }
.Ltmp4:
0x62: {  	_ = 	snop;
	(pc) =	sbr.rel @p1 .LBB2_6-.Ltmp4, $1  }
0x63: {  	_ =	sdelay $0x3  }
0x64: {  	_ =	swait.ge [sflag:s16], $0x4000;
	s0 =	simm.s32 $0x0  }
0x65: {  	[sflag:s16] =	ssyncset.done $0x0;
	s2 =	sand.u32 $0x3800, s0;
	s0 =	sand.u32 $0x300, s0  }
0x66: {  	[sflag:s16] =	ssyncadd.s32 $0xFFFFC000;
	s25 =	sor.u32 s0, s2  }
0x67: {  	v4 =	vld [tilespmem:s25+$0x550]  }
0x68: {  	v1 =	vld [tilespmem:s25+$0x560]  }
0x69: {  	v3 =	vld [tilespmem:s25+$0x110]  }
0x6a: {  	v5 =	vld [tilespmem:s25+$0x4D0]  }
0x6b: {  	v2 =	vld [tilespmem:s25+$0x90]  }
0x6c: {  	v7 =	vld [tilespmem:s25+$0x4C0]  }
0x6d: {  	v6 =	vld [tilespmem:s25+$0x4A0]  }
0x6e: {  	v8 =	vld [tilespmem:s25+$0x490]  }
0x6f: {  	v9 =	vld [tilespmem:s25+$0x480]  }
0x70: {  	v11 =	vld [tilespmem:s25+$0x4B0]  }
0x71: {  	v12 =	vld [tilespmem:s25+$0x120]  }
0x72: {  	v13 =	vld [tilespmem:s25+$0xA0]  }
0x73: {  	v14 =	vld [tilespmem:s25+$0xC0];
	v10 =	vsub.f32 v2, v2  }
0x74: {  	v15 =	vld [tilespmem:s25+$0xB0];
	v1 =	vsub.f32 v1, v1;
	v3 =	vsub.f32 v3, v3  }
0x75: {  	v18 =	vld [tilespmem:s25+$0xF0];
	v8 =	vsub.f32 v8, v8;
	v6 =	vsub.f32 v6, v6  }
0x76: {  	v24 =	vld [tilespmem:s25+$0x140];
	v16 =	vsub.f32 v9, v9;
	v19 =	vsub.f32 v7, v7  }
0x77: {  	v12 =	vsub.f32 v12, v12;
	v13 =	vsub.f32 v13, v13  }
0x78: {  	v23 =	vld [tilespmem:s25+$0x160];
	v5 =	vsub.f32 v5, v5;
	v14 =	vsub.f32 v14, v14  }
0x79: {  	v20 =	vld [tilespmem:s25+$0x170];
	v9 =	vsub.f32 v11, v11;
	v17 =	vsub.f32 v15, v15  }
0x7a: {  	v25 =	vld [tilespmem:s25+$0x80];
	v2 =	vimm.f32 $0.0e+00;
	v4 =	vsub.f32 v4, v4;
	v15 =	vsub.f32 v18, v18  }
0x7b: {  	v33 =	vld [tilespmem:s25+$0xE0];
	v31 =	vsub.f32 v24, v24;
	v10 =	vadd.f32 v10, v2  }
0x7c: {  	v7 =	vld [tilespmem:s25+$0x530];
	v6 =	vadd.f32 v6, v2;
	v5 =	vadd.f32 v5, v2  }
0x7d: {  	v3 =	vadd.f32 v3, v10;
	v10 =	vadd.f32 v8, v2;
	v8 =	vld [tilespmem:s25+$0xD0]  }
0x7e: {  	v11 =	vld [tilespmem:s25+$0x150];
	v13 =	vadd.f32 v13, v2;
	v21 =	vadd.f32 v14, v2  }
0x7f: {  	v14 =	vld [tilespmem:s25+$0x500];
	v22 =	vadd.f32 v16, v2;
	v18 =	vadd.f32 v15, v2  }
0x80: {  	v28 =	vld [tilespmem:s25+$0x510];
	v16 =	vsub.f32 v23, v23;
	v24 =	vadd.f32 v19, v2  }
0x81: {  	v26 =	vld [tilespmem:s25+$0x540];
	v23 =	vsub.f32 v25, v25;
	v25 =	vsub.f32 v33, v33  }
0x82: {  	v30 =	vld [tilespmem:s25+$0x520];
	v12 =	vadd.f32 v12, v13;
	v13 =	vimm.f32 $0.0e+00;
	v8 =	vsub.f32 v8, v8  }
0x83: {  	v15 =	vld [tilespmem:s25+$0x4E0];
	v7 =	vsub.f32 v7, v7;
	v27 =	vsub.f32 v11, v11;
	v11 =	vimm.f32 $0.0e+00  }
0x84: {  	v19 =	vld [tilespmem:s25+$0x4F0];
	v29 =	vsub.f32 v14, v14;
	v14 =	vimm.f32 $0.0e+00;
	v32 =	vadd.f32 v8, v2  }
0x85: {  	s28 =	simm.s32 $0x0;
	s30 =	simm.s32 $0x100;
	s2 =	simm.s32 $0x200;
	v33 =	vld [tilespmem:s25+$0x130];
	v8 =	vadd.f32 v4, v5;
	v5 =	vimm.f32 $0.0e+00;
	v4 =	vimm.f32 $0.0e+00  }
.LBB2_4:
0x86: {  	s0 =	sand.u32 $0x3800, s2;
	s31 =	sand.u32 $0x300, s30;
	s28 =	sadd.s32 $0x2, s28;
	v20 =	vsub.f32 v20, v20;
	v28 =	vsub.f32 v28, v28;
	v34 =	vld [tilespmem:s25+$0x570]  }
0x87: {  	v32 =	vadd.f32 v27, v32;
	p1 =	slt.u32 s28, $0x3E;
	v35 =	vld [tilespmem:s25+$0x100];
	s25 =	sor.u32 s31, s0;
	v26 =	vsub.f32 v26, v26  }
0x88: {  	v21 =	vadd.f32 v31, v21;
	v22 =	vadd.f32 v29, v22;
	v27 =	vld [tilespmem:s25+$0x550]  }
0x89: {  	v10 =	vadd.f32 v28, v10;
	v29 =	vld [tilespmem:s25+$0x560];
	v28 =	vsub.f32 v30, v30  }
0x8a: {  	v24 =	vadd.f32 v26, v24;
	v30 =	vld [tilespmem:s25+$0x110];
	v31 =	vsub.f32 v33, v33  }
0x8b: {  	v2 =	vadd.f32 v17, v2;
	v26 =	vld [tilespmem:s25+$0x4D0];
	v17 =	vsub.f32 v34, v34  }
0x8c: {  	v6 =	vadd.f32 v28, v6;
	v33 =	vld [tilespmem:s25+$0x90];
	v34 =	vsub.f32 v35, v35  }
0x8d: {  	v19 =	vsub.f32 v19, v19;
	v2 =	vadd.f32 v31, v2;
	v28 =	vld [tilespmem:s25+$0x4C0]  }
0x8e: {  	v15 =	vsub.f32 v15, v15;
	v18 =	vadd.f32 v20, v18;
	v31 =	vld [tilespmem:s25+$0x4B0]  }
0x8f: {  	v9 =	vadd.f32 v9, v11;
	v29 =	vsub.f32 v29, v29;
	v20 =	vld [tilespmem:s25+$0x4A0]  }
0x90: {  	v5 =	vadd.f32 v15, v5;
	v4 =	vadd.f32 v19, v4;
	v35 =	vld [tilespmem:s25+$0x490]  }
0x91: {  	v11 =	vadd.f32 v25, v13;
	v19 =	vsub.f32 v30, v30;
	v15 =	vld [tilespmem:s25+$0x480]  }
0x92: {  	v4 =	vadd.f32 v17, v4;
	v25 =	vsub.f32 v33, v33;
	v30 =	vld [tilespmem:s25+$0xF0]  }
0x93: {  	v13 =	vadd.f32 v16, v11;
	v5 =	vadd.f32 v1, v5;
	v1 =	vmov v29;
	v33 =	vld [tilespmem:s25+$0xD0]  }
0x94: {  	v14 =	vadd.f32 v23, v14;
	v16 =	vsub.f32 v20, v20;
	v17 =	vld [tilespmem:s25+$0x120]  }
0x95: {  	v11 =	vadd.f32 v7, v9;
	v3 =	vadd.f32 v25, v3;
	v20 =	vld [tilespmem:s25+$0xA0]  }
0x96: {  	v14 =	vadd.f32 v34, v14;
	v9 =	vsub.f32 v35, v35;
	v7 =	vld [tilespmem:s25+$0xC0]  }
0x97: {  	v3 =	vadd.f32 v19, v3;
	v15 =	vsub.f32 v15, v15;
	v23 =	vld [tilespmem:s25+$0xB0]  }
0x98: {  	v6 =	vadd.f32 v16, v6;
	v10 =	vadd.f32 v9, v10;
	v16 =	vld [tilespmem:s25+$0x530]  }
0x99: {  	v25 =	vsub.f32 v28, v28;
	v19 =	vsub.f32 v17, v17;
	v28 =	vld [tilespmem:s25+$0x160]  }
0x9a: {  	v29 =	vsub.f32 v20, v20;
	v20 =	vsub.f32 v26, v26;
	v26 =	vld [tilespmem:s25+$0x140]  }
0x9b: {  	v9 =	vsub.f32 v31, v31;
	v7 =	vsub.f32 v7, v7;
	v31 =	vld [tilespmem:s25+$0x150]  }
0x9c: {  	v17 =	vsub.f32 v23, v23;
	v8 =	vadd.f32 v20, v8;
	v20 =	vld [tilespmem:s25+$0x170]  }
0x9d: {  	v34 =	vsub.f32 v27, v27;
	v12 =	vadd.f32 v29, v12;
	v23 =	vld [tilespmem:s25+$0x80]  }
0x9e: {  	v21 =	vadd.f32 v7, v21;
	v7 =	vsub.f32 v16, v16;
	v29 =	vld [tilespmem:s25+$0x500]  }
0x9f: {  	v33 =	vsub.f32 v33, v33;
	v16 =	vsub.f32 v30, v30;
	v35 =	vld [tilespmem:s25+$0xE0]  }
0xa0: {  	v22 =	vadd.f32 v15, v22;
	v15 =	vld [tilespmem:s25+$0x4E0];
	v27 =	vsub.f32 v31, v31  }
.Ltmp5:
0xa1: {  	v18 =	vadd.f32 v16, v18;
	v16 =	vsub.f32 v28, v28;
	v28 =	vld [tilespmem:s25+$0x510];
	(pc) =	sbr.rel @p1 .LBB2_4-.Ltmp5, $4  }
0xa2: {  	v12 =	vadd.f32 v19, v12;
	v31 =	vsub.f32 v26, v26;
	v26 =	vld [tilespmem:s25+$0x540]  }
0xa3: {  	v32 =	vadd.f32 v33, v32;
	v19 =	vld [tilespmem:s25+$0x4F0];
	v29 =	vsub.f32 v29, v29  }
0xa4: {  	v24 =	vadd.f32 v25, v24;
	v8 =	vadd.f32 v34, v8;
	v30 =	vld [tilespmem:s25+$0x520]  }
0xa5: {  	s30 =	sadd.s32 $0x100, s30;
	s2 =	sadd.s32 $0x200, s2;
	v23 =	vsub.f32 v23, v23;
	v25 =	vsub.f32 v35, v35;
	v33 =	vld [tilespmem:s25+$0x130]  }
0xa6: {  	v34 =	vld [tilespmem:s25+$0x100];
	_ =	sdelay $0x4  }
0xa7: {  	v14 =	vadd.f32 v23, v14;
	v34 =	vsub.f32 v34, v34;
	_ =	sdelay $0x1  }
0xa8: {  	v14 =	vadd.f32 v34, v14  }
0xa9: {  	v2 =	vadd.f32 v17, v2  }
0xaa: {  	v53 =	vsub.f32 v33, v33;
	v3 =	vadd.f32 v3, v14;
	_ =	sdelay $0x1  }
0xab: {  	v2 =	vadd.f32 v53, v2;
	v3 =	vadd.f32 v12, v3;
	_ =	sdelay $0x1  }
0xac: {  	v54 =	vadd.f32 v31, v21;
	v2 =	vadd.f32 v2, v3  }
0xad: {  	v13 =	vadd.f32 v25, v13  }
0xae: {  	v3 =	vadd.f32 v27, v32;
	v2 =	vadd.f32 v54, v2  }
0xaf: {  	v55 =	vsub.f32 v20, v20  }
0xb0: {  	v13 =	vadd.f32 v16, v13;
	v2 =	vadd.f32 v3, v2;
	_ =	sdelay $0x1  }
0xb1: {  	v3 =	vadd.f32 v55, v18;
	v2 =	vadd.f32 v13, v2  }
0xb2: {  	v56 =	vsub.f32 v28, v28  }
0xb3: {  	v57 =	vadd.f32 v29, v22;
	v2 =	vadd.f32 v3, v2  }
0xb4: {  	v10 =	vadd.f32 v56, v10  }
0xb5: {  	v3 =	vsub.f32 v30, v30;
	v2 =	vadd.f32 v57, v2  }
0xb6: {  	v58 =	vadd.f32 v9, v11  }
0xb7: {  	v3 =	vadd.f32 v3, v6;
	v2 =	vadd.f32 v10, v2  }
0xb8: {  	v59 =	vsub.f32 v26, v26  }
0xb9: {  	v6 =	vadd.f32 v7, v58;
	v2 =	vadd.f32 v3, v2  }
0xba: {  	v60 =	vld [tilespmem:s25+$0x570];
	v61 =	vsub.f32 v15, v15  }
0xbb: {  	v3 =	vadd.f32 v59, v24;
	v2 =	vadd.f32 v6, v2  }
0xbc: {  	v62 =	vsub.f32 v19, v19;
	v5 =	vadd.f32 v61, v5  }
0xbd: {  	v2 =	vadd.f32 v3, v2  }
0xbe: {  	v4 =	vadd.f32 v62, v4;
	v1 =	vadd.f32 v1, v5  }
0xbf: {  	v3 =	vsub.f32 v60, v60;
	v2 =	vadd.f32 v8, v2  }
0xc0: {  	v63 =	vld [tilespmem:$0x10080]  }
0xc1: {  	v3 =	vadd.f32 v3, v4;
	v1 =	vadd.f32 v1, v2;
	_ =	sdelay $0x1  }
0xc2: {  	v1 =	vadd.f32 v3, v1;
	_ =	sdelay $0x1  }
0xc3: {  	v1 =	vadd.f32 v63, v1;
	_ =	sdelay $0x1  }
0xc4: {  	[tilespmem:$0x10080] =	vst v1  }
.LBB2_6:
0xc5: {  	s25 =	sshll.u32 s22, $0x2  }
0xc6: {  	p1 =	seq.s32 s22, $0x7;
	s28 =	sadd.s32 $0x4, s25  }
0xc7: {  	s30 =	sshrl.u32 @!p1 s28, $0x1  }
0xc8: {  	s0 =	smul.u32 @!p1 $0x7, s30;
	_ =	sdelay $0x1  }
0xc9: {  	s2 =	sld @!p1 [smem:s30+$0x0];
	s0 =	sadd.s32 @!p1 s5, s0  }
0xca: {  	s0 =	sshll.u32 @!p1 s0, $0x6  }
0xcb: {  	s31 =	sand.u32 @!p1 $0x7C0, s0  }
0xcc: {  	p2 =	sge.s32 @!p1 s31, s2  }
0xcd: {  	p2 =	por p2, p1  }
0xce: {  	s0 =	sshll.u32 @!p2 s28, $0x10  }
0xcf: {  	s29 =	sor.u32 $0x800, s29;
	s2 =	sshll.u32 @!p2 s31, $0x5;
	s0 =	sadd.s32 @!p2 s1, s0  }
0xd0: {  	s3 =	simm.s32 @!p2 $0x80;
	s0 =	sadd.s32 @!p2 s2, s0;
	s2 =	simm.s32 @!p2 $0x0  }
0xd1: {  	[tilespmem:s3], [sflag:$0x1] =	stream.linear.gather @!p2 [hbm4b:s0+s2], $0x4000, $0x38;
	[tilespmem:$0x10100] =	vst v63  }
0xd2: {  	p2 =	sge.s32 s29, s26  }
.Ltmp6:
0xd3: {  	_ = 	snop;
	(pc) =	sbr.rel @p2 .LBB2_10-.Ltmp6, $1  }
0xd4: {  	_ =	sdelay $0x3  }
0xd5: {  	_ =	swait.ge [sflag:s17], $0x4000;
	s0 =	simm.s32 $0x0  }
0xd6: {  	[sflag:s17] =	ssyncset.done $0x0;
	s2 =	sand.u32 $0x3800, s0;
	s0 =	sand.u32 $0x300, s0  }
0xd7: {  	[sflag:s17] =	ssyncadd.s32 $0xFFFFC000;
	s26 =	sor.u32 s0, s2  }
0xd8: {  	v4 =	vld [tilespmem:s26+$0x4550]  }
0xd9: {  	v1 =	vld [tilespmem:s26+$0x4560]  }
0xda: {  	v3 =	vld [tilespmem:s26+$0x4110]  }
0xdb: {  	v5 =	vld [tilespmem:s26+$0x44D0]  }
0xdc: {  	v2 =	vld [tilespmem:s26+$0x4090]  }
0xdd: {  	v7 =	vld [tilespmem:s26+$0x44C0]  }
0xde: {  	v6 =	vld [tilespmem:s26+$0x44A0]  }
0xdf: {  	v8 =	vld [tilespmem:s26+$0x4490]  }
0xe0: {  	v9 =	vld [tilespmem:s26+$0x4480]  }
0xe1: {  	v11 =	vld [tilespmem:s26+$0x44B0]  }
0xe2: {  	v12 =	vld [tilespmem:s26+$0x4120]  }
0xe3: {  	v13 =	vld [tilespmem:s26+$0x40A0]  }
0xe4: {  	v14 =	vld [tilespmem:s26+$0x40C0];
	v10 =	vsub.f32 v2, v2  }
0xe5: {  	v15 =	vld [tilespmem:s26+$0x40B0];
	v1 =	vsub.f32 v1, v1;
	v3 =	vsub.f32 v3, v3  }
0xe6: {  	v18 =	vld [tilespmem:s26+$0x40F0];
	v8 =	vsub.f32 v8, v8;
	v6 =	vsub.f32 v6, v6  }
0xe7: {  	v24 =	vld [tilespmem:s26+$0x4140];
	v16 =	vsub.f32 v9, v9;
	v19 =	vsub.f32 v7, v7  }
0xe8: {  	v12 =	vsub.f32 v12, v12;
	v13 =	vsub.f32 v13, v13  }
0xe9: {  	v23 =	vld [tilespmem:s26+$0x4160];
	v5 =	vsub.f32 v5, v5;
	v14 =	vsub.f32 v14, v14  }
0xea: {  	v20 =	vld [tilespmem:s26+$0x4170];
	v9 =	vsub.f32 v11, v11;
	v17 =	vsub.f32 v15, v15  }
0xeb: {  	v25 =	vld [tilespmem:s26+$0x4080];
	v2 =	vimm.f32 $0.0e+00;
	v4 =	vsub.f32 v4, v4;
	v15 =	vsub.f32 v18, v18  }
0xec: {  	v33 =	vld [tilespmem:s26+$0x40E0];
	v31 =	vsub.f32 v24, v24;
	v10 =	vadd.f32 v10, v2  }
0xed: {  	v7 =	vld [tilespmem:s26+$0x4530];
	v6 =	vadd.f32 v6, v2;
	v5 =	vadd.f32 v5, v2  }
0xee: {  	v3 =	vadd.f32 v3, v10;
	v10 =	vadd.f32 v8, v2;
	v8 =	vld [tilespmem:s26+$0x40D0]  }
0xef: {  	v11 =	vld [tilespmem:s26+$0x4150];
	v13 =	vadd.f32 v13, v2;
	v21 =	vadd.f32 v14, v2  }
0xf0: {  	v14 =	vld [tilespmem:s26+$0x4500];
	v22 =	vadd.f32 v16, v2;
	v18 =	vadd.f32 v15, v2  }
0xf1: {  	v28 =	vld [tilespmem:s26+$0x4510];
	v16 =	vsub.f32 v23, v23;
	v24 =	vadd.f32 v19, v2  }
0xf2: {  	v26 =	vld [tilespmem:s26+$0x4540];
	v23 =	vsub.f32 v25, v25;
	v25 =	vsub.f32 v33, v33  }
0xf3: {  	v30 =	vld [tilespmem:s26+$0x4520];
	v12 =	vadd.f32 v12, v13;
	v13 =	vimm.f32 $0.0e+00;
	v8 =	vsub.f32 v8, v8  }
0xf4: {  	v15 =	vld [tilespmem:s26+$0x44E0];
	v7 =	vsub.f32 v7, v7;
	v27 =	vsub.f32 v11, v11;
	v11 =	vimm.f32 $0.0e+00  }
0xf5: {  	v19 =	vld [tilespmem:s26+$0x44F0];
	v29 =	vsub.f32 v14, v14;
	v14 =	vimm.f32 $0.0e+00;
	v32 =	vadd.f32 v8, v2  }
0xf6: {  	s29 =	simm.s32 $0x0;
	s2 =	simm.s32 $0x100;
	s0 =	simm.s32 $0x200;
	v33 =	vld [tilespmem:s26+$0x4130];
	v8 =	vadd.f32 v4, v5;
	v5 =	vimm.f32 $0.0e+00;
	v4 =	vimm.f32 $0.0e+00  }
.LBB2_8:
0xf7: {  	s3 =	sand.u32 $0x3800, s0;
	s20 =	sand.u32 $0x300, s2;
	s29 =	sadd.s32 $0x2, s29;
	v20 =	vsub.f32 v20, v20;
	v28 =	vsub.f32 v28, v28;
	v34 =	vld [tilespmem:s26+$0x4570]  }
0xf8: {  	v32 =	vadd.f32 v27, v32;
	p2 =	slt.u32 s29, $0x3E;
	v35 =	vld [tilespmem:s26+$0x4100];
	s26 =	sor.u32 s20, s3;
	v26 =	vsub.f32 v26, v26  }
0xf9: {  	v21 =	vadd.f32 v31, v21;
	v22 =	vadd.f32 v29, v22;
	v27 =	vld [tilespmem:s26+$0x4550]  }
0xfa: {  	v10 =	vadd.f32 v28, v10;
	v29 =	vld [tilespmem:s26+$0x4560];
	v28 =	vsub.f32 v30, v30  }
0xfb: {  	v24 =	vadd.f32 v26, v24;
	v30 =	vld [tilespmem:s26+$0x4110];
	v31 =	vsub.f32 v33, v33  }
0xfc: {  	v2 =	vadd.f32 v17, v2;
	v26 =	vld [tilespmem:s26+$0x44D0];
	v17 =	vsub.f32 v34, v34  }
0xfd: {  	v6 =	vadd.f32 v28, v6;
	v33 =	vld [tilespmem:s26+$0x4090];
	v34 =	vsub.f32 v35, v35  }
0xfe: {  	v19 =	vsub.f32 v19, v19;
	v2 =	vadd.f32 v31, v2;
	v28 =	vld [tilespmem:s26+$0x44C0]  }
0xff: {  	v15 =	vsub.f32 v15, v15;
	v18 =	vadd.f32 v20, v18;
	v31 =	vld [tilespmem:s26+$0x44B0]  }
0x100: {  	v9 =	vadd.f32 v9, v11;
	v29 =	vsub.f32 v29, v29;
	v20 =	vld [tilespmem:s26+$0x44A0]  }
0x101: {  	v5 =	vadd.f32 v15, v5;
	v4 =	vadd.f32 v19, v4;
	v35 =	vld [tilespmem:s26+$0x4490]  }
0x102: {  	v11 =	vadd.f32 v25, v13;
	v19 =	vsub.f32 v30, v30;
	v15 =	vld [tilespmem:s26+$0x4480]  }
0x103: {  	v4 =	vadd.f32 v17, v4;
	v25 =	vsub.f32 v33, v33;
	v30 =	vld [tilespmem:s26+$0x40F0]  }
0x104: {  	v13 =	vadd.f32 v16, v11;
	v5 =	vadd.f32 v1, v5;
	v1 =	vmov v29;
	v33 =	vld [tilespmem:s26+$0x40D0]  }
0x105: {  	v14 =	vadd.f32 v23, v14;
	v16 =	vsub.f32 v20, v20;
	v17 =	vld [tilespmem:s26+$0x4120]  }
0x106: {  	v11 =	vadd.f32 v7, v9;
	v3 =	vadd.f32 v25, v3;
	v20 =	vld [tilespmem:s26+$0x40A0]  }
0x107: {  	v14 =	vadd.f32 v34, v14;
	v9 =	vsub.f32 v35, v35;
	v7 =	vld [tilespmem:s26+$0x40C0]  }
0x108: {  	v3 =	vadd.f32 v19, v3;
	v15 =	vsub.f32 v15, v15;
	v23 =	vld [tilespmem:s26+$0x40B0]  }
0x109: {  	v6 =	vadd.f32 v16, v6;
	v10 =	vadd.f32 v9, v10;
	v16 =	vld [tilespmem:s26+$0x4530]  }
0x10a: {  	v25 =	vsub.f32 v28, v28;
	v19 =	vsub.f32 v17, v17;
	v28 =	vld [tilespmem:s26+$0x4160]  }
0x10b: {  	v29 =	vsub.f32 v20, v20;
	v20 =	vsub.f32 v26, v26;
	v26 =	vld [tilespmem:s26+$0x4140]  }
0x10c: {  	v9 =	vsub.f32 v31, v31;
	v7 =	vsub.f32 v7, v7;
	v31 =	vld [tilespmem:s26+$0x4150]  }
0x10d: {  	v17 =	vsub.f32 v23, v23;
	v8 =	vadd.f32 v20, v8;
	v20 =	vld [tilespmem:s26+$0x4170]  }
0x10e: {  	v34 =	vsub.f32 v27, v27;
	v12 =	vadd.f32 v29, v12;
	v23 =	vld [tilespmem:s26+$0x4080]  }
0x10f: {  	v21 =	vadd.f32 v7, v21;
	v7 =	vsub.f32 v16, v16;
	v29 =	vld [tilespmem:s26+$0x4500]  }
0x110: {  	v33 =	vsub.f32 v33, v33;
	v16 =	vsub.f32 v30, v30;
	v35 =	vld [tilespmem:s26+$0x40E0]  }
0x111: {  	v22 =	vadd.f32 v15, v22;
	v15 =	vld [tilespmem:s26+$0x44E0];
	v27 =	vsub.f32 v31, v31  }
.Ltmp7:
0x112: {  	v18 =	vadd.f32 v16, v18;
	v16 =	vsub.f32 v28, v28;
	v28 =	vld [tilespmem:s26+$0x4510];
	(pc) =	sbr.rel @p2 .LBB2_8-.Ltmp7, $4  }
0x113: {  	v12 =	vadd.f32 v19, v12;
	v31 =	vsub.f32 v26, v26;
	v26 =	vld [tilespmem:s26+$0x4540]  }
0x114: {  	v32 =	vadd.f32 v33, v32;
	v19 =	vld [tilespmem:s26+$0x44F0];
	v29 =	vsub.f32 v29, v29  }
0x115: {  	v24 =	vadd.f32 v25, v24;
	v8 =	vadd.f32 v34, v8;
	v30 =	vld [tilespmem:s26+$0x4520]  }
0x116: {  	s2 =	sadd.s32 $0x100, s2;
	s0 =	sadd.s32 $0x200, s0;
	v23 =	vsub.f32 v23, v23;
	v25 =	vsub.f32 v35, v35;
	v33 =	vld [tilespmem:s26+$0x4130]  }
0x117: {  	v34 =	vld [tilespmem:s26+$0x4100];
	_ =	sdelay $0x4  }
0x118: {  	v14 =	vadd.f32 v23, v14;
	v34 =	vsub.f32 v34, v34;
	_ =	sdelay $0x1  }
0x119: {  	v14 =	vadd.f32 v34, v14  }
0x11a: {  	v2 =	vadd.f32 v17, v2  }
0x11b: {  	v53 =	vsub.f32 v33, v33;
	v3 =	vadd.f32 v3, v14;
	_ =	sdelay $0x1  }
0x11c: {  	v2 =	vadd.f32 v53, v2;
	v3 =	vadd.f32 v12, v3;
	_ =	sdelay $0x1  }
0x11d: {  	v54 =	vadd.f32 v31, v21;
	v2 =	vadd.f32 v2, v3  }
0x11e: {  	v13 =	vadd.f32 v25, v13  }
0x11f: {  	v3 =	vadd.f32 v27, v32;
	v2 =	vadd.f32 v54, v2  }
0x120: {  	v55 =	vsub.f32 v20, v20  }
0x121: {  	v13 =	vadd.f32 v16, v13;
	v2 =	vadd.f32 v3, v2;
	_ =	sdelay $0x1  }
0x122: {  	v3 =	vadd.f32 v55, v18;
	v2 =	vadd.f32 v13, v2  }
0x123: {  	v56 =	vsub.f32 v28, v28  }
0x124: {  	v57 =	vadd.f32 v29, v22;
	v2 =	vadd.f32 v3, v2  }
0x125: {  	v10 =	vadd.f32 v56, v10  }
0x126: {  	v3 =	vsub.f32 v30, v30;
	v2 =	vadd.f32 v57, v2  }
0x127: {  	v58 =	vadd.f32 v9, v11  }
0x128: {  	v3 =	vadd.f32 v3, v6;
	v2 =	vadd.f32 v10, v2  }
0x129: {  	v59 =	vsub.f32 v26, v26  }
0x12a: {  	v6 =	vadd.f32 v7, v58;
	v2 =	vadd.f32 v3, v2  }
0x12b: {  	v60 =	vld [tilespmem:s26+$0x4570];
	v61 =	vsub.f32 v15, v15  }
0x12c: {  	v3 =	vadd.f32 v59, v24;
	v2 =	vadd.f32 v6, v2  }
0x12d: {  	v62 =	vsub.f32 v19, v19;
	v5 =	vadd.f32 v61, v5  }
0x12e: {  	v2 =	vadd.f32 v3, v2  }
0x12f: {  	v4 =	vadd.f32 v62, v4;
	v1 =	vadd.f32 v1, v5  }
0x130: {  	v3 =	vsub.f32 v60, v60;
	v2 =	vadd.f32 v8, v2  }
0x131: {  	v63 =	vld [tilespmem:$0x10080]  }
0x132: {  	v3 =	vadd.f32 v3, v4;
	v1 =	vadd.f32 v1, v2;
	_ =	sdelay $0x1  }
0x133: {  	v1 =	vadd.f32 v3, v1;
	_ =	sdelay $0x1  }
0x134: {  	v1 =	vadd.f32 v63, v1;
	_ =	sdelay $0x1  }
0x135: {  	[tilespmem:$0x10080] =	vst v1  }
.LBB2_10:
0x136: {  	s0 =	sld @!p1 [smem:s30+$0x0];
	_ =	sdelay $0x1  }
0x137: {  	s2 =	sor.u32 @!p1 $0x800, s31  }
0x138: {  	p2 =	sge.s32 @!p1 s2, s0  }
0x139: {  	p2 =	por p2, p1  }
0x13a: {  	s30 =	sadd.s32 s23, s12;
	s0 =	sshll.u32 @!p2 s28, $0x10  }
0x13b: {  	s31 =	sld [smem:s24+$0x1];
	s2 =	sshll.u32 @!p2 s2, $0x5;
	s0 =	sadd.s32 @!p2 s1, s0  }
0x13c: {  	s3 =	simm.s32 @!p2 $0x4080;
	s0 =	sadd.s32 @!p2 s2, s0;
	s2 =	simm.s32 @!p2 $0x0  }
0x13d: {  	[tilespmem:s3], [sflag:$0x2] =	stream.linear.gather @!p2 [hbm4b:s0+s2], $0x4000, $0x38;
	[tilespmem:$0x10100] =	vst v63  }
0x13e: {  	s0 =	sshll.u32 s30, $0x6  }
0x13f: {  	s0 =	sand.u32 $0x7C0, s0  }
0x140: {  	p2 =	sge.s32 s0, s31  }
.Ltmp8:
0x141: {  	_ = 	snop;
	(pc) =	sbr.rel @p2 .LBB2_14-.Ltmp8, $1  }
0x142: {  	_ =	sdelay $0x3  }
0x143: {  	_ =	swait.ge [sflag:s18], $0x4000;
	s0 =	simm.s32 $0x0  }
0x144: {  	[sflag:s18] =	ssyncset.done $0x0;
	s2 =	sand.u32 $0x3800, s0;
	s0 =	sand.u32 $0x300, s0  }
0x145: {  	[sflag:s18] =	ssyncadd.s32 $0xFFFFC000;
	s23 =	sor.u32 s0, s2  }
0x146: {  	v4 =	vld [tilespmem:s23+$0x8550]  }
0x147: {  	v1 =	vld [tilespmem:s23+$0x8560]  }
0x148: {  	v3 =	vld [tilespmem:s23+$0x8110]  }
0x149: {  	v5 =	vld [tilespmem:s23+$0x84D0]  }
0x14a: {  	v2 =	vld [tilespmem:s23+$0x8090]  }
0x14b: {  	v7 =	vld [tilespmem:s23+$0x84C0]  }
0x14c: {  	v6 =	vld [tilespmem:s23+$0x84A0]  }
0x14d: {  	v8 =	vld [tilespmem:s23+$0x8490]  }
0x14e: {  	v9 =	vld [tilespmem:s23+$0x8480]  }
0x14f: {  	v11 =	vld [tilespmem:s23+$0x84B0]  }
0x150: {  	v12 =	vld [tilespmem:s23+$0x8120]  }
0x151: {  	v13 =	vld [tilespmem:s23+$0x80A0]  }
0x152: {  	v14 =	vld [tilespmem:s23+$0x80C0];
	v10 =	vsub.f32 v2, v2  }
0x153: {  	v15 =	vld [tilespmem:s23+$0x80B0];
	v1 =	vsub.f32 v1, v1;
	v3 =	vsub.f32 v3, v3  }
0x154: {  	v18 =	vld [tilespmem:s23+$0x80F0];
	v8 =	vsub.f32 v8, v8;
	v6 =	vsub.f32 v6, v6  }
0x155: {  	v24 =	vld [tilespmem:s23+$0x8140];
	v16 =	vsub.f32 v9, v9;
	v19 =	vsub.f32 v7, v7  }
0x156: {  	v12 =	vsub.f32 v12, v12;
	v13 =	vsub.f32 v13, v13  }
0x157: {  	v23 =	vld [tilespmem:s23+$0x8160];
	v5 =	vsub.f32 v5, v5;
	v14 =	vsub.f32 v14, v14  }
0x158: {  	v20 =	vld [tilespmem:s23+$0x8170];
	v9 =	vsub.f32 v11, v11;
	v17 =	vsub.f32 v15, v15  }
0x159: {  	v25 =	vld [tilespmem:s23+$0x8080];
	v2 =	vimm.f32 $0.0e+00;
	v4 =	vsub.f32 v4, v4;
	v15 =	vsub.f32 v18, v18  }
0x15a: {  	v33 =	vld [tilespmem:s23+$0x80E0];
	v31 =	vsub.f32 v24, v24;
	v10 =	vadd.f32 v10, v2  }
0x15b: {  	v7 =	vld [tilespmem:s23+$0x8530];
	v6 =	vadd.f32 v6, v2;
	v5 =	vadd.f32 v5, v2  }
0x15c: {  	v3 =	vadd.f32 v3, v10;
	v10 =	vadd.f32 v8, v2;
	v8 =	vld [tilespmem:s23+$0x80D0]  }
0x15d: {  	v11 =	vld [tilespmem:s23+$0x8150];
	v13 =	vadd.f32 v13, v2;
	v21 =	vadd.f32 v14, v2  }
0x15e: {  	v14 =	vld [tilespmem:s23+$0x8500];
	v22 =	vadd.f32 v16, v2;
	v18 =	vadd.f32 v15, v2  }
0x15f: {  	v28 =	vld [tilespmem:s23+$0x8510];
	v16 =	vsub.f32 v23, v23;
	v24 =	vadd.f32 v19, v2  }
0x160: {  	v26 =	vld [tilespmem:s23+$0x8540];
	v23 =	vsub.f32 v25, v25;
	v25 =	vsub.f32 v33, v33  }
0x161: {  	v30 =	vld [tilespmem:s23+$0x8520];
	v12 =	vadd.f32 v12, v13;
	v13 =	vimm.f32 $0.0e+00;
	v8 =	vsub.f32 v8, v8  }
0x162: {  	v15 =	vld [tilespmem:s23+$0x84E0];
	v7 =	vsub.f32 v7, v7;
	v27 =	vsub.f32 v11, v11;
	v11 =	vimm.f32 $0.0e+00  }
0x163: {  	v19 =	vld [tilespmem:s23+$0x84F0];
	v29 =	vsub.f32 v14, v14;
	v14 =	vimm.f32 $0.0e+00;
	v32 =	vadd.f32 v8, v2  }
0x164: {  	s24 =	simm.s32 $0x0;
	s2 =	simm.s32 $0x100;
	s0 =	simm.s32 $0x200;
	v33 =	vld [tilespmem:s23+$0x8130];
	v8 =	vadd.f32 v4, v5;
	v5 =	vimm.f32 $0.0e+00;
	v4 =	vimm.f32 $0.0e+00  }
.LBB2_12:
0x165: {  	s3 =	sand.u32 $0x3800, s0;
	s20 =	sand.u32 $0x300, s2;
	s24 =	sadd.s32 $0x2, s24;
	v20 =	vsub.f32 v20, v20;
	v28 =	vsub.f32 v28, v28;
	v34 =	vld [tilespmem:s23+$0x8570]  }
0x166: {  	v32 =	vadd.f32 v27, v32;
	p2 =	slt.u32 s24, $0x3E;
	v35 =	vld [tilespmem:s23+$0x8100];
	s23 =	sor.u32 s20, s3;
	v26 =	vsub.f32 v26, v26  }
0x167: {  	v21 =	vadd.f32 v31, v21;
	v22 =	vadd.f32 v29, v22;
	v27 =	vld [tilespmem:s23+$0x8550]  }
0x168: {  	v10 =	vadd.f32 v28, v10;
	v29 =	vld [tilespmem:s23+$0x8560];
	v28 =	vsub.f32 v30, v30  }
0x169: {  	v24 =	vadd.f32 v26, v24;
	v30 =	vld [tilespmem:s23+$0x8110];
	v31 =	vsub.f32 v33, v33  }
0x16a: {  	v2 =	vadd.f32 v17, v2;
	v26 =	vld [tilespmem:s23+$0x84D0];
	v17 =	vsub.f32 v34, v34  }
0x16b: {  	v6 =	vadd.f32 v28, v6;
	v33 =	vld [tilespmem:s23+$0x8090];
	v34 =	vsub.f32 v35, v35  }
0x16c: {  	v19 =	vsub.f32 v19, v19;
	v2 =	vadd.f32 v31, v2;
	v28 =	vld [tilespmem:s23+$0x84C0]  }
0x16d: {  	v15 =	vsub.f32 v15, v15;
	v18 =	vadd.f32 v20, v18;
	v31 =	vld [tilespmem:s23+$0x84B0]  }
0x16e: {  	v9 =	vadd.f32 v9, v11;
	v29 =	vsub.f32 v29, v29;
	v20 =	vld [tilespmem:s23+$0x84A0]  }
0x16f: {  	v5 =	vadd.f32 v15, v5;
	v4 =	vadd.f32 v19, v4;
	v35 =	vld [tilespmem:s23+$0x8490]  }
0x170: {  	v11 =	vadd.f32 v25, v13;
	v19 =	vsub.f32 v30, v30;
	v15 =	vld [tilespmem:s23+$0x8480]  }
0x171: {  	v4 =	vadd.f32 v17, v4;
	v25 =	vsub.f32 v33, v33;
	v30 =	vld [tilespmem:s23+$0x80F0]  }
0x172: {  	v13 =	vadd.f32 v16, v11;
	v5 =	vadd.f32 v1, v5;
	v1 =	vmov v29;
	v33 =	vld [tilespmem:s23+$0x80D0]  }
0x173: {  	v14 =	vadd.f32 v23, v14;
	v16 =	vsub.f32 v20, v20;
	v17 =	vld [tilespmem:s23+$0x8120]  }
0x174: {  	v11 =	vadd.f32 v7, v9;
	v3 =	vadd.f32 v25, v3;
	v20 =	vld [tilespmem:s23+$0x80A0]  }
0x175: {  	v14 =	vadd.f32 v34, v14;
	v9 =	vsub.f32 v35, v35;
	v7 =	vld [tilespmem:s23+$0x80C0]  }
0x176: {  	v3 =	vadd.f32 v19, v3;
	v15 =	vsub.f32 v15, v15;
	v23 =	vld [tilespmem:s23+$0x80B0]  }
0x177: {  	v6 =	vadd.f32 v16, v6;
	v10 =	vadd.f32 v9, v10;
	v16 =	vld [tilespmem:s23+$0x8530]  }
0x178: {  	v25 =	vsub.f32 v28, v28;
	v19 =	vsub.f32 v17, v17;
	v28 =	vld [tilespmem:s23+$0x8160]  }
0x179: {  	v29 =	vsub.f32 v20, v20;
	v20 =	vsub.f32 v26, v26;
	v26 =	vld [tilespmem:s23+$0x8140]  }
0x17a: {  	v9 =	vsub.f32 v31, v31;
	v7 =	vsub.f32 v7, v7;
	v31 =	vld [tilespmem:s23+$0x8150]  }
0x17b: {  	v17 =	vsub.f32 v23, v23;
	v8 =	vadd.f32 v20, v8;
	v20 =	vld [tilespmem:s23+$0x8170]  }
0x17c: {  	v34 =	vsub.f32 v27, v27;
	v12 =	vadd.f32 v29, v12;
	v23 =	vld [tilespmem:s23+$0x8080]  }
0x17d: {  	v21 =	vadd.f32 v7, v21;
	v7 =	vsub.f32 v16, v16;
	v29 =	vld [tilespmem:s23+$0x8500]  }
0x17e: {  	v33 =	vsub.f32 v33, v33;
	v16 =	vsub.f32 v30, v30;
	v35 =	vld [tilespmem:s23+$0x80E0]  }
0x17f: {  	v22 =	vadd.f32 v15, v22;
	v15 =	vld [tilespmem:s23+$0x84E0];
	v27 =	vsub.f32 v31, v31  }
.Ltmp9:
0x180: {  	v18 =	vadd.f32 v16, v18;
	v16 =	vsub.f32 v28, v28;
	v28 =	vld [tilespmem:s23+$0x8510];
	(pc) =	sbr.rel @p2 .LBB2_12-.Ltmp9, $4  }
0x181: {  	v12 =	vadd.f32 v19, v12;
	v31 =	vsub.f32 v26, v26;
	v26 =	vld [tilespmem:s23+$0x8540]  }
0x182: {  	v32 =	vadd.f32 v33, v32;
	v19 =	vld [tilespmem:s23+$0x84F0];
	v29 =	vsub.f32 v29, v29  }
0x183: {  	v24 =	vadd.f32 v25, v24;
	v8 =	vadd.f32 v34, v8;
	v30 =	vld [tilespmem:s23+$0x8520]  }
0x184: {  	s2 =	sadd.s32 $0x100, s2;
	s0 =	sadd.s32 $0x200, s0;
	v23 =	vsub.f32 v23, v23;
	v25 =	vsub.f32 v35, v35;
	v33 =	vld [tilespmem:s23+$0x8130]  }
0x185: {  	v34 =	vld [tilespmem:s23+$0x8100];
	_ =	sdelay $0x4  }
0x186: {  	v14 =	vadd.f32 v23, v14;
	v34 =	vsub.f32 v34, v34;
	_ =	sdelay $0x1  }
0x187: {  	v14 =	vadd.f32 v34, v14  }
0x188: {  	v2 =	vadd.f32 v17, v2  }
0x189: {  	v53 =	vsub.f32 v33, v33;
	v3 =	vadd.f32 v3, v14;
	_ =	sdelay $0x1  }
0x18a: {  	v2 =	vadd.f32 v53, v2;
	v3 =	vadd.f32 v12, v3;
	_ =	sdelay $0x1  }
0x18b: {  	v54 =	vadd.f32 v31, v21;
	v2 =	vadd.f32 v2, v3  }
0x18c: {  	v13 =	vadd.f32 v25, v13  }
0x18d: {  	v3 =	vadd.f32 v27, v32;
	v2 =	vadd.f32 v54, v2  }
0x18e: {  	v55 =	vsub.f32 v20, v20  }
0x18f: {  	v13 =	vadd.f32 v16, v13;
	v2 =	vadd.f32 v3, v2;
	_ =	sdelay $0x1  }
0x190: {  	v3 =	vadd.f32 v55, v18;
	v2 =	vadd.f32 v13, v2  }
0x191: {  	v56 =	vsub.f32 v28, v28  }
0x192: {  	v57 =	vadd.f32 v29, v22;
	v2 =	vadd.f32 v3, v2  }
0x193: {  	v10 =	vadd.f32 v56, v10  }
0x194: {  	v3 =	vsub.f32 v30, v30;
	v2 =	vadd.f32 v57, v2  }
0x195: {  	v58 =	vadd.f32 v9, v11  }
0x196: {  	v3 =	vadd.f32 v3, v6;
	v2 =	vadd.f32 v10, v2  }
0x197: {  	v59 =	vsub.f32 v26, v26  }
0x198: {  	v6 =	vadd.f32 v7, v58;
	v2 =	vadd.f32 v3, v2  }
0x199: {  	v60 =	vld [tilespmem:s23+$0x8570];
	v61 =	vsub.f32 v15, v15  }
0x19a: {  	v3 =	vadd.f32 v59, v24;
	v2 =	vadd.f32 v6, v2  }
0x19b: {  	v62 =	vsub.f32 v19, v19;
	v5 =	vadd.f32 v61, v5  }
0x19c: {  	v2 =	vadd.f32 v3, v2  }
0x19d: {  	v4 =	vadd.f32 v62, v4;
	v1 =	vadd.f32 v1, v5  }
0x19e: {  	v3 =	vsub.f32 v60, v60;
	v2 =	vadd.f32 v8, v2  }
0x19f: {  	v63 =	vld [tilespmem:$0x10080]  }
0x1a0: {  	v3 =	vadd.f32 v3, v4;
	v1 =	vadd.f32 v1, v2;
	_ =	sdelay $0x1  }
0x1a1: {  	v1 =	vadd.f32 v3, v1;
	_ =	sdelay $0x1  }
0x1a2: {  	v1 =	vadd.f32 v63, v1;
	_ =	sdelay $0x1  }
0x1a3: {  	[tilespmem:$0x10080] =	vst v1  }
.LBB2_14:
0x1a4: {  	s0 =	sadd.s32 $0x6, s25  }
0x1a5: {  	s2 =	sshrl.u32 @!p1 s0, $0x1  }
0x1a6: {  	s3 =	smul.u32 @!p1 $0x7, s2;
	_ =	sdelay $0x1  }
0x1a7: {  	s2 =	sld @!p1 [smem:s2+$0x0];
	s3 =	sadd.s32 @!p1 s5, s3  }
0x1a8: {  	s3 =	sshll.u32 @!p1 s3, $0x6  }
0x1a9: {  	s3 =	sand.u32 @!p1 $0x7C0, s3  }
0x1aa: {  	p2 =	sge.s32 @!p1 s3, s2  }
.Ltmp10:
0x1ab: {  	p1 =	por p2, p1;
	(pc) =	sbr.rel @p0 .LBB2_18-.Ltmp10, $4  }
0x1ac: {  	s0 =	sshll.u32 @!p1 s0, $0x10  }
0x1ad: {  	s2 =	sshll.u32 @!p1 s3, $0x5;
	s0 =	sadd.s32 @!p1 s1, s0  }
0x1ae: {  	s3 =	simm.s32 @!p1 $0x8080;
	s0 =	sadd.s32 @!p1 s2, s0;
	s2 =	simm.s32 @!p1 $0x0  }
0x1af: {  	[tilespmem:s3], [sflag:$0x3] =	stream.linear.gather @!p1 [hbm4b:s0+s2], $0x4000, $0x38;
	[tilespmem:$0x10100] =	vst v63  }
0x1b0: {  	_ =	swait.ge [sflag:s19], $0x4000;
	s0 =	simm.s32 $0x0  }
0x1b1: {  	[sflag:s19] =	ssyncset.done $0x0;
	s2 =	sand.u32 $0x3800, s0;
	s0 =	sand.u32 $0x300, s0  }
0x1b2: {  	[sflag:s19] =	ssyncadd.s32 $0xFFFFC000;
	s23 =	sor.u32 s0, s2  }
0x1b3: {  	v4 =	vld [tilespmem:s23+$0xC550]  }
0x1b4: {  	v1 =	vld [tilespmem:s23+$0xC560]  }
0x1b5: {  	v3 =	vld [tilespmem:s23+$0xC110]  }
0x1b6: {  	v5 =	vld [tilespmem:s23+$0xC4D0]  }
0x1b7: {  	v2 =	vld [tilespmem:s23+$0xC090]  }
0x1b8: {  	v7 =	vld [tilespmem:s23+$0xC4C0]  }
0x1b9: {  	v6 =	vld [tilespmem:s23+$0xC4A0]  }
0x1ba: {  	v8 =	vld [tilespmem:s23+$0xC490]  }
0x1bb: {  	v9 =	vld [tilespmem:s23+$0xC480]  }
0x1bc: {  	v11 =	vld [tilespmem:s23+$0xC4B0]  }
0x1bd: {  	v12 =	vld [tilespmem:s23+$0xC120]  }
0x1be: {  	v13 =	vld [tilespmem:s23+$0xC0A0]  }
0x1bf: {  	v14 =	vld [tilespmem:s23+$0xC0C0];
	v10 =	vsub.f32 v2, v2  }
0x1c0: {  	v15 =	vld [tilespmem:s23+$0xC0B0];
	v1 =	vsub.f32 v1, v1;
	v3 =	vsub.f32 v3, v3  }
0x1c1: {  	v18 =	vld [tilespmem:s23+$0xC0F0];
	v8 =	vsub.f32 v8, v8;
	v6 =	vsub.f32 v6, v6  }
0x1c2: {  	v24 =	vld [tilespmem:s23+$0xC140];
	v16 =	vsub.f32 v9, v9;
	v19 =	vsub.f32 v7, v7  }
0x1c3: {  	v12 =	vsub.f32 v12, v12;
	v13 =	vsub.f32 v13, v13  }
0x1c4: {  	v23 =	vld [tilespmem:s23+$0xC160];
	v5 =	vsub.f32 v5, v5;
	v14 =	vsub.f32 v14, v14  }
0x1c5: {  	v20 =	vld [tilespmem:s23+$0xC170];
	v9 =	vsub.f32 v11, v11;
	v17 =	vsub.f32 v15, v15  }
0x1c6: {  	v25 =	vld [tilespmem:s23+$0xC080];
	v2 =	vimm.f32 $0.0e+00;
	v4 =	vsub.f32 v4, v4;
	v15 =	vsub.f32 v18, v18  }
0x1c7: {  	v33 =	vld [tilespmem:s23+$0xC0E0];
	v31 =	vsub.f32 v24, v24;
	v10 =	vadd.f32 v10, v2  }
0x1c8: {  	v7 =	vld [tilespmem:s23+$0xC530];
	v6 =	vadd.f32 v6, v2;
	v5 =	vadd.f32 v5, v2  }
0x1c9: {  	v3 =	vadd.f32 v3, v10;
	v10 =	vadd.f32 v8, v2;
	v8 =	vld [tilespmem:s23+$0xC0D0]  }
0x1ca: {  	v11 =	vld [tilespmem:s23+$0xC150];
	v13 =	vadd.f32 v13, v2;
	v21 =	vadd.f32 v14, v2  }
0x1cb: {  	v14 =	vld [tilespmem:s23+$0xC500];
	v22 =	vadd.f32 v16, v2;
	v18 =	vadd.f32 v15, v2  }
0x1cc: {  	v28 =	vld [tilespmem:s23+$0xC510];
	v16 =	vsub.f32 v23, v23;
	v24 =	vadd.f32 v19, v2  }
0x1cd: {  	v26 =	vld [tilespmem:s23+$0xC540];
	v23 =	vsub.f32 v25, v25;
	v25 =	vsub.f32 v33, v33  }
0x1ce: {  	v30 =	vld [tilespmem:s23+$0xC520];
	v12 =	vadd.f32 v12, v13;
	v13 =	vimm.f32 $0.0e+00;
	v8 =	vsub.f32 v8, v8  }
0x1cf: {  	v15 =	vld [tilespmem:s23+$0xC4E0];
	v7 =	vsub.f32 v7, v7;
	v27 =	vsub.f32 v11, v11;
	v11 =	vimm.f32 $0.0e+00  }
0x1d0: {  	v19 =	vld [tilespmem:s23+$0xC4F0];
	v29 =	vsub.f32 v14, v14;
	v14 =	vimm.f32 $0.0e+00;
	v32 =	vadd.f32 v8, v2  }
0x1d1: {  	s24 =	simm.s32 $0x0;
	s2 =	simm.s32 $0x100;
	s0 =	simm.s32 $0x200;
	v33 =	vld [tilespmem:s23+$0xC130];
	v8 =	vadd.f32 v4, v5;
	v5 =	vimm.f32 $0.0e+00;
	v4 =	vimm.f32 $0.0e+00  }
.LBB2_16:
0x1d2: {  	s3 =	sand.u32 $0x3800, s0;
	s20 =	sand.u32 $0x300, s2;
	s24 =	sadd.s32 $0x2, s24;
	v20 =	vsub.f32 v20, v20;
	v28 =	vsub.f32 v28, v28;
	v34 =	vld [tilespmem:s23+$0xC570]  }
0x1d3: {  	v32 =	vadd.f32 v27, v32;
	p0 =	slt.u32 s24, $0x3E;
	v35 =	vld [tilespmem:s23+$0xC100];
	s23 =	sor.u32 s20, s3;
	v26 =	vsub.f32 v26, v26  }
0x1d4: {  	v21 =	vadd.f32 v31, v21;
	v22 =	vadd.f32 v29, v22;
	v27 =	vld [tilespmem:s23+$0xC550]  }
0x1d5: {  	v10 =	vadd.f32 v28, v10;
	v29 =	vld [tilespmem:s23+$0xC560];
	v28 =	vsub.f32 v30, v30  }
0x1d6: {  	v24 =	vadd.f32 v26, v24;
	v30 =	vld [tilespmem:s23+$0xC110];
	v31 =	vsub.f32 v33, v33  }
0x1d7: {  	v2 =	vadd.f32 v17, v2;
	v26 =	vld [tilespmem:s23+$0xC4D0];
	v17 =	vsub.f32 v34, v34  }
0x1d8: {  	v6 =	vadd.f32 v28, v6;
	v33 =	vld [tilespmem:s23+$0xC090];
	v34 =	vsub.f32 v35, v35  }
0x1d9: {  	v19 =	vsub.f32 v19, v19;
	v2 =	vadd.f32 v31, v2;
	v28 =	vld [tilespmem:s23+$0xC4C0]  }
0x1da: {  	v15 =	vsub.f32 v15, v15;
	v18 =	vadd.f32 v20, v18;
	v31 =	vld [tilespmem:s23+$0xC4B0]  }
0x1db: {  	v9 =	vadd.f32 v9, v11;
	v29 =	vsub.f32 v29, v29;
	v20 =	vld [tilespmem:s23+$0xC4A0]  }
0x1dc: {  	v5 =	vadd.f32 v15, v5;
	v4 =	vadd.f32 v19, v4;
	v35 =	vld [tilespmem:s23+$0xC490]  }
0x1dd: {  	v11 =	vadd.f32 v25, v13;
	v19 =	vsub.f32 v30, v30;
	v15 =	vld [tilespmem:s23+$0xC480]  }
0x1de: {  	v4 =	vadd.f32 v17, v4;
	v25 =	vsub.f32 v33, v33;
	v30 =	vld [tilespmem:s23+$0xC0F0]  }
0x1df: {  	v13 =	vadd.f32 v16, v11;
	v5 =	vadd.f32 v1, v5;
	v1 =	vmov v29;
	v33 =	vld [tilespmem:s23+$0xC0D0]  }
0x1e0: {  	v14 =	vadd.f32 v23, v14;
	v16 =	vsub.f32 v20, v20;
	v17 =	vld [tilespmem:s23+$0xC120]  }
0x1e1: {  	v11 =	vadd.f32 v7, v9;
	v3 =	vadd.f32 v25, v3;
	v20 =	vld [tilespmem:s23+$0xC0A0]  }
0x1e2: {  	v14 =	vadd.f32 v34, v14;
	v9 =	vsub.f32 v35, v35;
	v7 =	vld [tilespmem:s23+$0xC0C0]  }
0x1e3: {  	v3 =	vadd.f32 v19, v3;
	v15 =	vsub.f32 v15, v15;
	v23 =	vld [tilespmem:s23+$0xC0B0]  }
0x1e4: {  	v6 =	vadd.f32 v16, v6;
	v10 =	vadd.f32 v9, v10;
	v16 =	vld [tilespmem:s23+$0xC530]  }
0x1e5: {  	v25 =	vsub.f32 v28, v28;
	v19 =	vsub.f32 v17, v17;
	v28 =	vld [tilespmem:s23+$0xC160]  }
0x1e6: {  	v29 =	vsub.f32 v20, v20;
	v20 =	vsub.f32 v26, v26;
	v26 =	vld [tilespmem:s23+$0xC140]  }
0x1e7: {  	v9 =	vsub.f32 v31, v31;
	v7 =	vsub.f32 v7, v7;
	v31 =	vld [tilespmem:s23+$0xC150]  }
0x1e8: {  	v17 =	vsub.f32 v23, v23;
	v8 =	vadd.f32 v20, v8;
	v20 =	vld [tilespmem:s23+$0xC170]  }
0x1e9: {  	v34 =	vsub.f32 v27, v27;
	v12 =	vadd.f32 v29, v12;
	v23 =	vld [tilespmem:s23+$0xC080]  }
0x1ea: {  	v21 =	vadd.f32 v7, v21;
	v7 =	vsub.f32 v16, v16;
	v29 =	vld [tilespmem:s23+$0xC500]  }
0x1eb: {  	v33 =	vsub.f32 v33, v33;
	v16 =	vsub.f32 v30, v30;
	v35 =	vld [tilespmem:s23+$0xC0E0]  }
0x1ec: {  	v22 =	vadd.f32 v15, v22;
	v15 =	vld [tilespmem:s23+$0xC4E0];
	v27 =	vsub.f32 v31, v31  }
.Ltmp11:
0x1ed: {  	v18 =	vadd.f32 v16, v18;
	v16 =	vsub.f32 v28, v28;
	v28 =	vld [tilespmem:s23+$0xC510];
	(pc) =	sbr.rel @p0 .LBB2_16-.Ltmp11, $4  }
0x1ee: {  	v12 =	vadd.f32 v19, v12;
	v31 =	vsub.f32 v26, v26;
	v26 =	vld [tilespmem:s23+$0xC540]  }
0x1ef: {  	v32 =	vadd.f32 v33, v32;
	v19 =	vld [tilespmem:s23+$0xC4F0];
	v29 =	vsub.f32 v29, v29  }
0x1f0: {  	v24 =	vadd.f32 v25, v24;
	v8 =	vadd.f32 v34, v8;
	v30 =	vld [tilespmem:s23+$0xC520]  }
0x1f1: {  	s2 =	sadd.s32 $0x100, s2;
	s0 =	sadd.s32 $0x200, s0;
	v23 =	vsub.f32 v23, v23;
	v25 =	vsub.f32 v35, v35;
	v33 =	vld [tilespmem:s23+$0xC130]  }
0x1f2: {  	v34 =	vld [tilespmem:s23+$0xC100];
	_ =	sdelay $0x4  }
0x1f3: {  	v14 =	vadd.f32 v23, v14;
	v34 =	vsub.f32 v34, v34;
	_ =	sdelay $0x1  }
0x1f4: {  	v14 =	vadd.f32 v34, v14  }
0x1f5: {  	v2 =	vadd.f32 v17, v2  }
0x1f6: {  	v53 =	vsub.f32 v33, v33;
	v3 =	vadd.f32 v3, v14;
	_ =	sdelay $0x1  }
0x1f7: {  	v2 =	vadd.f32 v53, v2;
	v3 =	vadd.f32 v12, v3;
	_ =	sdelay $0x1  }
0x1f8: {  	v54 =	vadd.f32 v31, v21;
	v2 =	vadd.f32 v2, v3  }
0x1f9: {  	v13 =	vadd.f32 v25, v13  }
0x1fa: {  	v3 =	vadd.f32 v27, v32;
	v2 =	vadd.f32 v54, v2  }
0x1fb: {  	v55 =	vsub.f32 v20, v20  }
0x1fc: {  	v13 =	vadd.f32 v16, v13;
	v2 =	vadd.f32 v3, v2;
	_ =	sdelay $0x1  }
0x1fd: {  	v3 =	vadd.f32 v55, v18;
	v2 =	vadd.f32 v13, v2  }
0x1fe: {  	v56 =	vsub.f32 v28, v28  }
0x1ff: {  	v57 =	vadd.f32 v29, v22;
	v2 =	vadd.f32 v3, v2  }
0x200: {  	v10 =	vadd.f32 v56, v10  }
0x201: {  	v3 =	vsub.f32 v30, v30;
	v2 =	vadd.f32 v57, v2  }
0x202: {  	v58 =	vadd.f32 v9, v11  }
0x203: {  	v3 =	vadd.f32 v3, v6;
	v2 =	vadd.f32 v10, v2  }
0x204: {  	v59 =	vsub.f32 v26, v26  }
0x205: {  	v6 =	vadd.f32 v7, v58;
	v2 =	vadd.f32 v3, v2  }
0x206: {  	v60 =	vld [tilespmem:s23+$0xC570];
	v61 =	vsub.f32 v15, v15  }
0x207: {  	v3 =	vadd.f32 v59, v24;
	v2 =	vadd.f32 v6, v2  }
0x208: {  	v62 =	vsub.f32 v19, v19;
	v5 =	vadd.f32 v61, v5  }
0x209: {  	v2 =	vadd.f32 v3, v2  }
0x20a: {  	v4 =	vadd.f32 v62, v4;
	v1 =	vadd.f32 v1, v5  }
0x20b: {  	v3 =	vsub.f32 v60, v60;
	v2 =	vadd.f32 v8, v2  }
0x20c: {  	v63 =	vld [tilespmem:$0x10080]  }
0x20d: {  	v3 =	vadd.f32 v3, v4;
	v1 =	vadd.f32 v1, v2;
	_ =	sdelay $0x1  }
.Ltmp12:
0x20e: {  	v1 =	vadd.f32 v3, v1;
	(pc) =	sbr.rel .LBB2_18-.Ltmp12, $3  }
0x20f: {  	_ = 	snop  }
0x210: {  	v1 =	vadd.f32 v63, v1;
	_ =	sdelay $0x1  }
0x211: {  	[tilespmem:$0x10080] =	vst v1  }
.LBB2_20:
0x212: {  	_ =	sfence.sel $0x180000  }
0x213: {  	[bflag:$0x0] =	sbarrier.arrive $0xFFFF  }
0x214: {  	_ =	strace $0x90000047  }
0x215: {  	s0 =	stileid.u32;
	[bflag:$0x2] =	sbarrier.arrive $0xFFFF  }
0x216: {  	p0 =	sne.s32 s0, $0x0;
	s0 =	rddreg [dreg:$0x3]  }
0x217: {  	s0 =	sadd.s32 @!p0 $0x100000, s0  }
0x218: {  	[sflag:s0] =	ssyncadd.tile.s32 @!p0 $0x1;
	_ =	shalt  }
.Lfunc_end2:
_tile_overlayer_lowered:
.L_overlay_start_2:
0x219: {  	(tag) =	ssettag $0x2  }
0x21a: {  	s0 =	rddreg [dreg:$0x0];
	s2 =	stileid.u32  }
0x21b: {  	s1 =	rddreg [dreg:$0x1];
	p0 =	sne.s32 s2, $0x0  }
0x21c: {  	s3 =	rddreg [dreg:$0x2];
	[bflag:$0x3] =	sbarrier.arrive $0xFFFF;
	s2 =	simm.s32 @!p0 $0x1C05  }
0x21d: {  	[timem:s3], [sflag:s2] =	dma.local @!p0 [hbm:s0], s1  }
0x21e: {  	s0 =	simm.s32 @!p0 $0x5  }
0x21f: {  	_ =	swait.ge @!p0 [sflag:s0], s1  }
0x220: {  	s1 =	ssub.s32 @!p0 $0x0, s1;
	[sflag:s0] =	ssyncset.done @!p0 $0x0  }
0x221: {  	[sflag:s0] =	ssyncadd.s32 @!p0 s1  }
0x222: {  	[bflag:$0x3] =	sbarrier.arrive $0xFFFF  }
0x223: {  	_ =	shalt  }

</sc_bundles>
